<compile_context>
chip_gen: v7x
topology: tpu7x:2x2x1
jax: 0.10.2.dev20260603
libtpu: 0.0.44.dev20260713+nightly
codegen_flags: <defaults>
</compile_context>

<pallas_src>
import functools

import jax
import jax.numpy as jnp
from jax import lax
from jax.experimental import pallas as pl
from jax.experimental.pallas import tpu as pltpu
from jax.experimental.pallas import tpu_sc as plsc

N_ATOMS = 10000
HIDDEN = 256
NUM_RADIAL = 6
CUTOFF = 8.0
MAX_NEIGH = 32
E_TOTAL = N_ATOMS * MAX_NEIGH

SC_WORKERS = 32
SC_CHUNK = 128
SC_CHUNKS_PER_W = 80
E_PAD = SC_WORKERS * SC_CHUNKS_PER_W * SC_CHUNK

R_EDGE = 80
R_MM = 400

R_GRAPH = 200
W_SEG = 384
C_WIN = 1024

_ENV_A = -28.0
_ENV_B = 48.0
_ENV_C = -21.0


def _sc_gather(table, idx_pad):
    mesh = plsc.VectorSubcoreMesh(core_axis_name="c", subcore_axis_name="s")

    @functools.partial(
        pl.kernel,
        mesh=mesh,
        out_type=jax.ShapeDtypeStruct((E_PAD, HIDDEN), jnp.float32),
        scratch_types=[
            pltpu.VMEM((SC_CHUNK,), jnp.int32),
            pltpu.VMEM((SC_CHUNK, HIDDEN), jnp.float32),
            pltpu.SemaphoreType.DMA,
        ],
    )
    def gather_kernel(table_hbm, idx_hbm, out_hbm, idx_v, rows_v, sem):
        wid = lax.axis_index("s") * 2 + lax.axis_index("c")

        def body(t, carry):
            base = (wid * SC_CHUNKS_PER_W + t) * SC_CHUNK
            pltpu.sync_copy(idx_hbm.at[pl.ds(base, SC_CHUNK)], idx_v)
            pltpu.async_copy(table_hbm.at[idx_v], rows_v, sem).wait()
            pltpu.sync_copy(rows_v, out_hbm.at[pl.ds(base, SC_CHUNK)])
            return carry

        lax.fori_loop(0, SC_CHUNKS_PER_W, body, 0)

    return gather_kernel(table, idx_pad)


def _proj_kernel(x, w):
    n, k = x.shape
    m = w.shape[1]

    def body(x_ref, w_ref, o_ref):
        o_ref[...] = jnp.dot(x_ref[...], w_ref[...],
                             preferred_element_type=jnp.float32)

    return pl.pallas_call(
        body,
        grid=(n // R_MM,),
        in_specs=[
            pl.BlockSpec((R_MM, k), lambda g: (g, 0)),
            pl.BlockSpec((k, m), lambda g: (0, 0)),
        ],
        out_specs=pl.BlockSpec((R_MM, m), lambda g: (g, 0)),
        out_shape=jax.ShapeDtypeStruct((n, m), jnp.float32),
    )(x, w)


def _edge_combine(a, bg_pad, dist_row, valid_col, w1c, b1row, freq):
    re = R_EDGE * MAX_NEIGH

    def body(a_ref, bg_ref, d_ref, v_ref, w1c_ref, b1_ref, f_ref,
             hs_ref, cnt_ref):
        x = d_ref[...] * (1.0 / CUTOFF)
        inv = 1.0 / x
        x2 = x * x
        x5 = x2 * x2 * x
        env = (inv + _ENV_A * x5 + _ENV_B * x5 * x + _ENV_C * x5 * x2)
        env = jnp.where(x < 1.0, env, 0.0)
        rows = [env * jnp.sin(f_ref[0, r] * x) for r in range(NUM_RADIAL)]
        rows.append(jnp.zeros((2, re), jnp.float32))
        rbf8 = jnp.concatenate(rows, axis=0)
        rbfp = jax.lax.dot_general(
            rbf8, w1c_ref[...], (((0,), (0,)), ((), ())),
            preferred_element_type=jnp.float32)
        arep = jnp.broadcast_to(
            a_ref[...][:, None, :], (R_EDGE, MAX_NEIGH, HIDDEN)
        ).reshape(re, HIDDEN)
        acc = bg_ref[...] + b1_ref[...] + arep + rbfp
        h = acc * jax.nn.sigmoid(acc)
        h = h * v_ref[...]
        hs_ref[...] = h.reshape(R_EDGE, MAX_NEIGH, HIDDEN).sum(axis=1)
        cnt_ref[...] = v_ref[...].reshape(R_EDGE, MAX_NEIGH).sum(
            axis=1, keepdims=True)

    return pl.pallas_call(
        body,
        grid=(N_ATOMS // R_EDGE,),
        in_specs=[
            pl.BlockSpec((R_EDGE, HIDDEN), lambda g: (g, 0)),
            pl.BlockSpec((re, HIDDEN), lambda g: (g, 0)),
            pl.BlockSpec((1, re), lambda g: (0, g)),
            pl.BlockSpec((re, 1), lambda g: (g, 0)),
            pl.BlockSpec((8, HIDDEN), lambda g: (0, 0)),
            pl.BlockSpec((1, HIDDEN), lambda g: (0, 0)),
            pl.BlockSpec((1, 8), lambda g: (0, 0),
                         memory_space=pltpu.SMEM),
        ],
        out_specs=[
            pl.BlockSpec((R_EDGE, HIDDEN), lambda g: (g, 0)),
            pl.BlockSpec((R_EDGE, 1), lambda g: (g, 0)),
        ],
        out_shape=[
            jax.ShapeDtypeStruct((N_ATOMS, HIDDEN), jnp.float32),
            jax.ShapeDtypeStruct((N_ATOMS, 1), jnp.float32),
        ],
    )(a, bg_pad, dist_row, valid_col, w1c, b1row, freq)


def _update(x, hs, cnt, w2t, b2row, u1at, u1bt, ub1row, u2t, ub2row,
            wab_next=None):
    with_next = wab_next is not None

    def body(x_ref, hs_ref, cnt_ref, w2_ref, b2_ref, u1a_ref, u1b_ref,
             ub1_ref, u2_ref, ub2_ref, *rest):
        if with_next:
            wab_ref, o_ref, ab_ref = rest
        else:
            (o_ref,) = rest
        xb = x_ref[...]
        agg = jnp.dot(hs_ref[...], w2_ref[...],
                      preferred_element_type=jnp.float32)
        agg = agg + cnt_ref[...] * b2_ref[...]
        u = (jnp.dot(xb, u1a_ref[...], preferred_element_type=jnp.float32)
             + jnp.dot(agg, u1b_ref[...], preferred_element_type=jnp.float32)
             + ub1_ref[...])
        u = u * jax.nn.sigmoid(u)
        xn = jnp.dot(u, u2_ref[...],
                     preferred_element_type=jnp.float32) + ub2_ref[...] + xb
        if with_next:
            o_ref[...] = xn
            ab_ref[...] = jnp.dot(xn, wab_ref[...],
                                  preferred_element_type=jnp.float32)
        else:
            o_ref[...] = xn

    h = HIDDEN
    in_specs = [
        pl.BlockSpec((R_MM, h), lambda g: (g, 0)),
        pl.BlockSpec((R_MM, h), lambda g: (g, 0)),
        pl.BlockSpec((R_MM, 1), lambda g: (g, 0)),
        pl.BlockSpec((h, h), lambda g: (0, 0)),
        pl.BlockSpec((1, h), lambda g: (0, 0)),
        pl.BlockSpec((h, h), lambda g: (0, 0)),
        pl.BlockSpec((h, h), lambda g: (0, 0)),
        pl.BlockSpec((1, h), lambda g: (0, 0)),
        pl.BlockSpec((h, h), lambda g: (0, 0)),
        pl.BlockSpec((1, h), lambda g: (0, 0)),
    ]
    inputs = [x, hs, cnt, w2t, b2row, u1at, u1bt, ub1row, u2t, ub2row]
    if with_next:
        in_specs.append(pl.BlockSpec((h, 2 * h), lambda g: (0, 0)))
        inputs.append(wab_next)
        out_specs = [pl.BlockSpec((R_MM, h), lambda g: (g, 0)),
                     pl.BlockSpec((R_MM, 2 * h), lambda g: (g, 0))]
        out_shape = [jax.ShapeDtypeStruct((N_ATOMS, h), jnp.float32),
                     jax.ShapeDtypeStruct((N_ATOMS, 2 * h), jnp.float32)]
    else:
        out_specs = pl.BlockSpec((R_MM, h), lambda g: (g, 0))
        out_shape = jax.ShapeDtypeStruct((N_ATOMS, h), jnp.float32)

    return pl.pallas_call(
        body,
        grid=(N_ATOMS // R_MM,),
        in_specs=in_specs,
        out_specs=out_specs,
        out_shape=out_shape,
    )(*inputs)


def _radius_graph_windowed(pos, batch, wpos, wsq, wbatch, wcol, rbatch):

    def body(p_ref, rb_ref, wp_ref, wsq_ref, wb_ref, wc_ref,
             j_ref, v_ref, d2_ref):
        g = pl.program_id(0)
        pr = p_ref[...]
        rsq = jnp.sum(pr * pr, axis=1, keepdims=True)
        wp = wp_ref[0]
        dots = jax.lax.dot_general(
            pr, wp, (((1,), (1,)), ((), ())),
            preferred_element_type=jnp.float32)
        d2 = jnp.maximum(rsq + wsq_ref[0] - 2.0 * dots, 0.0)
        ridx = (jax.lax.broadcasted_iota(jnp.int32, (R_GRAPH, 1), 0)
                + g * R_GRAPH)
        wc = wc_ref[0]
        mask = ((rb_ref[...] == wb_ref[0]) & (ridx != wc)
                & (d2 < CUTOFF * CUTOFF))
        m = jnp.where(mask, d2, jnp.inf)
        for k in range(MAX_NEIGH):
            mn = jnp.min(m, axis=1, keepdims=True)
            hit = m == mn
            sel = jnp.min(jnp.where(hit, wc, N_ATOMS), axis=1,
                          keepdims=True)
            ok = mn < jnp.inf
            j_ref[:, k:k + 1] = jnp.where(ok, sel, 0)
            v_ref[:, k:k + 1] = jnp.where(ok, 1.0, 0.0)
            d2_ref[:, k:k + 1] = jnp.where(ok, mn, 16.0)
            m = jnp.where(hit & (wc == sel), jnp.inf, m)

    nb = N_ATOMS // R_GRAPH
    return pl.pallas_call(
        body,
        grid=(nb,),
        in_specs=[
            pl.BlockSpec((R_GRAPH, 3), lambda g: (g, 0)),
            pl.BlockSpec((R_GRAPH, 1), lambda g: (g, 0)),
            pl.BlockSpec((1, C_WIN, 3), lambda g: (g, 0, 0)),
            pl.BlockSpec((1, 1, C_WIN), lambda g: (g, 0, 0)),
            pl.BlockSpec((1, 1, C_WIN), lambda g: (g, 0, 0)),
            pl.BlockSpec((1, 1, C_WIN), lambda g: (g, 0, 0)),
        ],
        out_specs=[
            pl.BlockSpec((R_GRAPH, MAX_NEIGH), lambda g: (g, 0)),
            pl.BlockSpec((R_GRAPH, MAX_NEIGH), lambda g: (g, 0)),
            pl.BlockSpec((R_GRAPH, MAX_NEIGH), lambda g: (g, 0)),
        ],
        out_shape=[
            jax.ShapeDtypeStruct((N_ATOMS, MAX_NEIGH), jnp.int32),
            jax.ShapeDtypeStruct((N_ATOMS, MAX_NEIGH), jnp.float32),
            jax.ShapeDtypeStruct((N_ATOMS, MAX_NEIGH), jnp.float32),
        ],
    )(pos, rbatch, wpos, wsq, wbatch, wcol)


def _radius_graph(pos, batch):
    n = pos.shape[0]
    sq = jnp.sum(pos * pos, axis=1)
    all_idx = jnp.arange(n)
    cols, valids, d2s = [], [], []
    chunk = 2000
    for start in range(0, n, chunk):
        end = start + chunk
        pc = pos[start:end]
        d2 = sq[start:end, None] + sq[None, :] - 2.0 * (pc @ pos.T)
        d2 = jnp.maximum(d2, 0.0)
        same = batch[start:end, None] == batch[None, :]
        not_self = all_idx[start:end, None] != all_idx[None, :]
        mask = same & not_self & (d2 < CUTOFF * CUTOFF)
        d2m = jnp.where(mask, d2, jnp.inf)
        vals, idxs = jax.lax.top_k(-d2m, MAX_NEIGH)
        cols.append(idxs)
        valids.append(vals > -jnp.inf)
        d2s.append(vals)
    return (jnp.concatenate(cols), jnp.concatenate(valids),
            jnp.concatenate(d2s))


def kernel(atom_features, coordinates, batch_id, rbf_freq,
           i0_W1, i0_b1, i0_W2, i0_b2, i1_W1, i1_b1, i1_W2, i1_b2,
           u0_W1, u0_b1, u0_W2, u0_b2, u1_W1, u1_b1, u1_W2, u1_b2):
    h = HIDDEN
    pos_idx = jnp.arange(N_ATOMS, dtype=jnp.int32)
    chg = jnp.concatenate([
        jnp.zeros((1,), jnp.int32),
        (batch_id[1:] != batch_id[:-1]).astype(jnp.int32)])
    run_start = jax.lax.cummax(jnp.where(chg == 1, pos_idx, 0))
    maxseg = jnp.max(pos_idx - run_start) + 1
    nb = N_ATOMS // R_GRAPH
    sq_all = jnp.sum(coordinates * coordinates, axis=1)
    sbs = [min(max(b * R_GRAPH - W_SEG, 0), N_ATOMS - C_WIN)
           for b in range(nb)]
    wpos = jnp.stack([lax.slice(coordinates, (s, 0), (s + C_WIN, 3))
                      for s in sbs])
    wsq = jnp.stack([lax.slice(sq_all, (s,), (s + C_WIN,))
                     for s in sbs])[:, None, :]
    wbatch = jnp.stack([lax.slice(batch_id, (s,), (s + C_WIN,))
                        for s in sbs])[:, None, :]
    wcol3 = (jnp.asarray(sbs, jnp.int32)[:, None, None]
             + jnp.arange(C_WIN, dtype=jnp.int32)[None, None, :])
    rbatch = batch_id[:, None]

    def _win_path(_):
        return _radius_graph_windowed(coordinates, batch_id, wpos, wsq,
                                      wbatch, wcol3, rbatch)

    def _full_path(_):
        jx, vx, negd2 = _radius_graph(coordinates, batch_id)
        d2x = jnp.where(vx, jnp.maximum(-negd2, 0.0), 16.0)
        return jx, vx.astype(jnp.float32), d2x

    j_idx, vf, d2sel = lax.cond(maxseg <= W_SEG, _win_path, _full_path,
                                None)
    valid = vf > 0.5
    jf = j_idx.reshape(-1)
    dist = jnp.sqrt(d2sel)
    dist_row = dist.reshape(1, E_TOTAL)
    valid_col = vf.reshape(E_TOTAL, 1)
    j_pad = jnp.concatenate(
        [jf, jnp.zeros((E_PAD - E_TOTAL,), dtype=jf.dtype)])
    freq = jnp.zeros((1, 8), jnp.float32).at[0, :NUM_RADIAL].set(rbf_freq)

    inter = [(i0_W1, i0_b1, i0_W2, i0_b2), (i1_W1, i1_b1, i1_W2, i1_b2)]
    upd = [(u0_W1, u0_b1, u0_W2, u0_b2), (u1_W1, u1_b1, u1_W2, u1_b2)]

    def wab_of(W1):
        return jnp.concatenate([W1[:, :h].T, W1[:, h:2 * h].T], axis=1)

    x = atom_features
    ab = _proj_kernel(x, wab_of(inter[0][0]))
    for blk in range(2):
        W1, b1, W2, b2 = inter[blk]
        uW1, ub1, uW2, ub2 = upd[blk]
        w1c = jnp.zeros((8, h), jnp.float32).at[:NUM_RADIAL, :].set(
            W1[:, 2 * h:2 * h + NUM_RADIAL].T)
        a = ab[:, :h]
        b = ab[:, h:]
        bg_pad = _sc_gather(b, j_pad)
        hs, cnt = _edge_combine(a, bg_pad, dist_row, valid_col,
                                w1c, b1[None, :], freq)
        wab_next = wab_of(inter[1][0]) if blk == 0 else None
        res = _update(x, hs, cnt, W2.T, b2[None, :], uW1[:, :h].T,
                      uW1[:, h:].T, ub1[None, :], uW2.T, ub2[None, :],
                      wab_next)
        if blk == 0:
            x, ab = res
        else:
            x = res

    n_valid = jnp.sum(valid)
    return jnp.where(n_valid > 0, x, atom_features)

# --- scband reference (transcript-rebuilt; emitter-appended) ---
"""Pipeline reference for scband-geometric-atom-processor-36301063586214 (READ-ONLY COPY).

The authoritative reference and input builder live on the scoring server;
editing this copy changes nothing except your own understanding.
"""

import jax, jax.numpy as jnp
import numpy as np

N_ATOMS = 10000
N_GRAPHS = 600
HIDDEN = 256
NUM_BLOCKS = 2
NUM_RADIAL = 6
CUTOFF = 8.0
ENV_EXP = 5
MAX_NEIGH = 32


def radius_graph(pos, r, batch, max_num_neighbors=32, chunk=2000):
    N = pos.shape[0]
    sq = jnp.sum(pos * pos, axis=1)
    all_idx = jnp.arange(N)
    rows, cols, valids = [], [], []
    for start in range(0, N, chunk):
        end = min(start + chunk, N)
        pc = pos[start:end]
        d2 = sq[start:end, None] + sq[None, :] - 2.0 * (pc @ pos.T)
        d2 = jnp.maximum(d2, 0.0)
        same = batch[start:end, None] == batch[None, :]
        not_self = all_idx[start:end, None] != all_idx[None, :]
        mask = same & not_self & (d2 < r * r)
        d2m = jnp.where(mask, d2, jnp.inf)
        vals, idxs = jax.lax.top_k(-d2m, max_num_neighbors)
        valid = vals > -jnp.inf
        rr = jnp.broadcast_to(all_idx[start:end, None], idxs.shape)
        rows.append(rr.reshape(-1))
        cols.append(idxs.reshape(-1))
        valids.append(valid.reshape(-1))
    return jnp.concatenate(rows), jnp.concatenate(cols), jnp.concatenate(valids)


def envelope(x):
    p = ENV_EXP + 1
    a = -(p + 1) * (p + 2) / 2.0
    b = float(p * (p + 2))
    c = -p * (p + 1) / 2.0
    xp0 = x ** (p - 1)
    xp1 = xp0 * x
    xp2 = xp1 * x
    return (1.0 / x + a * xp0 + b * xp1 + c * xp2) * (x < 1.0)


def bessel_rbf(dist, freq):
    d = dist[:, None] / CUTOFF
    return envelope(d) * jnp.sin(freq * d)


def mlp2(x, W1, b1, W2, b2):
    h = jax.nn.silu(x @ W1.T + b1)
    return h @ W2.T + b2


def _linear_params(key, fan_in, fan_out):
    k1, k2 = jax.random.split(key)
    s = 1.0 / np.sqrt(fan_in)
    W = jax.random.uniform(k1, (fan_out, fan_in), minval=-s, maxval=s, dtype=jnp.float32)
    b = jax.random.uniform(k2, (fan_out,), minval=-s, maxval=s, dtype=jnp.float32)
    return W, b


def setup_inputs(seed: int = 0) -> dict:
    key = jax.random.key(seed)
    ks = jax.random.split(key, 4)
    inp = {}
    inp["atom_features"] = jax.random.normal(ks[0], (N_ATOMS, HIDDEN), dtype=jnp.float32)
    inp["coordinates"] = jax.random.normal(ks[1], (N_ATOMS, 3), dtype=jnp.float32)
    inp["batch_id"] = jnp.sort(jax.random.randint(ks[2], (N_ATOMS,), 0, N_GRAPHS, dtype=jnp.int32))
    inp["rbf_freq"] = jnp.arange(1, NUM_RADIAL + 1, dtype=jnp.float32) * jnp.pi
    pk = jax.random.split(ks[3], 8)
    inp["i0_W1"], inp["i0_b1"] = _linear_params(pk[0], 2 * HIDDEN + NUM_RADIAL, HIDDEN)
    inp["i0_W2"], inp["i0_b2"] = _linear_params(pk[1], HIDDEN, HIDDEN)
    inp["i1_W1"], inp["i1_b1"] = _linear_params(pk[2], 2 * HIDDEN + NUM_RADIAL, HIDDEN)
    inp["i1_W2"], inp["i1_b2"] = _linear_params(pk[3], HIDDEN, HIDDEN)
    inp["u0_W1"], inp["u0_b1"] = _linear_params(pk[4], 2 * HIDDEN, HIDDEN)
    inp["u0_W2"], inp["u0_b2"] = _linear_params(pk[5], HIDDEN, HIDDEN)
    inp["u1_W1"], inp["u1_b1"] = _linear_params(pk[6], 2 * HIDDEN, HIDDEN)
    inp["u1_W2"], inp["u1_b2"] = _linear_params(pk[7], HIDDEN, HIDDEN)
    return inp


def reference(atom_features, coordinates, batch_id, rbf_freq, i0_W1, i0_b1, i0_W2, i0_b2, i1_W1, i1_b1, i1_W2, i1_b2, u0_W1, u0_b1, u0_W2, u0_b2, u1_W1, u1_b1, u1_W2, u1_b2):
    i, j, valid = radius_graph(coordinates, CUTOFF, batch_id, MAX_NEIGH)
    N = coordinates.shape[0]
    dist = jnp.linalg.norm(coordinates[i] - coordinates[j], axis=-1)
    dist = jnp.where(valid, dist, 0.5 * CUTOFF)
    rbf = bessel_rbf(dist, rbf_freq)
    i_scatter = jnp.where(valid, i, N)
    inter = [(i0_W1, i0_b1, i0_W2, i0_b2), (i1_W1, i1_b1, i1_W2, i1_b2)]
    upd = [(u0_W1, u0_b1, u0_W2, u0_b2), (u1_W1, u1_b1, u1_W2, u1_b2)]
    x = atom_features
    for blk in range(NUM_BLOCKS):
        ef = jnp.concatenate([x[i], x[j], rbf], axis=-1)
        msg = mlp2(ef, *inter[blk])
        agg = jnp.zeros_like(x).at[i_scatter].add(msg, mode='drop')
        x = mlp2(jnp.concatenate([x, agg], axis=-1), *upd[blk]) + x
    n_valid = jnp.sum(valid)
    return jnp.where(n_valid > 0, x, atom_features)

if __name__ == "__main__":
    import jax
    _d = setup_inputs()
    print(jax.jit(kernel)(*tuple(_d.values())))

</pallas_src>

<mosaic_0001>
#map = affine_map<(d0, d1) -> (0, 0)>
#map1 = affine_map<(d0, d1) -> (0)>
module attributes {stable_mosaic.version = 14 : i64} {
  func.func @gather_kernel(%arg0: i32, %arg1: i32, %arg2: memref<10000x256xf32, #tpu.memory_space<hbm>>, %arg3: memref<327680xi32, #tpu.memory_space<hbm>>, %arg4: memref<327680x256xf32, #tpu.memory_space<hbm>>, %arg5: memref<128xi32, #tpu.memory_space<vmem>>, %arg6: memref<128x256xf32, #tpu.memory_space<vmem>>, %arg7: memref<!tpu.dma_semaphore, #tpu.memory_space<semaphore_mem>>) attributes {dimension_semantics = [#tpu.dimension_semantics<core_parallel>, #tpu.dimension_semantics<subcore_parallel>], iteration_bounds = array<i64: 2, 16>, scalar_prefetch = 0 : i64, scratch_operands = 3 : i64, tpu.core_type = #tpu.core_type<sc_vector_subcore>, window_params = [{transform_indices = #map}, {transform_indices = #map1}, {transform_indices = #map}]} {
    %mul3A = arith.constant 2 : i32
    %mul3A_0 = arith.muli %arg1, %mul3A : i32
    %add3A = arith.addi %mul3A_0, %arg0 : i32
    %scan3A = arith.constant 0 : i32
    %scan3A_1 = arith.constant 0 : i32
    %scan3A_2 = arith.constant 80 : i32
    %scan3A_3 = arith.addi %scan3A_1, %scan3A_2 : i32
    %scan3A_4 = arith.constant 1 : i32
    scf.for %scan3A_6 = %scan3A_1 to %scan3A_3 step %scan3A_4  : i32 {
      %mul3A_7 = arith.constant 80 : i32
      %mul3A_8 = arith.muli %add3A, %mul3A_7 : i32
      %add3A_9 = arith.addi %mul3A_8, %scan3A_6 : i32
      %mul3A_10 = arith.constant 128 : i32
      %mul3A_11 = arith.muli %add3A_9, %mul3A_10 : i32
      "tpu.region"() ({
        %run_scoped3A = tpu.sem_alloc : memref<!tpu.dma_semaphore, #tpu.memory_space<semaphore_mem>>
        %dma_start3A_16 = tpu.memref_slice %arg3[%mul3A_11] : memref<327680xi32, #tpu.memory_space<hbm>> -> memref<128xi32, #tpu.memory_space<hbm>>
        %dma_start3A_17 = tpu.memref_slice %arg3[%mul3A_11] : memref<327680xi32, #tpu.memory_space<hbm>> -> memref<128xi32, #tpu.memory_space<hbm>>
        tpu.enqueue_dma source(%dma_start3A_17 : memref<128xi32, #tpu.memory_space<hbm>>) target(%arg5 : memref<128xi32, #tpu.memory_space<vmem>>) target_semaphore(%run_scoped3A : memref<!tpu.dma_semaphore, #tpu.memory_space<semaphore_mem>>)
        %dma_wait3A_18 = tpu.memref_slice %arg3[%mul3A_11] : memref<327680xi32, #tpu.memory_space<hbm>> -> memref<128xi32, #tpu.memory_space<hbm>>
        %dma_wait3A_19 = tpu.memref_slice %arg3[%mul3A_11] : memref<327680xi32, #tpu.memory_space<hbm>> -> memref<128xi32, #tpu.memory_space<hbm>>
        tpu.wait_dma2 semaphore(%run_scoped3A : memref<!tpu.dma_semaphore, #tpu.memory_space<semaphore_mem>>) src(%dma_wait3A_19 : memref<128xi32, #tpu.memory_space<hbm>>) dst(%arg5 : memref<128xi32, #tpu.memory_space<vmem>>)
        tpu.yield
      }) : () -> ()
      %dma_start3A = arith.constant 0 : i32
      %dma_start3A_12 = arith.constant 0 : i32
      %dma_start3A_13 = tpu.memref_slice %arg2[%dma_start3A, %dma_start3A_12] : memref<10000x256xf32, #tpu.memory_space<hbm>> -> memref<10000x256xf32, #tpu.memory_space<hbm>>
      tpu.enqueue_indirect_dma source(%dma_start3A_13 : memref<10000x256xf32, #tpu.memory_space<hbm>>) target(%arg6 : memref<128x256xf32, #tpu.memory_space<vmem>>) offsets(%arg5 : memref<128xi32, #tpu.memory_space<vmem>>) semaphore(%arg7 : memref<!tpu.dma_semaphore, #tpu.memory_space<semaphore_mem>>)
      %dma_wait3A = arith.constant 0 : i32
      %dma_wait3A_14 = arith.constant 0 : i32
      %dma_wait3A_15 = tpu.memref_slice %arg2[%dma_wait3A, %dma_wait3A_14] : memref<10000x256xf32, #tpu.memory_space<hbm>> -> memref<10000x256xf32, #tpu.memory_space<hbm>>
      tpu.wait_indirect_dma semaphore(%arg7 : memref<!tpu.dma_semaphore, #tpu.memory_space<semaphore_mem>>) src(%dma_wait3A_15 : memref<10000x256xf32, #tpu.memory_space<hbm>>) dst(%arg6 : memref<128x256xf32, #tpu.memory_space<vmem>>)
      "tpu.region"() ({
        %run_scoped3A = tpu.sem_alloc : memref<!tpu.dma_semaphore, #tpu.memory_space<semaphore_mem>>
        %dma_start3A_16 = arith.constant 0 : i32
        %dma_start3A_17 = tpu.memref_slice %arg4[%mul3A_11, %dma_start3A_16] : memref<327680x256xf32, #tpu.memory_space<hbm>> -> memref<128x256xf32, #tpu.memory_space<hbm>>
        %dma_start3A_18 = arith.constant 0 : i32
        %dma_start3A_19 = tpu.memref_slice %arg4[%mul3A_11, %dma_start3A_18] : memref<327680x256xf32, #tpu.memory_space<hbm>> -> memref<128x256xf32, #tpu.memory_space<hbm>>
        tpu.enqueue_dma source(%arg6 : memref<128x256xf32, #tpu.memory_space<vmem>>) target(%dma_start3A_19 : memref<128x256xf32, #tpu.memory_space<hbm>>) target_semaphore(%run_scoped3A : memref<!tpu.dma_semaphore, #tpu.memory_space<semaphore_mem>>)
        %dma_wait3A_20 = arith.constant 0 : i32
        %dma_wait3A_21 = tpu.memref_slice %arg4[%mul3A_11, %dma_wait3A_20] : memref<327680x256xf32, #tpu.memory_space<hbm>> -> memref<128x256xf32, #tpu.memory_space<hbm>>
        %dma_wait3A_22 = arith.constant 0 : i32
        %dma_wait3A_23 = tpu.memref_slice %arg4[%mul3A_11, %dma_wait3A_22] : memref<327680x256xf32, #tpu.memory_space<hbm>> -> memref<128x256xf32, #tpu.memory_space<hbm>>
        tpu.wait_dma2 semaphore(%run_scoped3A : memref<!tpu.dma_semaphore, #tpu.memory_space<semaphore_mem>>) src(%arg6 : memref<128x256xf32, #tpu.memory_space<vmem>>) dst(%dma_wait3A_23 : memref<128x256xf32, #tpu.memory_space<hbm>>)
        tpu.yield
      }) : () -> ()
    }
    %scan3A_5 = arith.constant 80 : i32
    return
  }
}

#map = affine_map<(d0, d1) -> (0, 0)>
#map1 = affine_map<(d0, d1) -> (0)>
module attributes {stable_mosaic.version = 14 : i64} {
  func.func @gather_kernel(%arg0: i32, %arg1: i32, %arg2: memref<10000x256xf32, #tpu.memory_space<hbm>>, %arg3: memref<327680xi32, #tpu.memory_space<hbm>>, %arg4: memref<327680x256xf32, #tpu.memory_space<hbm>>, %arg5: memref<128xi32, #tpu.memory_space<vmem>>, %arg6: memref<128x256xf32, #tpu.memory_space<vmem>>, %arg7: memref<!tpu.dma_semaphore, #tpu.memory_space<semaphore_mem>>) attributes {dimension_semantics = [#tpu.dimension_semantics<core_parallel>, #tpu.dimension_semantics<subcore_parallel>], iteration_bounds = array<i64: 2, 16>, scalar_prefetch = 0 : i64, scratch_operands = 3 : i64, tpu.core_type = #tpu.core_type<sc_vector_subcore>, window_params = [{transform_indices = #map}, {transform_indices = #map1}, {transform_indices = #map}]} {
    %mul3A = arith.constant 2 : i32
    %mul3A_0 = arith.muli %arg1, %mul3A : i32
    %add3A = arith.addi %mul3A_0, %arg0 : i32
    %scan3A = arith.constant 0 : i32
    %scan3A_1 = arith.constant 0 : i32
    %scan3A_2 = arith.constant 80 : i32
    %scan3A_3 = arith.addi %scan3A_1, %scan3A_2 : i32
    %scan3A_4 = arith.constant 1 : i32
    scf.for %scan3A_6 = %scan3A_1 to %scan3A_3 step %scan3A_4  : i32 {
      %mul3A_7 = arith.constant 80 : i32
      %mul3A_8 = arith.muli %add3A, %mul3A_7 : i32
      %add3A_9 = arith.addi %mul3A_8, %scan3A_6 : i32
      %mul3A_10 = arith.constant 128 : i32
      %mul3A_11 = arith.muli %add3A_9, %mul3A_10 : i32
      "tpu.region"() ({
        %run_scoped3A = tpu.sem_alloc : memref<!tpu.dma_semaphore, #tpu.memory_space<semaphore_mem>>
        %dma_start3A_16 = tpu.memref_slice %arg3[%mul3A_11] : memref<327680xi32, #tpu.memory_space<hbm>> -> memref<128xi32, #tpu.memory_space<hbm>>
        %dma_start3A_17 = tpu.memref_slice %arg3[%mul3A_11] : memref<327680xi32, #tpu.memory_space<hbm>> -> memref<128xi32, #tpu.memory_space<hbm>>
        tpu.enqueue_dma source(%dma_start3A_17 : memref<128xi32, #tpu.memory_space<hbm>>) target(%arg5 : memref<128xi32, #tpu.memory_space<vmem>>) target_semaphore(%run_scoped3A : memref<!tpu.dma_semaphore, #tpu.memory_space<semaphore_mem>>)
        %dma_wait3A_18 = tpu.memref_slice %arg3[%mul3A_11] : memref<327680xi32, #tpu.memory_space<hbm>> -> memref<128xi32, #tpu.memory_space<hbm>>
        %dma_wait3A_19 = tpu.memref_slice %arg3[%mul3A_11] : memref<327680xi32, #tpu.memory_space<hbm>> -> memref<128xi32, #tpu.memory_space<hbm>>
        tpu.wait_dma2 semaphore(%run_scoped3A : memref<!tpu.dma_semaphore, #tpu.memory_space<semaphore_mem>>) src(%dma_wait3A_19 : memref<128xi32, #tpu.memory_space<hbm>>) dst(%arg5 : memref<128xi32, #tpu.memory_space<vmem>>)
        tpu.yield
      }) : () -> ()
      %dma_start3A = arith.constant 0 : i32
      %dma_start3A_12 = arith.constant 0 : i32
      %dma_start3A_13 = tpu.memref_slice %arg2[%dma_start3A, %dma_start3A_12] : memref<10000x256xf32, #tpu.memory_space<hbm>> -> memref<10000x256xf32, #tpu.memory_space<hbm>>
      tpu.enqueue_indirect_dma source(%dma_start3A_13 : memref<10000x256xf32, #tpu.memory_space<hbm>>) target(%arg6 : memref<128x256xf32, #tpu.memory_space<vmem>>) offsets(%arg5 : memref<128xi32, #tpu.memory_space<vmem>>) semaphore(%arg7 : memref<!tpu.dma_semaphore, #tpu.memory_space<semaphore_mem>>)
      %dma_wait3A = arith.constant 0 : i32
      %dma_wait3A_14 = arith.constant 0 : i32
      %dma_wait3A_15 = tpu.memref_slice %arg2[%dma_wait3A, %dma_wait3A_14] : memref<10000x256xf32, #tpu.memory_space<hbm>> -> memref<10000x256xf32, #tpu.memory_space<hbm>>
      tpu.wait_indirect_dma semaphore(%arg7 : memref<!tpu.dma_semaphore, #tpu.memory_space<semaphore_mem>>) src(%dma_wait3A_15 : memref<10000x256xf32, #tpu.memory_space<hbm>>) dst(%arg6 : memref<128x256xf32, #tpu.memory_space<vmem>>)
      "tpu.region"() ({
        %run_scoped3A = tpu.sem_alloc : memref<!tpu.dma_semaphore, #tpu.memory_space<semaphore_mem>>
        %dma_start3A_16 = arith.constant 0 : i32
        %dma_start3A_17 = tpu.memref_slice %arg4[%mul3A_11, %dma_start3A_16] : memref<327680x256xf32, #tpu.memory_space<hbm>> -> memref<128x256xf32, #tpu.memory_space<hbm>>
        %dma_start3A_18 = arith.constant 0 : i32
        %dma_start3A_19 = tpu.memref_slice %arg4[%mul3A_11, %dma_start3A_18] : memref<327680x256xf32, #tpu.memory_space<hbm>> -> memref<128x256xf32, #tpu.memory_space<hbm>>
        tpu.enqueue_dma source(%arg6 : memref<128x256xf32, #tpu.memory_space<vmem>>) target(%dma_start3A_19 : memref<128x256xf32, #tpu.memory_space<hbm>>) target_semaphore(%run_scoped3A : memref<!tpu.dma_semaphore, #tpu.memory_space<semaphore_mem>>)
        %dma_wait3A_20 = arith.constant 0 : i32
        %dma_wait3A_21 = tpu.memref_slice %arg4[%mul3A_11, %dma_wait3A_20] : memref<327680x256xf32, #tpu.memory_space<hbm>> -> memref<128x256xf32, #tpu.memory_space<hbm>>
        %dma_wait3A_22 = arith.constant 0 : i32
        %dma_wait3A_23 = tpu.memref_slice %arg4[%mul3A_11, %dma_wait3A_22] : memref<327680x256xf32, #tpu.memory_space<hbm>> -> memref<128x256xf32, #tpu.memory_space<hbm>>
        tpu.wait_dma2 semaphore(%run_scoped3A : memref<!tpu.dma_semaphore, #tpu.memory_space<semaphore_mem>>) src(%arg6 : memref<128x256xf32, #tpu.memory_space<vmem>>) dst(%dma_wait3A_23 : memref<128x256xf32, #tpu.memory_space<hbm>>)
        tpu.yield
      }) : () -> ()
    }
    %scan3A_5 = arith.constant 80 : i32
    return
  }
}

module attributes {stable_mosaic.version = 14 : i64} {
  func.func @body(%arg0: i32, %arg1: memref<400x256xf32, #tpu.memory_space<vmem>>, %arg2: memref<256x512xf32, #tpu.memory_space<vmem>>, %arg3: memref<400x512xf32, #tpu.memory_space<vmem>>) attributes {dimension_semantics = [#tpu.dimension_semantics<arbitrary>], iteration_bounds = array<i64: 25>, scalar_prefetch = 0 : i64, scratch_operands = 0 : i64, tpu.core_type = #tpu.core_type<tc>, window_params = [{transform_indices = @transform_0, window_bounds = array<i64: 400, 256>}, {pipeline_mode = #tpu.pipeline_mode<synchronous>, transform_indices = @transform_1, window_bounds = array<i64: 256, 512>}, {transform_indices = @transform_2, window_bounds = array<i64: 400, 512>}]} {
    %get3A = arith.constant 0 : index
    %get3A_0 = arith.constant 0 : index
    %get3A_1 = vector.load %arg1[%get3A, %get3A_0] : memref<400x256xf32, #tpu.memory_space<vmem>>, vector<400x256xf32>
    %get3A_2 = arith.constant 0 : index
    %get3A_3 = arith.constant 0 : index
    %get3A_4 = vector.load %arg2[%get3A_2, %get3A_3] : memref<256x512xf32, #tpu.memory_space<vmem>>, vector<256x512xf32>
    %dot_general3A = arith.constant dense<0.000000e+00> : vector<400x512xf32>
    %dot_general3A_5 = tpu.matmul %get3A_1, %get3A_4, %dot_general3A {dimension_numbers = #tpu.dot_dimension_numbers<[1], [0], [0], [1], [0, 0, 1, 1], [], []>, transpose_lhs_hint = false} : vector<400x256xf32>, vector<256x512xf32>, vector<400x512xf32> -> vector<400x512xf32>
    %swap3A = arith.constant 0 : index
    %swap3A_6 = arith.constant 0 : index
    %swap3A_7 = vector.load %arg3[%swap3A, %swap3A_6] : memref<400x512xf32, #tpu.memory_space<vmem>>, vector<400x512xf32>
    tpu.vector_store %arg3[%swap3A, %swap3A_6], %dot_general3A_5 {strides = array<i32>} : memref<400x512xf32, #tpu.memory_space<vmem>>, vector<400x512xf32>,
    return
  }
  func.func @transform_0(%arg0: i32) -> (i32, i32) {
    %c0_i32 = arith.constant 0 : i32
    %c0_i32_0 = arith.constant 0 : i32
    return %arg0, %c0_i32 : i32, i32
  }
  func.func @transform_1(%arg0: i32) -> (i32, i32) {
    %c0_i32 = arith.constant 0 : i32
    %c0_i32_0 = arith.constant 0 : i32
    %c0_i32_1 = arith.constant 0 : i32
    return %c0_i32, %c0_i32_0 : i32, i32
  }
  func.func @transform_2(%arg0: i32) -> (i32, i32) {
    %c0_i32 = arith.constant 0 : i32
    %c0_i32_0 = arith.constant 0 : i32
    return %arg0, %c0_i32 : i32, i32
  }
}

module attributes {stable_mosaic.version = 14 : i64} {
  func.func @body(%arg0: i32, %arg1: memref<200x3xf32, #tpu.memory_space<vmem>>, %arg2: memref<200x1xi32, #tpu.memory_space<vmem>>, %arg3: memref<1x1024x3xf32, #tpu.memory_space<vmem>>, %arg4: memref<1x1x1024xf32, #tpu.memory_space<vmem>>, %arg5: memref<1x1x1024xi32, #tpu.memory_space<vmem>>, %arg6: memref<1x1x1024xi32, #tpu.memory_space<vmem>>, %arg7: memref<200x32xi32, #tpu.memory_space<vmem>>, %arg8: memref<200x32xf32, #tpu.memory_space<vmem>>, %arg9: memref<200x32xf32, #tpu.memory_space<vmem>>) attributes {dimension_semantics = [#tpu.dimension_semantics<arbitrary>], iteration_bounds = array<i64: 50>, scalar_prefetch = 0 : i64, scratch_operands = 0 : i64, tpu.core_type = #tpu.core_type<tc>, window_params = [{transform_indices = @transform_0, window_bounds = array<i64: 200, 3>}, {transform_indices = @transform_1, window_bounds = array<i64: 200, 1>}, {transform_indices = @transform_2, window_bounds = array<i64: 1, 1024, 3>}, {transform_indices = @transform_3, window_bounds = array<i64: 1, 1, 1024>}, {transform_indices = @transform_4, window_bounds = array<i64: 1, 1, 1024>}, {transform_indices = @transform_5, window_bounds = array<i64: 1, 1, 1024>}, {transform_indices = @transform_6, window_bounds = array<i64: 200, 32>}, {transform_indices = @transform_7, window_bounds = array<i64: 200, 32>}, {transform_indices = @transform_8, window_bounds = array<i64: 200, 32>}]} {
    %get3A = arith.constant 0 : index
    %get3A_0 = arith.constant 0 : index
    %get3A_1 = vector.load %arg1[%get3A, %get3A_0] : memref<200x3xf32, #tpu.memory_space<vmem>>, vector<200x3xf32>
    %mul3A = arith.mulf %get3A_1, %get3A_1 : vector<200x3xf32>
    %reduce_sum3A = arith.constant dense<0.000000e+00> : vector<200xf32>
    %reduce_sum3A_2 = vector.multi_reduction <add>, %mul3A, %reduce_sum3A [1] : vector<200x3xf32> to vector<200xf32>
    %broadcast_in_dim3A = vector.shape_cast %reduce_sum3A_2 : vector<200xf32> to vector<200x1xf32>
    %get3A_3 = arith.constant 0 : index
    %get3A_4 = arith.constant 0 : index
    %get3A_5 = arith.constant 0 : index
    %get3A_6 = vector.load %arg3[%get3A_3, %get3A_4, %get3A_5] : memref<1x1024x3xf32, #tpu.memory_space<vmem>>, vector<1x1024x3xf32>
    %get3A_7 = vector.shape_cast %get3A_6 : vector<1x1024x3xf32> to vector<1024x3xf32>
    %dot_general3A = arith.constant dense<0.000000e+00> : vector<200x1024xf32>
    %dot_general3A_8 = tpu.matmul %get3A_1, %get3A_7, %dot_general3A {dimension_numbers = #tpu.dot_dimension_numbers<[1], [1], [0], [0], [0, 0, 1, 0], [], []>, transpose_lhs_hint = false} : vector<200x3xf32>, vector<1024x3xf32>, vector<200x1024xf32> -> vector<200x1024xf32>
    %get3A_9 = arith.constant 0 : index
    %get3A_10 = arith.constant 0 : index
    %get3A_11 = arith.constant 0 : index
    %get3A_12 = vector.load %arg4[%get3A_9, %get3A_10, %get3A_11] : memref<1x1x1024xf32, #tpu.memory_space<vmem>>, vector<1x1x1024xf32>
    %get3A_13 = vector.shape_cast %get3A_12 : vector<1x1x1024xf32> to vector<1x1024xf32>
    %add3A = vector.broadcast %broadcast_in_dim3A : vector<200x1xf32> to vector<200x1024xf32>
    %add3A_14 = vector.broadcast %get3A_13 : vector<1x1024xf32> to vector<200x1024xf32>
    %add3A_15 = arith.addf %add3A, %add3A_14 : vector<200x1024xf32>
    %mul3A_16 = arith.constant 2.000000e+00 : f32
    %mul3A_17 = vector.broadcast %mul3A_16 : f32 to vector<200x1024xf32>
    %mul3A_18 = arith.mulf %mul3A_17, %dot_general3A_8 : vector<200x1024xf32>
    %sub3A = arith.subf %add3A_15, %mul3A_18 : vector<200x1024xf32>
    %max3A = arith.constant 0.000000e+00 : f32
    %max3A_19 = vector.broadcast %max3A : f32 to vector<200x1024xf32>
    %max3A_20 = arith.maximumf %sub3A, %max3A_19 : vector<200x1024xf32>
    %iota3A = tpu.iota {dimensions = array<i32: 0>} : vector<200x1xi32>
    %mul3A_21 = arith.constant 200 : i32
    %mul3A_22 = arith.muli %arg0, %mul3A_21 : i32
    %add3A_23 = vector.broadcast %mul3A_22 : i32 to vector<200x1xi32>
    %add3A_24 = arith.addi %iota3A, %add3A_23 : vector<200x1xi32>
    %get3A_25 = arith.constant 0 : index
    %get3A_26 = arith.constant 0 : index
    %get3A_27 = arith.constant 0 : index
    %get3A_28 = vector.load %arg6[%get3A_25, %get3A_26, %get3A_27] : memref<1x1x1024xi32, #tpu.memory_space<vmem>>, vector<1x1x1024xi32>
    %get3A_29 = vector.shape_cast %get3A_28 : vector<1x1x1024xi32> to vector<1x1024xi32>
    %get3A_30 = arith.constant 0 : index
    %get3A_31 = arith.constant 0 : index
    %get3A_32 = vector.load %arg2[%get3A_30, %get3A_31] : memref<200x1xi32, #tpu.memory_space<vmem>>, vector<200x1xi32>
    %get3A_33 = arith.constant 0 : index
    %get3A_34 = arith.constant 0 : index
    %get3A_35 = arith.constant 0 : index
    %get3A_36 = vector.load %arg5[%get3A_33, %get3A_34, %get3A_35] : memref<1x1x1024xi32, #tpu.memory_space<vmem>>, vector<1x1x1024xi32>
    %get3A_37 = vector.shape_cast %get3A_36 : vector<1x1x1024xi32> to vector<1x1024xi32>
    %eq3A = vector.broadcast %get3A_32 : vector<200x1xi32> to vector<200x1024xi32>
    %eq3A_38 = vector.broadcast %get3A_37 : vector<1x1024xi32> to vector<200x1024xi32>
    %eq3A_39 = arith.cmpi eq, %eq3A, %eq3A_38 : vector<200x1024xi32>
    %ne3A = vector.broadcast %add3A_24 : vector<200x1xi32> to vector<200x1024xi32>
    %ne3A_40 = vector.broadcast %get3A_29 : vector<1x1024xi32> to vector<200x1024xi32>
    %ne3A_41 = arith.cmpi ne, %ne3A, %ne3A_40 : vector<200x1024xi32>
    %and3A = arith.andi %eq3A_39, %ne3A_41 : vector<200x1024xi1>
    %lt3A = arith.constant 6.400000e+01 : f32
    %lt3A_42 = vector.broadcast %lt3A : f32 to vector<200x1024xf32>
    %lt3A_43 = arith.cmpf olt, %max3A_20, %lt3A_42 : vector<200x1024xf32>
    %and3A_44 = arith.andi %and3A, %lt3A_43 : vector<200x1024xi1>
    %jit3A = arith.constant 0x7F800000 : f32
    %broadcast_in_dim3A_45 = vector.broadcast %jit3A : f32 to vector<200x1024xf32>
    %select_n3A = arith.select %and3A_44, %max3A_20, %broadcast_in_dim3A_45 : vector<200x1024xi1>, vector<200x1024xf32>
    %reduce_min3A = arith.constant dense<0x7F800000> : vector<200xf32>
    %reduce_min3A_46 = vector.multi_reduction <minimumf>, %select_n3A, %reduce_min3A [1] : vector<200x1024xf32> to vector<200xf32>
    %broadcast_in_dim3A_47 = vector.shape_cast %reduce_min3A_46 : vector<200xf32> to vector<200x1xf32>
    %eq3A_48 = vector.broadcast %broadcast_in_dim3A_47 : vector<200x1xf32> to vector<200x1024xf32>
    %eq3A_49 = arith.cmpf oeq, %select_n3A, %eq3A_48 : vector<200x1024xf32>
    %jit3A_50 = arith.constant 10000 : i32
    %broadcast_in_dim3A_51 = vector.shape_cast %get3A_29 : vector<1x1024xi32> to vector<1x1024xi32>
    %broadcast_in_dim3A_52 = vector.broadcast %broadcast_in_dim3A_51 : vector<1x1024xi32> to vector<200x1024xi32>
    %broadcast_in_dim3A_53 = vector.broadcast %jit3A_50 : i32 to vector<200x1024xi32>
    %select_n3A_54 = arith.select %eq3A_49, %broadcast_in_dim3A_52, %broadcast_in_dim3A_53 : vector<200x1024xi1>, vector<200x1024xi32>
    %reduce_min3A_55 = arith.constant dense<2147483647> : vector<200xi32>
    %reduce_min3A_56 = vector.multi_reduction <minsi>, %select_n3A_54, %reduce_min3A_55 [1] : vector<200x1024xi32> to vector<200xi32>
    %broadcast_in_dim3A_57 = vector.shape_cast %reduce_min3A_56 : vector<200xi32> to vector<200x1xi32>
    %lt3A_58 = arith.constant 0x7F800000 : f32
    %lt3A_59 = vector.broadcast %lt3A_58 : f32 to vector<200x1xf32>
    %lt3A_60 = arith.cmpf olt, %broadcast_in_dim3A_47, %lt3A_59 : vector<200x1xf32>
    %jit3A_61 = arith.constant 0 : i32
    %broadcast_in_dim3A_62 = vector.broadcast %jit3A_61 : i32 to vector<200x1xi32>
    %select_n3A_63 = arith.select %lt3A_60, %broadcast_in_dim3A_57, %broadcast_in_dim3A_62 : vector<200x1xi1>, vector<200x1xi32>
    %swap3A = arith.constant 0 : index
    %swap3A_64 = arith.constant 0 : index
    %swap3A_65 = vector.load %arg7[%swap3A, %swap3A_64] : memref<200x32xi32, #tpu.memory_space<vmem>>, vector<200x1xi32>
    tpu.vector_store %arg7[%swap3A, %swap3A_64], %select_n3A_63 {strides = array<i32>} : memref<200x32xi32, #tpu.memory_space<vmem>>, vector<200x1xi32>,
    %jit3A_66 = arith.constant 1.000000e+00 : f32
    %jit3A_67 = arith.constant 0.000000e+00 : f32
    %broadcast_in_dim3A_68 = vector.broadcast %jit3A_66 : f32 to vector<200x1xf32>
    %broadcast_in_dim3A_69 = vector.broadcast %jit3A_67 : f32 to vector<200x1xf32>
    %select_n3A_70 = arith.select %lt3A_60, %broadcast_in_dim3A_68, %broadcast_in_dim3A_69 : vector<200x1xi1>, vector<200x1xf32>
    %swap3A_71 = arith.constant 0 : index
    %swap3A_72 = arith.constant 0 : index
    %swap3A_73 = vector.load %arg8[%swap3A_71, %swap3A_72] : memref<200x32xf32, #tpu.memory_space<vmem>>, vector<200x1xf32>
    tpu.vector_store %arg8[%swap3A_71, %swap3A_72], %select_n3A_70 {strides = array<i32>} : memref<200x32xf32, #tpu.memory_space<vmem>>, vector<200x1xf32>,
    %jit3A_74 = arith.constant 1.600000e+01 : f32
    %broadcast_in_dim3A_75 = vector.broadcast %jit3A_74 : f32 to vector<200x1xf32>
    %select_n3A_76 = arith.select %lt3A_60, %broadcast_in_dim3A_47, %broadcast_in_dim3A_75 : vector<200x1xi1>, vector<200x1xf32>
    %swap3A_77 = arith.constant 0 : index
    %swap3A_78 = arith.constant 0 : index
    %swap3A_79 = vector.load %arg9[%swap3A_77, %swap3A_78] : memref<200x32xf32, #tpu.memory_space<vmem>>, vector<200x1xf32>
    tpu.vector_store %arg9[%swap3A_77, %swap3A_78], %select_n3A_76 {strides = array<i32>} : memref<200x32xf32, #tpu.memory_space<vmem>>, vector<200x1xf32>,
    %eq3A_80 = vector.broadcast %get3A_29 : vector<1x1024xi32> to vector<200x1024xi32>
    %eq3A_81 = vector.broadcast %broadcast_in_dim3A_57 : vector<200x1xi32> to vector<200x1024xi32>
    %eq3A_82 = arith.cmpi eq, %eq3A_80, %eq3A_81 : vector<200x1024xi32>
    %and3A_83 = arith.andi %eq3A_49, %eq3A_82 : vector<200x1024xi1>
    %jit3A_84 = arith.constant 0x7F800000 : f32
    %broadcast_in_dim3A_85 = vector.broadcast %jit3A_84 : f32 to vector<200x1024xf32>
    %select_n3A_86 = arith.select %and3A_83, %broadcast_in_dim3A_85, %select_n3A : vector<200x1024xi1>, vector<200x1024xf32>
    %reduce_min3A_87 = arith.constant dense<0x7F800000> : vector<200xf32>
    %reduce_min3A_88 = vector.multi_reduction <minimumf>, %select_n3A_86, %reduce_min3A_87 [1] : vector<200x1024xf32> to vector<200xf32>
    %broadcast_in_dim3A_89 = vector.shape_cast %reduce_min3A_88 : vector<200xf32> to vector<200x1xf32>
    %eq3A_90 = vector.broadcast %broadcast_in_dim3A_89 : vector<200x1xf32> to vector<200x1024xf32>
    %eq3A_91 = arith.cmpf oeq, %select_n3A_86, %eq3A_90 : vector<200x1024xf32>
    %jit3A_92 = arith.constant 10000 : i32
    %broadcast_in_dim3A_93 = vector.shape_cast %get3A_29 : vector<1x1024xi32> to vector<1x1024xi32>
    %broadcast_in_dim3A_94 = vector.broadcast %broadcast_in_dim3A_93 : vector<1x1024xi32> to vector<200x1024xi32>
    %broadcast_in_dim3A_95 = vector.broadcast %jit3A_92 : i32 to vector<200x1024xi32>
    %select_n3A_96 = arith.select %eq3A_91, %broadcast_in_dim3A_94, %broadcast_in_dim3A_95 : vector<200x1024xi1>, vector<200x1024xi32>
    %reduce_min3A_97 = arith.constant dense<2147483647> : vector<200xi32>
    %reduce_min3A_98 = vector.multi_reduction <minsi>, %select_n3A_96, %reduce_min3A_97 [1] : vector<200x1024xi32> to vector<200xi32>
    %broadcast_in_dim3A_99 = vector.shape_cast %reduce_min3A_98 : vector<200xi32> to vector<200x1xi32>
    %lt3A_100 = arith.constant 0x7F800000 : f32
    %lt3A_101 = vector.broadcast %lt3A_100 : f32 to vector<200x1xf32>
    %lt3A_102 = arith.cmpf olt, %broadcast_in_dim3A_89, %lt3A_101 : vector<200x1xf32>
    %jit3A_103 = arith.constant 0 : i32
    %broadcast_in_dim3A_104 = vector.broadcast %jit3A_103 : i32 to vector<200x1xi32>
    %select_n3A_105 = arith.select %lt3A_102, %broadcast_in_dim3A_99, %broadcast_in_dim3A_104 : vector<200x1xi1>, vector<200x1xi32>
    %swap3A_106 = arith.constant 0 : index
    %swap3A_107 = arith.constant 1 : index
    %swap3A_108 = vector.load %arg7[%swap3A_106, %swap3A_107] : memref<200x32xi32, #tpu.memory_space<vmem>>, vector<200x1xi32>
    tpu.vector_store %arg7[%swap3A_106, %swap3A_107], %select_n3A_105 {strides = array<i32>} : memref<200x32xi32, #tpu.memory_space<vmem>>, vector<200x1xi32>,
    %jit3A_109 = arith.constant 1.000000e+00 : f32
    %jit3A_110 = arith.constant 0.000000e+00 : f32
    %broadcast_in_dim3A_111 = vector.broadcast %jit3A_109 : f32 to vector<200x1xf32>
    %broadcast_in_dim3A_112 = vector.broadcast %jit3A_110 : f32 to vector<200x1xf32>
    %select_n3A_113 = arith.select %lt3A_102, %broadcast_in_dim3A_111, %broadcast_in_dim3A_112 : vector<200x1xi1>, vector<200x1xf32>
    %swap3A_114 = arith.constant 0 : index
    %swap3A_115 = arith.constant 1 : index
    %swap3A_116 = vector.load %arg8[%swap3A_114, %swap3A_115] : memref<200x32xf32, #tpu.memory_space<vmem>>, vector<200x1xf32>
    tpu.vector_store %arg8[%swap3A_114, %swap3A_115], %select_n3A_113 {strides = array<i32>} : memref<200x32xf32, #tpu.memory_space<vmem>>, vector<200x1xf32>,
    %jit3A_117 = arith.constant 1.600000e+01 : f32
    %broadcast_in_dim3A_118 = vector.broadcast %jit3A_117 : f32 to vector<200x1xf32>
    %select_n3A_119 = arith.select %lt3A_102, %broadcast_in_dim3A_89, %broadcast_in_dim3A_118 : vector<200x1xi1>, vector<200x1xf32>
    %swap3A_120 = arith.constant 0 : index
    %swap3A_121 = arith.constant 1 : index
    %swap3A_122 = vector.load %arg9[%swap3A_120, %swap3A_121] : memref<200x32xf32, #tpu.memory_space<vmem>>, vector<200x1xf32>
    tpu.vector_store %arg9[%swap3A_120, %swap3A_121], %select_n3A_119 {strides = array<i32>} : memref<200x32xf32, #tpu.memory_space<vmem>>, vector<200x1xf32>,
    %eq3A_123 = vector.broadcast %get3A_29 : vector<1x1024xi32> to vector<200x1024xi32>
    %eq3A_124 = vector.broadcast %broadcast_in_dim3A_99 : vector<200x1xi32> to vector<200x1024xi32>
    %eq3A_125 = arith.cmpi eq, %eq3A_123, %eq3A_124 : vector<200x1024xi32>
    %and3A_126 = arith.andi %eq3A_91, %eq3A_125 : vector<200x1024xi1>
    %jit3A_127 = arith.constant 0x7F800000 : f32
    %broadcast_in_dim3A_128 = vector.broadcast %jit3A_127 : f32 to vector<200x1024xf32>
    %select_n3A_129 = arith.select %and3A_126, %broadcast_in_dim3A_128, %select_n3A_86 : vector<200x1024xi1>, vector<200x1024xf32>
    %reduce_min3A_130 = arith.constant dense<0x7F800000> : vector<200xf32>
    %reduce_min3A_131 = vector.multi_reduction <minimumf>, %select_n3A_129, %reduce_min3A_130 [1] : vector<200x1024xf32> to vector<200xf32>
    %broadcast_in_dim3A_132 = vector.shape_cast %reduce_min3A_131 : vector<200xf32> to vector<200x1xf32>
    %eq3A_133 = vector.broadcast %broadcast_in_dim3A_132 : vector<200x1xf32> to vector<200x1024xf32>
    %eq3A_134 = arith.cmpf oeq, %select_n3A_129, %eq3A_133 : vector<200x1024xf32>
    %jit3A_135 = arith.constant 10000 : i32
    %broadcast_in_dim3A_136 = vector.shape_cast %get3A_29 : vector<1x1024xi32> to vector<1x1024xi32>
    %broadcast_in_dim3A_137 = vector.broadcast %broadcast_in_dim3A_136 : vector<1x1024xi32> to vector<200x1024xi32>
    %broadcast_in_dim3A_138 = vector.broadcast %jit3A_135 : i32 to vector<200x1024xi32>
    %select_n3A_139 = arith.select %eq3A_134, %broadcast_in_dim3A_137, %broadcast_in_dim3A_138 : vector<200x1024xi1>, vector<200x1024xi32>
    %reduce_min3A_140 = arith.constant dense<2147483647> : vector<200xi32>
    %reduce_min3A_141 = vector.multi_reduction <minsi>, %select_n3A_139, %reduce_min3A_140 [1] : vector<200x1024xi32> to vector<200xi32>
    %broadcast_in_dim3A_142 = vector.shape_cast %reduce_min3A_141 : vector<200xi32> to vector<200x1xi32>
    %lt3A_143 = arith.constant 0x7F800000 : f32
    %lt3A_144 = vector.broadcast %lt3A_143 : f32 to vector<200x1xf32>
    %lt3A_145 = arith.cmpf olt, %broadcast_in_dim3A_132, %lt3A_144 : vector<200x1xf32>
    %jit3A_146 = arith.constant 0 : i32
    %broadcast_in_dim3A_147 = vector.broadcast %jit3A_146 : i32 to vector<200x1xi32>
    %select_n3A_148 = arith.select %lt3A_145, %broadcast_in_dim3A_142, %broadcast_in_dim3A_147 : vector<200x1xi1>, vector<200x1xi32>
    %swap3A_149 = arith.constant 0 : index
    %swap3A_150 = arith.constant 2 : index
    %swap3A_151 = vector.load %arg7[%swap3A_149, %swap3A_150] : memref<200x32xi32, #tpu.memory_space<vmem>>, vector<200x1xi32>
    tpu.vector_store %arg7[%swap3A_149, %swap3A_150], %select_n3A_148 {strides = array<i32>} : memref<200x32xi32, #tpu.memory_space<vmem>>, vector<200x1xi32>,
    %jit3A_152 = arith.constant 1.000000e+00 : f32
    %jit3A_153 = arith.constant 0.000000e+00 : f32
    %broadcast_in_dim3A_154 = vector.broadcast %jit3A_152 : f32 to vector<200x1xf32>
    %broadcast_in_dim3A_155 = vector.broadcast %jit3A_153 : f32 to vector<200x1xf32>
    %select_n3A_156 = arith.select %lt3A_145, %broadcast_in_dim3A_154, %broadcast_in_dim3A_155 : vector<200x1xi1>, vector<200x1xf32>
    %swap3A_157 = arith.constant 0 : index
    %swap3A_158 = arith.constant 2 : index
    %swap3A_159 = vector.load %arg8[%swap3A_157, %swap3A_158] : memref<200x32xf32, #tpu.memory_space<vmem>>, vector<200x1xf32>
    tpu.vector_store %arg8[%swap3A_157, %swap3A_158], %select_n3A_156 {strides = array<i32>} : memref<200x32xf32, #tpu.memory_space<vmem>>, vector<200x1xf32>,
    %jit3A_160 = arith.constant 1.600000e+01 : f32
    %broadcast_in_dim3A_161 = vector.broadcast %jit3A_160 : f32 to vector<200x1xf32>
    %select_n3A_162 = arith.select %lt3A_145, %broadcast_in_dim3A_132, %broadcast_in_dim3A_161 : vector<200x1xi1>, vector<200x1xf32>
    %swap3A_163 = arith.constant 0 : index
    %swap3A_164 = arith.constant 2 : index
    %swap3A_165 = vector.load %arg9[%swap3A_163, %swap3A_164] : memref<200x32xf32, #tpu.memory_space<vmem>>, vector<200x1xf32>
    tpu.vector_store %arg9[%swap3A_163, %swap3A_164], %select_n3A_162 {strides = array<i32>} : memref<200x32xf32, #tpu.memory_space<vmem>>, vector<200x1xf32>,
    %eq3A_166 = vector.broadcast %get3A_29 : vector<1x1024xi32> to vector<200x1024xi32>
    %eq3A_167 = vector.broadcast %broadcast_in_dim3A_142 : vector<200x1xi32> to vector<200x1024xi32>
    %eq3A_168 = arith.cmpi eq, %eq3A_166, %eq3A_167 : vector<200x1024xi32>
    %and3A_169 = arith.andi %eq3A_134, %eq3A_168 : vector<200x1024xi1>
    %jit3A_170 = arith.constant 0x7F800000 : f32
    %broadcast_in_dim3A_171 = vector.broadcast %jit3A_170 : f32 to vector<200x1024xf32>
    %select_n3A_172 = arith.select %and3A_169, %broadcast_in_dim3A_171, %select_n3A_129 : vector<200x1024xi1>, vector<200x1024xf32>
    %reduce_min3A_173 = arith.constant dense<0x7F800000> : vector<200xf32>
    %reduce_min3A_174 = vector.multi_reduction <minimumf>, %select_n3A_172, %reduce_min3A_173 [1] : vector<200x1024xf32> to vector<200xf32>
    %broadcast_in_dim3A_175 = vector.shape_cast %reduce_min3A_174 : vector<200xf32> to vector<200x1xf32>
    %eq3A_176 = vector.broadcast %broadcast_in_dim3A_175 : vector<200x1xf32> to vector<200x1024xf32>
    %eq3A_177 = arith.cmpf oeq, %select_n3A_172, %eq3A_176 : vector<200x1024xf32>
    %jit3A_178 = arith.constant 10000 : i32
    %broadcast_in_dim3A_179 = vector.shape_cast %get3A_29 : vector<1x1024xi32> to vector<1x1024xi32>
    %broadcast_in_dim3A_180 = vector.broadcast %broadcast_in_dim3A_179 : vector<1x1024xi32> to vector<200x1024xi32>
    %broadcast_in_dim3A_181 = vector.broadcast %jit3A_178 : i32 to vector<200x1024xi32>
    %select_n3A_182 = arith.select %eq3A_177, %broadcast_in_dim3A_180, %broadcast_in_dim3A_181 : vector<200x1024xi1>, vector<200x1024xi32>
    %reduce_min3A_183 = arith.constant dense<2147483647> : vector<200xi32>
    %reduce_min3A_184 = vector.multi_reduction <minsi>, %select_n3A_182, %reduce_min3A_183 [1] : vector<200x1024xi32> to vector<200xi32>
    %broadcast_in_dim3A_185 = vector.shape_cast %reduce_min3A_184 : vector<200xi32> to vector<200x1xi32>
    %lt3A_186 = arith.constant 0x7F800000 : f32
    %lt3A_187 = vector.broadcast %lt3A_186 : f32 to vector<200x1xf32>
    %lt3A_188 = arith.cmpf olt, %broadcast_in_dim3A_175, %lt3A_187 : vector<200x1xf32>
    %jit3A_189 = arith.constant 0 : i32
    %broadcast_in_dim3A_190 = vector.broadcast %jit3A_189 : i32 to vector<200x1xi32>
    %select_n3A_191 = arith.select %lt3A_188, %broadcast_in_dim3A_185, %broadcast_in_dim3A_190 : vector<200x1xi1>, vector<200x1xi32>
    %swap3A_192 = arith.constant 0 : index
    %swap3A_193 = arith.constant 3 : index
    %swap3A_194 = vector.load %arg7[%swap3A_192, %swap3A_193] : memref<200x32xi32, #tpu.memory_space<vmem>>, vector<200x1xi32>
    tpu.vector_store %arg7[%swap3A_192, %swap3A_193], %select_n3A_191 {strides = array<i32>} : memref<200x32xi32, #tpu.memory_space<vmem>>, vector<200x1xi32>,
    %jit3A_195 = arith.constant 1.000000e+00 : f32
    %jit3A_196 = arith.constant 0.000000e+00 : f32
    %broadcast_in_dim3A_197 = vector.broadcast %jit3A_195 : f32 to vector<200x1xf32>
    %broadcast_in_dim3A_198 = vector.broadcast %jit3A_196 : f32 to vector<200x1xf32>
    %select_n3A_199 = arith.select %lt3A_188, %broadcast_in_dim3A_197, %broadcast_in_dim3A_198 : vector<200x1xi1>, vector<200x1xf32>
    %swap3A_200 = arith.constant 0 : index
    %swap3A_201 = arith.constant 3 : index
    %swap3A_202 = vector.load %arg8[%swap3A_200, %swap3A_201] : memref<200x32xf32, #tpu.memory_space<vmem>>, vector<200x1xf32>
    tpu.vector_store %arg8[%swap3A_200, %swap3A_201], %select_n3A_199 {strides = array<i32>} : memref<200x32xf32, #tpu.memory_space<vmem>>, vector<200x1xf32>,
    %jit3A_203 = arith.constant 1.600000e+01 : f32
    %broadcast_in_dim3A_204 = vector.broadcast %jit3A_203 : f32 to vector<200x1xf32>
    %select_n3A_205 = arith.select %lt3A_188, %broadcast_in_dim3A_175, %broadcast_in_dim3A_204 : vector<200x1xi1>, vector<200x1xf32>
    %swap3A_206 = arith.constant 0 : index
    %swap3A_207 = arith.constant 3 : index
    %swap3A_208 = vector.load %arg9[%swap3A_206, %swap3A_207] : memref<200x32xf32, #tpu.memory_space<vmem>>, vector<200x1xf32>
    tpu.vector_store %arg9[%swap3A_206, %swap3A_207], %select_n3A_205 {strides = array<i32>} : memref<200x32xf32, #tpu.memory_space<vmem>>, vector<200x1xf32>,
    %eq3A_209 = vector.broadcast %get3A_29 : vector<1x1024xi32> to vector<200x1024xi32>
    %eq3A_210 = vector.broadcast %broadcast_in_dim3A_185 : vector<200x1xi32> to vector<200x1024xi32>
    %eq3A_211 = arith.cmpi eq, %eq3A_209, %eq3A_210 : vector<200x1024xi32>
    %and3A_212 = arith.andi %eq3A_177, %eq3A_211 : vector<200x1024xi1>
    %jit3A_213 = arith.constant 0x7F800000 : f32
    %broadcast_in_dim3A_214 = vector.broadcast %jit3A_213 : f32 to vector<200x1024xf32>
    %select_n3A_215 = arith.select %and3A_212, %broadcast_in_dim3A_214, %select_n3A_172 : vector<200x1024xi1>, vector<200x1024xf32>
    %reduce_min3A_216 = arith.constant dense<0x7F800000> : vector<200xf32>
    %reduce_min3A_217 = vector.multi_reduction <minimumf>, %select_n3A_215, %reduce_min3A_216 [1] : vector<200x1024xf32> to vector<200xf32>
    %broadcast_in_dim3A_218 = vector.shape_cast %reduce_min3A_217 : vector<200xf32> to vector<200x1xf32>
    %eq3A_219 = vector.broadcast %broadcast_in_dim3A_218 : vector<200x1xf32> to vector<200x1024xf32>
    %eq3A_220 = arith.cmpf oeq, %select_n3A_215, %eq3A_219 : vector<200x1024xf32>
    %jit3A_221 = arith.constant 10000 : i32
    %broadcast_in_dim3A_222 = vector.shape_cast %get3A_29 : vector<1x1024xi32> to vector<1x1024xi32>
    %broadcast_in_dim3A_223 = vector.broadcast %broadcast_in_dim3A_222 : vector<1x1024xi32> to vector<200x1024xi32>
    %broadcast_in_dim3A_224 = vector.broadcast %jit3A_221 : i32 to vector<200x1024xi32>
    %select_n3A_225 = arith.select %eq3A_220, %broadcast_in_dim3A_223, %broadcast_in_dim3A_224 : vector<200x1024xi1>, vector<200x1024xi32>
    %reduce_min3A_226 = arith.constant dense<2147483647> : vector<200xi32>
    %reduce_min3A_227 = vector.multi_reduction <minsi>, %select_n3A_225, %reduce_min3A_226 [1] : vector<200x1024xi32> to vector<200xi32>
    %broadcast_in_dim3A_228 = vector.shape_cast %reduce_min3A_227 : vector<200xi32> to vector<200x1xi32>
    %lt3A_229 = arith.constant 0x7F800000 : f32
    %lt3A_230 = vector.broadcast %lt3A_229 : f32 to vector<200x1xf32>
    %lt3A_231 = arith.cmpf olt, %broadcast_in_dim3A_218, %lt3A_230 : vector<200x1xf32>
    %jit3A_232 = arith.constant 0 : i32
    %broadcast_in_dim3A_233 = vector.broadcast %jit3A_232 : i32 to vector<200x1xi32>
    %select_n3A_234 = arith.select %lt3A_231, %broadcast_in_dim3A_228, %broadcast_in_dim3A_233 : vector<200x1xi1>, vector<200x1xi32>
    %swap3A_235 = arith.constant 0 : index
    %swap3A_236 = arith.constant 4 : index
    %swap3A_237 = vector.load %arg7[%swap3A_235, %swap3A_236] : memref<200x32xi32, #tpu.memory_space<vmem>>, vector<200x1xi32>
    tpu.vector_store %arg7[%swap3A_235, %swap3A_236], %select_n3A_234 {strides = array<i32>} : memref<200x32xi32, #tpu.memory_space<vmem>>, vector<200x1xi32>,
    %jit3A_238 = arith.constant 1.000000e+00 : f32
    %jit3A_239 = arith.constant 0.000000e+00 : f32
    %broadcast_in_dim3A_240 = vector.broadcast %jit3A_238 : f32 to vector<200x1xf32>
    %broadcast_in_dim3A_241 = vector.broadcast %jit3A_239 : f32 to vector<200x1xf32>
    %select_n3A_242 = arith.select %lt3A_231, %broadcast_in_dim3A_240, %broadcast_in_dim3A_241 : vector<200x1xi1>, vector<200x1xf32>
    %swap3A_243 = arith.constant 0 : index
    %swap3A_244 = arith.constant 4 : index
    %swap3A_245 = vector.load %arg8[%swap3A_243, %swap3A_244] : memref<200x32xf32, #tpu.memory_space<vmem>>, vector<200x1xf32>
    tpu.vector_store %arg8[%swap3A_243, %swap3A_244], %select_n3A_242 {strides = array<i32>} : memref<200x32xf32, #tpu.memory_space<vmem>>, vector<200x1xf32>,
    %jit3A_246 = arith.constant 1.600000e+01 : f32
    %broadcast_in_dim3A_247 = vector.broadcast %jit3A_246 : f32 to vector<200x1xf32>
    %select_n3A_248 = arith.select %lt3A_231, %broadcast_in_dim3A_218, %broadcast_in_dim3A_247 : vector<200x1xi1>, vector<200x1xf32>
    %swap3A_249 = arith.constant 0 : index
    %swap3A_250 = arith.constant 4 : index
    %swap3A_251 = vector.load %arg9[%swap3A_249, %swap3A_250] : memref<200x32xf32, #tpu.memory_space<vmem>>, vector<200x1xf32>
    tpu.vector_store %arg9[%swap3A_249, %swap3A_250], %select_n3A_248 {strides = array<i32>} : memref<200x32xf32, #tpu.memory_space<vmem>>, vector<200x1xf32>,
    %eq3A_252 = vector.broadcast %get3A_29 : vector<1x1024xi32> to vector<200x1024xi32>
    %eq3A_253 = vector.broadcast %broadcast_in_dim3A_228 : vector<200x1xi32> to vector<200x1024xi32>
    %eq3A_254 = arith.cmpi eq, %eq3A_252, %eq3A_253 : vector<200x1024xi32>
    %and3A_255 = arith.andi %eq3A_220, %eq3A_254 : vector<200x1024xi1>
    %jit3A_256 = arith.constant 0x7F800000 : f32
    %broadcast_in_dim3A_257 = vector.broadcast %jit3A_256 : f32 to vector<200x1024xf32>
    %select_n3A_258 = arith.select %and3A_255, %broadcast_in_dim3A_257, %select_n3A_215 : vector<200x1024xi1>, vector<200x1024xf32>
    %reduce_min3A_259 = arith.constant dense<0x7F800000> : vector<200xf32>
    %reduce_min3A_260 = vector.multi_reduction <minimumf>, %select_n3A_258, %reduce_min3A_259 [1] : vector<200x1024xf32> to vector<200xf32>
    %broadcast_in_dim3A_261 = vector.shape_cast %reduce_min3A_260 : vector<200xf32> to vector<200x1xf32>
    %eq3A_262 = vector.broadcast %broadcast_in_dim3A_261 : vector<200x1xf32> to vector<200x1024xf32>
    %eq3A_263 = arith.cmpf oeq, %select_n3A_258, %eq3A_262 : vector<200x1024xf32>
    %jit3A_264 = arith.constant 10000 : i32
    %broadcast_in_dim3A_265 = vector.shape_cast %get3A_29 : vector<1x1024xi32> to vector<1x1024xi32>
    %broadcast_in_dim3A_266 = vector.broadcast %broadcast_in_dim3A_265 : vector<1x1024xi32> to vector<200x1024xi32>
    %broadcast_in_dim3A_267 = vector.broadcast %jit3A_264 : i32 to vector<200x1024xi32>
    %select_n3A_268 = arith.select %eq3A_263, %broadcast_in_dim3A_266, %broadcast_in_dim3A_267 : vector<200x1024xi1>, vector<200x1024xi32>
    %reduce_min3A_269 = arith.constant dense<2147483647> : vector<200xi32>
    %reduce_min3A_270 = vector.multi_reduction <minsi>, %select_n3A_268, %reduce_min3A_269 [1] : vector<200x1024xi32> to vector<200xi32>
    %broadcast_in_dim3A_271 = vector.shape_cast %reduce_min3A_270 : vector<200xi32> to vector<200x1xi32>
    %lt3A_272 = arith.constant 0x7F800000 : f32
    %lt3A_273 = vector.broadcast %lt3A_272 : f32 to vector<200x1xf32>
    %lt3A_274 = arith.cmpf olt, %broadcast_in_dim3A_261, %lt3A_273 : vector<200x1xf32>
    %jit3A_275 = arith.constant 0 : i32
    %broadcast_in_dim3A_276 = vector.broadcast %jit3A_275 : i32 to vector<200x1xi32>
    %select_n3A_277 = arith.select %lt3A_274, %broadcast_in_dim3A_271, %broadcast_in_dim3A_276 : vector<200x1xi1>, vector<200x1xi32>
    %swap3A_278 = arith.constant 0 : index
    %swap3A_279 = arith.constant 5 : index
    %swap3A_280 = vector.load %arg7[%swap3A_278, %swap3A_279] : memref<200x32xi32, #tpu.memory_space<vmem>>, vector<200x1xi32>
    tpu.vector_store %arg7[%swap3A_278, %swap3A_279], %select_n3A_277 {strides = array<i32>} : memref<200x32xi32, #tpu.memory_space<vmem>>, vector<200x1xi32>,
    %jit3A_281 = arith.constant 1.000000e+00 : f32
    %jit3A_282 = arith.constant 0.000000e+00 : f32
    %broadcast_in_dim3A_283 = vector.broadcast %jit3A_281 : f32 to vector<200x1xf32>
    %broadcast_in_dim3A_284 = vector.broadcast %jit3A_282 : f32 to vector<200x1xf32>
    %select_n3A_285 = arith.select %lt3A_274, %broadcast_in_dim3A_283, %broadcast_in_dim3A_284 : vector<200x1xi1>, vector<200x1xf32>
    %swap3A_286 = arith.constant 0 : index
    %swap3A_287 = arith.constant 5 : index
    %swap3A_288 = vector.load %arg8[%swap3A_286, %swap3A_287] : memref<200x32xf32, #tpu.memory_space<vmem>>, vector<200x1xf32>
    tpu.vector_store %arg8[%swap3A_286, %swap3A_287], %select_n3A_285 {strides = array<i32>} : memref<200x32xf32, #tpu.memory_space<vmem>>, vector<200x1xf32>,
    %jit3A_289 = arith.constant 1.600000e+01 : f32
    %broadcast_in_dim3A_290 = vector.broadcast %jit3A_289 : f32 to vector<200x1xf32>
    %select_n3A_291 = arith.select %lt3A_274, %broadcast_in_dim3A_261, %broadcast_in_dim3A_290 : vector<200x1xi1>, vector<200x1xf32>
    %swap3A_292 = arith.constant 0 : index
    %swap3A_293 = arith.constant 5 : index
    %swap3A_294 = vector.load %arg9[%swap3A_292, %swap3A_293] : memref<200x32xf32, #tpu.memory_space<vmem>>, vector<200x1xf32>
    tpu.vector_store %arg9[%swap3A_292, %swap3A_293], %select_n3A_291 {strides = array<i32>} : memref<200x32xf32, #tpu.memory_space<vmem>>, vector<200x1xf32>,
    %eq3A_295 = vector.broadcast %get3A_29 : vector<1x1024xi32> to vector<200x1024xi32>
    %eq3A_296 = vector.broadcast %broadcast_in_dim3A_271 : vector<200x1xi32> to vector<200x1024xi32>
    %eq3A_297 = arith.cmpi eq, %eq3A_295, %eq3A_296 : vector<200x1024xi32>
    %and3A_298 = arith.andi %eq3A_263, %eq3A_297 : vector<200x1024xi1>
    %jit3A_299 = arith.constant 0x7F800000 : f32
    %broadcast_in_dim3A_300 = vector.broadcast %jit3A_299 : f32 to vector<200x1024xf32>
    %select_n3A_301 = arith.select %and3A_298, %broadcast_in_dim3A_300, %select_n3A_258 : vector<200x1024xi1>, vector<200x1024xf32>
    %reduce_min3A_302 = arith.constant dense<0x7F800000> : vector<200xf32>
    %reduce_min3A_303 = vector.multi_reduction <minimumf>, %select_n3A_301, %reduce_min3A_302 [1] : vector<200x1024xf32> to vector<200xf32>
    %broadcast_in_dim3A_304 = vector.shape_cast %reduce_min3A_303 : vector<200xf32> to vector<200x1xf32>
    %eq3A_305 = vector.broadcast %broadcast_in_dim3A_304 : vector<200x1xf32> to vector<200x1024xf32>
    %eq3A_306 = arith.cmpf oeq, %select_n3A_301, %eq3A_305 : vector<200x1024xf32>
    %jit3A_307 = arith.constant 10000 : i32
    %broadcast_in_dim3A_308 = vector.shape_cast %get3A_29 : vector<1x1024xi32> to vector<1x1024xi32>
    %broadcast_in_dim3A_309 = vector.broadcast %broadcast_in_dim3A_308 : vector<1x1024xi32> to vector<200x1024xi32>
    %broadcast_in_dim3A_310 = vector.broadcast %jit3A_307 : i32 to vector<200x1024xi32>
    %select_n3A_311 = arith.select %eq3A_306, %broadcast_in_dim3A_309, %broadcast_in_dim3A_310 : vector<200x1024xi1>, vector<200x1024xi32>
    %reduce_min3A_312 = arith.constant dense<2147483647> : vector<200xi32>
    %reduce_min3A_313 = vector.multi_reduction <minsi>, %select_n3A_311, %reduce_min3A_312 [1] : vector<200x1024xi32> to vector<200xi32>
    %broadcast_in_dim3A_314 = vector.shape_cast %reduce_min3A_313 : vector<200xi32> to vector<200x1xi32>
    %lt3A_315 = arith.constant 0x7F800000 : f32
    %lt3A_316 = vector.broadcast %lt3A_315 : f32 to vector<200x1xf32>
    %lt3A_317 = arith.cmpf olt, %broadcast_in_dim3A_304, %lt3A_316 : vector<200x1xf32>
    %jit3A_318 = arith.constant 0 : i32
    %broadcast_in_dim3A_319 = vector.broadcast %jit3A_318 : i32 to vector<200x1xi32>
    %select_n3A_320 = arith.select %lt3A_317, %broadcast_in_dim3A_314, %broadcast_in_dim3A_319 : vector<200x1xi1>, vector<200x1xi32>
    %swap3A_321 = arith.constant 0 : index
    %swap3A_322 = arith.constant 6 : index
    %swap3A_323 = vector.load %arg7[%swap3A_321, %swap3A_322] : memref<200x32xi32, #tpu.memory_space<vmem>>, vector<200x1xi32>
    tpu.vector_store %arg7[%swap3A_321, %swap3A_322], %select_n3A_320 {strides = array<i32>} : memref<200x32xi32, #tpu.memory_space<vmem>>, vector<200x1xi32>,
    %jit3A_324 = arith.constant 1.000000e+00 : f32
    %jit3A_325 = arith.constant 0.000000e+00 : f32
    %broadcast_in_dim3A_326 = vector.broadcast %jit3A_324 : f32 to vector<200x1xf32>
    %broadcast_in_dim3A_327 = vector.broadcast %jit3A_325 : f32 to vector<200x1xf32>
    %select_n3A_328 = arith.select %lt3A_317, %broadcast_in_dim3A_326, %broadcast_in_dim3A_327 : vector<200x1xi1>, vector<200x1xf32>
    %swap3A_329 = arith.constant 0 : index
    %swap3A_330 = arith.constant 6 : index
    %swap3A_331 = vector.load %arg8[%swap3A_329, %swap3A_330] : memref<200x32xf32, #tpu.memory_space<vmem>>, vector<200x1xf32>
    tpu.vector_store %arg8[%swap3A_329, %swap3A_330], %select_n3A_328 {strides = array<i32>} : memref<200x32xf32, #tpu.memory_space<vmem>>, vector<200x1xf32>,
    %jit3A_332 = arith.constant 1.600000e+01 : f32
    %broadcast_in_dim3A_333 = vector.broadcast %jit3A_332 : f32 to vector<200x1xf32>
    %select_n3A_334 = arith.select %lt3A_317, %broadcast_in_dim3A_304, %broadcast_in_dim3A_333 : vector<200x1xi1>, vector<200x1xf32>
    %swap3A_335 = arith.constant 0 : index
    %swap3A_336 = arith.constant 6 : index
    %swap3A_337 = vector.load %arg9[%swap3A_335, %swap3A_336] : memref<200x32xf32, #tpu.memory_space<vmem>>, vector<200x1xf32>
    tpu.vector_store %arg9[%swap3A_335, %swap3A_336], %select_n3A_334 {strides = array<i32>} : memref<200x32xf32, #tpu.memory_space<vmem>>, vector<200x1xf32>,
    %eq3A_338 = vector.broadcast %get3A_29 : vector<1x1024xi32> to vector<200x1024xi32>
    %eq3A_339 = vector.broadcast %broadcast_in_dim3A_314 : vector<200x1xi32> to vector<200x1024xi32>
    %eq3A_340 = arith.cmpi eq, %eq3A_338, %eq3A_339 : vector<200x1024xi32>
    %and3A_341 = arith.andi %eq3A_306, %eq3A_340 : vector<200x1024xi1>
    %jit3A_342 = arith.constant 0x7F800000 : f32
    %broadcast_in_dim3A_343 = vector.broadcast %jit3A_342 : f32 to vector<200x1024xf32>
    %select_n3A_344 = arith.select %and3A_341, %broadcast_in_dim3A_343, %select_n3A_301 : vector<200x1024xi1>, vector<200x1024xf32>
    %reduce_min3A_345 = arith.constant dense<0x7F800000> : vector<200xf32>
    %reduce_min3A_346 = vector.multi_reduction <minimumf>, %select_n3A_344, %reduce_min3A_345 [1] : vector<200x1024xf32> to vector<200xf32>
    %broadcast_in_dim3A_347 = vector.shape_cast %reduce_min3A_346 : vector<200xf32> to vector<200x1xf32>
    %eq3A_348 = vector.broadcast %broadcast_in_dim3A_347 : vector<200x1xf32> to vector<200x1024xf32>
    %eq3A_349 = arith.cmpf oeq, %select_n3A_344, %eq3A_348 : vector<200x1024xf32>
    %jit3A_350 = arith.constant 10000 : i32
    %broadcast_in_dim3A_351 = vector.shape_cast %get3A_29 : vector<1x1024xi32> to vector<1x1024xi32>
    %broadcast_in_dim3A_352 = vector.broadcast %broadcast_in_dim3A_351 : vector<1x1024xi32> to vector<200x1024xi32>
    %broadcast_in_dim3A_353 = vector.broadcast %jit3A_350 : i32 to vector<200x1024xi32>
    %select_n3A_354 = arith.select %eq3A_349, %broadcast_in_dim3A_352, %broadcast_in_dim3A_353 : vector<200x1024xi1>, vector<200x1024xi32>
    %reduce_min3A_355 = arith.constant dense<2147483647> : vector<200xi32>
    %reduce_min3A_356 = vector.multi_reduction <minsi>, %select_n3A_354, %reduce_min3A_355 [1] : vector<200x1024xi32> to vector<200xi32>
    %broadcast_in_dim3A_357 = vector.shape_cast %reduce_min3A_356 : vector<200xi32> to vector<200x1xi32>
    %lt3A_358 = arith.constant 0x7F800000 : f32
    %lt3A_359 = vector.broadcast %lt3A_358 : f32 to vector<200x1xf32>
    %lt3A_360 = arith.cmpf olt, %broadcast_in_dim3A_347, %lt3A_359 : vector<200x1xf32>
    %jit3A_361 = arith.constant 0 : i32
    %broadcast_in_dim3A_362 = vector.broadcast %jit3A_361 : i32 to vector<200x1xi32>
    %select_n3A_363 = arith.select %lt3A_360, %broadcast_in_dim3A_357, %broadcast_in_dim3A_362 : vector<200x1xi1>, vector<200x1xi32>
    %swap3A_364 = arith.constant 0 : index
    %swap3A_365 = arith.constant 7 : index
    %swap3A_366 = vector.load %arg7[%swap3A_364, %swap3A_365] : memref<200x32xi32, #tpu.memory_space<vmem>>, vector<200x1xi32>
    tpu.vector_store %arg7[%swap3A_364, %swap3A_365], %select_n3A_363 {strides = array<i32>} : memref<200x32xi32, #tpu.memory_space<vmem>>, vector<200x1xi32>,
    %jit3A_367 = arith.constant 1.000000e+00 : f32
    %jit3A_368 = arith.constant 0.000000e+00 : f32
    %broadcast_in_dim3A_369 = vector.broadcast %jit3A_367 : f32 to vector<200x1xf32>
    %broadcast_in_dim3A_370 = vector.broadcast %jit3A_368 : f32 to vector<200x1xf32>
    %select_n3A_371 = arith.select %lt3A_360, %broadcast_in_dim3A_369, %broadcast_in_dim3A_370 : vector<200x1xi1>, vector<200x1xf32>
    %swap3A_372 = arith.constant 0 : index
    %swap3A_373 = arith.constant 7 : index
    %swap3A_374 = vector.load %arg8[%swap3A_372, %swap3A_373] : memref<200x32xf32, #tpu.memory_space<vmem>>, vector<200x1xf32>
    tpu.vector_store %arg8[%swap3A_372, %swap3A_373], %select_n3A_371 {strides = array<i32>} : memref<200x32xf32, #tpu.memory_space<vmem>>, vector<200x1xf32>,
    %jit3A_375 = arith.constant 1.600000e+01 : f32
    %broadcast_in_dim3A_376 = vector.broadcast %jit3A_375 : f32 to vector<200x1xf32>
    %select_n3A_377 = arith.select %lt3A_360, %broadcast_in_dim3A_347, %broadcast_in_dim3A_376 : vector<200x1xi1>, vector<200x1xf32>
    %swap3A_378 = arith.constant 0 : index
    %swap3A_379 = arith.constant 7 : index
    %swap3A_380 = vector.load %arg9[%swap3A_378, %swap3A_379] : memref<200x32xf32, #tpu.memory_space<vmem>>, vector<200x1xf32>
    tpu.vector_store %arg9[%swap3A_378, %swap3A_379], %select_n3A_377 {strides = array<i32>} : memref<200x32xf32, #tpu.memory_space<vmem>>, vector<200x1xf32>,
    %eq3A_381 = vector.broadcast %get3A_29 : vector<1x1024xi32> to vector<200x1024xi32>
    %eq3A_382 = vector.broadcast %broadcast_in_dim3A_357 : vector<200x1xi32> to vector<200x1024xi32>
    %eq3A_383 = arith.cmpi eq, %eq3A_381, %eq3A_382 : vector<200x1024xi32>
    %and3A_384 = arith.andi %eq3A_349, %eq3A_383 : vector<200x1024xi1>
    %jit3A_385 = arith.constant 0x7F800000 : f32
    %broadcast_in_dim3A_386 = vector.broadcast %jit3A_385 : f32 to vector<200x1024xf32>
    %select_n3A_387 = arith.select %and3A_384, %broadcast_in_dim3A_386, %select_n3A_344 : vector<200x1024xi1>, vector<200x1024xf32>
    %reduce_min3A_388 = arith.constant dense<0x7F800000> : vector<200xf32>
    %reduce_min3A_389 = vector.multi_reduction <minimumf>, %select_n3A_387, %reduce_min3A_388 [1] : vector<200x1024xf32> to vector<200xf32>
    %broadcast_in_dim3A_390 = vector.shape_cast %reduce_min3A_389 : vector<200xf32> to vector<200x1xf32>
    %eq3A_391 = vector.broadcast %broadcast_in_dim3A_390 : vector<200x1xf32> to vector<200x1024xf32>
    %eq3A_392 = arith.cmpf oeq, %select_n3A_387, %eq3A_391 : vector<200x1024xf32>
    %jit3A_393 = arith.constant 10000 : i32
    %broadcast_in_dim3A_394 = vector.shape_cast %get3A_29 : vector<1x1024xi32> to vector<1x1024xi32>
    %broadcast_in_dim3A_395 = vector.broadcast %broadcast_in_dim3A_394 : vector<1x1024xi32> to vector<200x1024xi32>
    %broadcast_in_dim3A_396 = vector.broadcast %jit3A_393 : i32 to vector<200x1024xi32>
    %select_n3A_397 = arith.select %eq3A_392, %broadcast_in_dim3A_395, %broadcast_in_dim3A_396 : vector<200x1024xi1>, vector<200x1024xi32>
    %reduce_min3A_398 = arith.constant dense<2147483647> : vector<200xi32>
    %reduce_min3A_399 = vector.multi_reduction <minsi>, %select_n3A_397, %reduce_min3A_398 [1] : vector<200x1024xi32> to vector<200xi32>
    %broadcast_in_dim3A_400 = vector.shape_cast %reduce_min3A_399 : vector<200xi32> to vector<200x1xi32>
    %lt3A_401 = arith.constant 0x7F800000 : f32
    %lt3A_402 = vector.broadcast %lt3A_401 : f32 to vector<200x1xf32>
    %lt3A_403 = arith.cmpf olt, %broadcast_in_dim3A_390, %lt3A_402 : vector<200x1xf32>
    %jit3A_404 = arith.constant 0 : i32
    %broadcast_in_dim3A_405 = vector.broadcast %jit3A_404 : i32 to vector<200x1xi32>
    %select_n3A_406 = arith.select %lt3A_403, %broadcast_in_dim3A_400, %broadcast_in_dim3A_405 : vector<200x1xi1>, vector<200x1xi32>
    %swap3A_407 = arith.constant 0 : index
    %swap3A_408 = arith.constant 8 : index
    %swap3A_409 = vector.load %arg7[%swap3A_407, %swap3A_408] : memref<200x32xi32, #tpu.memory_space<vmem>>, vector<200x1xi32>
    tpu.vector_store %arg7[%swap3A_407, %swap3A_408], %select_n3A_406 {strides = array<i32>} : memref<200x32xi32, #tpu.memory_space<vmem>>, vector<200x1xi32>,
    %jit3A_410 = arith.constant 1.000000e+00 : f32
    %jit3A_411 = arith.constant 0.000000e+00 : f32
    %broadcast_in_dim3A_412 = vector.broadcast %jit3A_410 : f32 to vector<200x1xf32>
    %broadcast_in_dim3A_413 = vector.broadcast %jit3A_411 : f32 to vector<200x1xf32>
    %select_n3A_414 = arith.select %lt3A_403, %broadcast_in_dim3A_412, %broadcast_in_dim3A_413 : vector<200x1xi1>, vector<200x1xf32>
    %swap3A_415 = arith.constant 0 : index
    %swap3A_416 = arith.constant 8 : index
    %swap3A_417 = vector.load %arg8[%swap3A_415, %swap3A_416] : memref<200x32xf32, #tpu.memory_space<vmem>>, vector<200x1xf32>
    tpu.vector_store %arg8[%swap3A_415, %swap3A_416], %select_n3A_414 {strides = array<i32>} : memref<200x32xf32, #tpu.memory_space<vmem>>, vector<200x1xf32>,
    %jit3A_418 = arith.constant 1.600000e+01 : f32
    %broadcast_in_dim3A_419 = vector.broadcast %jit3A_418 : f32 to vector<200x1xf32>
    %select_n3A_420 = arith.select %lt3A_403, %broadcast_in_dim3A_390, %broadcast_in_dim3A_419 : vector<200x1xi1>, vector<200x1xf32>
    %swap3A_421 = arith.constant 0 : index
    %swap3A_422 = arith.constant 8 : index
    %swap3A_423 = vector.load %arg9[%swap3A_421, %swap3A_422] : memref<200x32xf32, #tpu.memory_space<vmem>>, vector<200x1xf32>
    tpu.vector_store %arg9[%swap3A_421, %swap3A_422], %select_n3A_420 {strides = array<i32>} : memref<200x32xf32, #tpu.memory_space<vmem>>, vector<200x1xf32>,
    %eq3A_424 = vector.broadcast %get3A_29 : vector<1x1024xi32> to vector<200x1024xi32>
    %eq3A_425 = vector.broadcast %broadcast_in_dim3A_400 : vector<200x1xi32> to vector<200x1024xi32>
    %eq3A_426 = arith.cmpi eq, %eq3A_424, %eq3A_425 : vector<200x1024xi32>
    %and3A_427 = arith.andi %eq3A_392, %eq3A_426 : vector<200x1024xi1>
    %jit3A_428 = arith.constant 0x7F800000 : f32
    %broadcast_in_dim3A_429 = vector.broadcast %jit3A_428 : f32 to vector<200x1024xf32>
    %select_n3A_430 = arith.select %and3A_427, %broadcast_in_dim3A_429, %select_n3A_387 : vector<200x1024xi1>, vector<200x1024xf32>
    %reduce_min3A_431 = arith.constant dense<0x7F800000> : vector<200xf32>
    %reduce_min3A_432 = vector.multi_reduction <minimumf>, %select_n3A_430, %reduce_min3A_431 [1] : vector<200x1024xf32> to vector<200xf32>
    %broadcast_in_dim3A_433 = vector.shape_cast %reduce_min3A_432 : vector<200xf32> to vector<200x1xf32>
    %eq3A_434 = vector.broadcast %broadcast_in_dim3A_433 : vector<200x1xf32> to vector<200x1024xf32>
    %eq3A_435 = arith.cmpf oeq, %select_n3A_430, %eq3A_434 : vector<200x1024xf32>
    %jit3A_436 = arith.constant 10000 : i32
    %broadcast_in_dim3A_437 = vector.shape_cast %get3A_29 : vector<1x1024xi32> to vector<1x1024xi32>
    %broadcast_in_dim3A_438 = vector.broadcast %broadcast_in_dim3A_437 : vector<1x1024xi32> to vector<200x1024xi32>
    %broadcast_in_dim3A_439 = vector.broadcast %jit3A_436 : i32 to vector<200x1024xi32>
    %select_n3A_440 = arith.select %eq3A_435, %broadcast_in_dim3A_438, %broadcast_in_dim3A_439 : vector<200x1024xi1>, vector<200x1024xi32>
    %reduce_min3A_441 = arith.constant dense<2147483647> : vector<200xi32>
    %reduce_min3A_442 = vector.multi_reduction <minsi>, %select_n3A_440, %reduce_min3A_441 [1] : vector<200x1024xi32> to vector<200xi32>
    %broadcast_in_dim3A_443 = vector.shape_cast %reduce_min3A_442 : vector<200xi32> to vector<200x1xi32>
    %lt3A_444 = arith.constant 0x7F800000 : f32
    %lt3A_445 = vector.broadcast %lt3A_444 : f32 to vector<200x1xf32>
    %lt3A_446 = arith.cmpf olt, %broadcast_in_dim3A_433, %lt3A_445 : vector<200x1xf32>
    %jit3A_447 = arith.constant 0 : i32
    %broadcast_in_dim3A_448 = vector.broadcast %jit3A_447 : i32 to vector<200x1xi32>
    %select_n3A_449 = arith.select %lt3A_446, %broadcast_in_dim3A_443, %broadcast_in_dim3A_448 : vector<200x1xi1>, vector<200x1xi32>
    %swap3A_450 = arith.constant 0 : index
    %swap3A_451 = arith.constant 9 : index
    %swap3A_452 = vector.load %arg7[%swap3A_450, %swap3A_451] : memref<200x32xi32, #tpu.memory_space<vmem>>, vector<200x1xi32>
    tpu.vector_store %arg7[%swap3A_450, %swap3A_451], %select_n3A_449 {strides = array<i32>} : memref<200x32xi32, #tpu.memory_space<vmem>>, vector<200x1xi32>,
    %jit3A_453 = arith.constant 1.000000e+00 : f32
    %jit3A_454 = arith.constant 0.000000e+00 : f32
    %broadcast_in_dim3A_455 = vector.broadcast %jit3A_453 : f32 to vector<200x1xf32>
    %broadcast_in_dim3A_456 = vector.broadcast %jit3A_454 : f32 to vector<200x1xf32>
    %select_n3A_457 = arith.select %lt3A_446, %broadcast_in_dim3A_455, %broadcast_in_dim3A_456 : vector<200x1xi1>, vector<200x1xf32>
    %swap3A_458 = arith.constant 0 : index
    %swap3A_459 = arith.constant 9 : index
    %swap3A_460 = vector.load %arg8[%swap3A_458, %swap3A_459] : memref<200x32xf32, #tpu.memory_space<vmem>>, vector<200x1xf32>
    tpu.vector_store %arg8[%swap3A_458, %swap3A_459], %select_n3A_457 {strides = array<i32>} : memref<200x32xf32, #tpu.memory_space<vmem>>, vector<200x1xf32>,
    %jit3A_461 = arith.constant 1.600000e+01 : f32
    %broadcast_in_dim3A_462 = vector.broadcast %jit3A_461 : f32 to vector<200x1xf32>
    %select_n3A_463 = arith.select %lt3A_446, %broadcast_in_dim3A_433, %broadcast_in_dim3A_462 : vector<200x1xi1>, vector<200x1xf32>
    %swap3A_464 = arith.constant 0 : index
    %swap3A_465 = arith.constant 9 : index
    %swap3A_466 = vector.load %arg9[%swap3A_464, %swap3A_465] : memref<200x32xf32, #tpu.memory_space<vmem>>, vector<200x1xf32>
    tpu.vector_store %arg9[%swap3A_464, %swap3A_465], %select_n3A_463 {strides = array<i32>} : memref<200x32xf32, #tpu.memory_space<vmem>>, vector<200x1xf32>,
    %eq3A_467 = vector.broadcast %get3A_29 : vector<1x1024xi32> to vector<200x1024xi32>
    %eq3A_468 = vector.broadcast %broadcast_in_dim3A_443 : vector<200x1xi32> to vector<200x1024xi32>
    %eq3A_469 = arith.cmpi eq, %eq3A_467, %eq3A_468 : vector<200x1024xi32>
    %and3A_470 = arith.andi %eq3A_435, %eq3A_469 : vector<200x1024xi1>
    %jit3A_471 = arith.constant 0x7F800000 : f32
    %broadcast_in_dim3A_472 = vector.broadcast %jit3A_471 : f32 to vector<200x1024xf32>
    %select_n3A_473 = arith.select %and3A_470, %broadcast_in_dim3A_472, %select_n3A_430 : vector<200x1024xi1>, vector<200x1024xf32>
    %reduce_min3A_474 = arith.constant dense<0x7F800000> : vector<200xf32>
    %reduce_min3A_475 = vector.multi_reduction <minimumf>, %select_n3A_473, %reduce_min3A_474 [1] : vector<200x1024xf32> to vector<200xf32>
    %broadcast_in_dim3A_476 = vector.shape_cast %reduce_min3A_475 : vector<200xf32> to vector<200x1xf32>
    %eq3A_477 = vector.broadcast %broadcast_in_dim3A_476 : vector<200x1xf32> to vector<200x1024xf32>
    %eq3A_478 = arith.cmpf oeq, %select_n3A_473, %eq3A_477 : vector<200x1024xf32>
    %jit3A_479 = arith.constant 10000 : i32
    %broadcast_in_dim3A_480 = vector.shape_cast %get3A_29 : vector<1x1024xi32> to vector<1x1024xi32>
    %broadcast_in_dim3A_481 = vector.broadcast %broadcast_in_dim3A_480 : vector<1x1024xi32> to vector<200x1024xi32>
    %broadcast_in_dim3A_482 = vector.broadcast %jit3A_479 : i32 to vector<200x1024xi32>
    %select_n3A_483 = arith.select %eq3A_478, %broadcast_in_dim3A_481, %broadcast_in_dim3A_482 : vector<200x1024xi1>, vector<200x1024xi32>
    %reduce_min3A_484 = arith.constant dense<2147483647> : vector<200xi32>
    %reduce_min3A_485 = vector.multi_reduction <minsi>, %select_n3A_483, %reduce_min3A_484 [1] : vector<200x1024xi32> to vector<200xi32>
    %broadcast_in_dim3A_486 = vector.shape_cast %reduce_min3A_485 : vector<200xi32> to vector<200x1xi32>
    %lt3A_487 = arith.constant 0x7F800000 : f32
    %lt3A_488 = vector.broadcast %lt3A_487 : f32 to vector<200x1xf32>
    %lt3A_489 = arith.cmpf olt, %broadcast_in_dim3A_476, %lt3A_488 : vector<200x1xf32>
    %jit3A_490 = arith.constant 0 : i32
    %broadcast_in_dim3A_491 = vector.broadcast %jit3A_490 : i32 to vector<200x1xi32>
    %select_n3A_492 = arith.select %lt3A_489, %broadcast_in_dim3A_486, %broadcast_in_dim3A_491 : vector<200x1xi1>, vector<200x1xi32>
    %swap3A_493 = arith.constant 0 : index
    %swap3A_494 = arith.constant 10 : index
    %swap3A_495 = vector.load %arg7[%swap3A_493, %swap3A_494] : memref<200x32xi32, #tpu.memory_space<vmem>>, vector<200x1xi32>
    tpu.vector_store %arg7[%swap3A_493, %swap3A_494], %select_n3A_492 {strides = array<i32>} : memref<200x32xi32, #tpu.memory_space<vmem>>, vector<200x1xi32>,
    %jit3A_496 = arith.constant 1.000000e+00 : f32
    %jit3A_497 = arith.constant 0.000000e+00 : f32
    %broadcast_in_dim3A_498 = vector.broadcast %jit3A_496 : f32 to vector<200x1xf32>
    %broadcast_in_dim3A_499 = vector.broadcast %jit3A_497 : f32 to vector<200x1xf32>
    %select_n3A_500 = arith.select %lt3A_489, %broadcast_in_dim3A_498, %broadcast_in_dim3A_499 : vector<200x1xi1>, vector<200x1xf32>
    %swap3A_501 = arith.constant 0 : index
    %swap3A_502 = arith.constant 10 : index
    %swap3A_503 = vector.load %arg8[%swap3A_501, %swap3A_502] : memref<200x32xf32, #tpu.memory_space<vmem>>, vector<200x1xf32>
    tpu.vector_store %arg8[%swap3A_501, %swap3A_502], %select_n3A_500 {strides = array<i32>} : memref<200x32xf32, #tpu.memory_space<vmem>>, vector<200x1xf32>,
    %jit3A_504 = arith.constant 1.600000e+01 : f32
    %broadcast_in_dim3A_505 = vector.broadcast %jit3A_504 : f32 to vector<200x1xf32>
    %select_n3A_506 = arith.select %lt3A_489, %broadcast_in_dim3A_476, %broadcast_in_dim3A_505 : vector<200x1xi1>, vector<200x1xf32>
    %swap3A_507 = arith.constant 0 : index
    %swap3A_508 = arith.constant 10 : index
    %swap3A_509 = vector.load %arg9[%swap3A_507, %swap3A_508] : memref<200x32xf32, #tpu.memory_space<vmem>>, vector<200x1xf32>
    tpu.vector_store %arg9[%swap3A_507, %swap3A_508], %select_n3A_506 {strides = array<i32>} : memref<200x32xf32, #tpu.memory_space<vmem>>, vector<200x1xf32>,
    %eq3A_510 = vector.broadcast %get3A_29 : vector<1x1024xi32> to vector<200x1024xi32>
    %eq3A_511 = vector.broadcast %broadcast_in_dim3A_486 : vector<200x1xi32> to vector<200x1024xi32>
    %eq3A_512 = arith.cmpi eq, %eq3A_510, %eq3A_511 : vector<200x1024xi32>
    %and3A_513 = arith.andi %eq3A_478, %eq3A_512 : vector<200x1024xi1>
    %jit3A_514 = arith.constant 0x7F800000 : f32
    %broadcast_in_dim3A_515 = vector.broadcast %jit3A_514 : f32 to vector<200x1024xf32>
    %select_n3A_516 = arith.select %and3A_513, %broadcast_in_dim3A_515, %select_n3A_473 : vector<200x1024xi1>, vector<200x1024xf32>
    %reduce_min3A_517 = arith.constant dense<0x7F800000> : vector<200xf32>
    %reduce_min3A_518 = vector.multi_reduction <minimumf>, %select_n3A_516, %reduce_min3A_517 [1] : vector<200x1024xf32> to vector<200xf32>
    %broadcast_in_dim3A_519 = vector.shape_cast %reduce_min3A_518 : vector<200xf32> to vector<200x1xf32>
    %eq3A_520 = vector.broadcast %broadcast_in_dim3A_519 : vector<200x1xf32> to vector<200x1024xf32>
    %eq3A_521 = arith.cmpf oeq, %select_n3A_516, %eq3A_520 : vector<200x1024xf32>
    %jit3A_522 = arith.constant 10000 : i32
    %broadcast_in_dim3A_523 = vector.shape_cast %get3A_29 : vector<1x1024xi32> to vector<1x1024xi32>
    %broadcast_in_dim3A_524 = vector.broadcast %broadcast_in_dim3A_523 : vector<1x1024xi32> to vector<200x1024xi32>
    %broadcast_in_dim3A_525 = vector.broadcast %jit3A_522 : i32 to vector<200x1024xi32>
    %select_n3A_526 = arith.select %eq3A_521, %broadcast_in_dim3A_524, %broadcast_in_dim3A_525 : vector<200x1024xi1>, vector<200x1024xi32>
    %reduce_min3A_527 = arith.constant dense<2147483647> : vector<200xi32>
    %reduce_min3A_528 = vector.multi_reduction <minsi>, %select_n3A_526, %reduce_min3A_527 [1] : vector<200x1024xi32> to vector<200xi32>
    %broadcast_in_dim3A_529 = vector.shape_cast %reduce_min3A_528 : vector<200xi32> to vector<200x1xi32>
    %lt3A_530 = arith.constant 0x7F800000 : f32
    %lt3A_531 = vector.broadcast %lt3A_530 : f32 to vector<200x1xf32>
    %lt3A_532 = arith.cmpf olt, %broadcast_in_dim3A_519, %lt3A_531 : vector<200x1xf32>
    %jit3A_533 = arith.constant 0 : i32
    %broadcast_in_dim3A_534 = vector.broadcast %jit3A_533 : i32 to vector<200x1xi32>
    %select_n3A_535 = arith.select %lt3A_532, %broadcast_in_dim3A_529, %broadcast_in_dim3A_534 : vector<200x1xi1>, vector<200x1xi32>
    %swap3A_536 = arith.constant 0 : index
    %swap3A_537 = arith.constant 11 : index
    %swap3A_538 = vector.load %arg7[%swap3A_536, %swap3A_537] : memref<200x32xi32, #tpu.memory_space<vmem>>, vector<200x1xi32>
    tpu.vector_store %arg7[%swap3A_536, %swap3A_537], %select_n3A_535 {strides = array<i32>} : memref<200x32xi32, #tpu.memory_space<vmem>>, vector<200x1xi32>,
    %jit3A_539 = arith.constant 1.000000e+00 : f32
    %jit3A_540 = arith.constant 0.000000e+00 : f32
    %broadcast_in_dim3A_541 = vector.broadcast %jit3A_539 : f32 to vector<200x1xf32>
    %broadcast_in_dim3A_542 = vector.broadcast %jit3A_540 : f32 to vector<200x1xf32>
    %select_n3A_543 = arith.select %lt3A_532, %broadcast_in_dim3A_541, %broadcast_in_dim3A_542 : vector<200x1xi1>, vector<200x1xf32>
    %swap3A_544 = arith.constant 0 : index
    %swap3A_545 = arith.constant 11 : index
    %swap3A_546 = vector.load %arg8[%swap3A_544, %swap3A_545] : memref<200x32xf32, #tpu.memory_space<vmem>>, vector<200x1xf32>
    tpu.vector_store %arg8[%swap3A_544, %swap3A_545], %select_n3A_543 {strides = array<i32>} : memref<200x32xf32, #tpu.memory_space<vmem>>, vector<200x1xf32>,
    %jit3A_547 = arith.constant 1.600000e+01 : f32
    %broadcast_in_dim3A_548 = vector.broadcast %jit3A_547 : f32 to vector<200x1xf32>
    %select_n3A_549 = arith.select %lt3A_532, %broadcast_in_dim3A_519, %broadcast_in_dim3A_548 : vector<200x1xi1>, vector<200x1xf32>
    %swap3A_550 = arith.constant 0 : index
    %swap3A_551 = arith.constant 11 : index
    %swap3A_552 = vector.load %arg9[%swap3A_550, %swap3A_551] : memref<200x32xf32, #tpu.memory_space<vmem>>, vector<200x1xf32>
    tpu.vector_store %arg9[%swap3A_550, %swap3A_551], %select_n3A_549 {strides = array<i32>} : memref<200x32xf32, #tpu.memory_space<vmem>>, vector<200x1xf32>,
    %eq3A_553 = vector.broadcast %get3A_29 : vector<1x1024xi32> to vector<200x1024xi32>
    %eq3A_554 = vector.broadcast %broadcast_in_dim3A_529 : vector<200x1xi32> to vector<200x1024xi32>
    %eq3A_555 = arith.cmpi eq, %eq3A_553, %eq3A_554 : vector<200x1024xi32>
    %and3A_556 = arith.andi %eq3A_521, %eq3A_555 : vector<200x1024xi1>
    %jit3A_557 = arith.constant 0x7F800000 : f32
    %broadcast_in_dim3A_558 = vector.broadcast %jit3A_557 : f32 to vector<200x1024xf32>
    %select_n3A_559 = arith.select %and3A_556, %broadcast_in_dim3A_558, %select_n3A_516 : vector<200x1024xi1>, vector<200x1024xf32>
    %reduce_min3A_560 = arith.constant dense<0x7F800000> : vector<200xf32>
    %reduce_min3A_561 = vector.multi_reduction <minimumf>, %select_n3A_559, %reduce_min3A_560 [1] : vector<200x1024xf32> to vector<200xf32>
    %broadcast_in_dim3A_562 = vector.shape_cast %reduce_min3A_561 : vector<200xf32> to vector<200x1xf32>
    %eq3A_563 = vector.broadcast %broadcast_in_dim3A_562 : vector<200x1xf32> to vector<200x1024xf32>
    %eq3A_564 = arith.cmpf oeq, %select_n3A_559, %eq3A_563 : vector<200x1024xf32>
    %jit3A_565 = arith.constant 10000 : i32
    %broadcast_in_dim3A_566 = vector.shape_cast %get3A_29 : vector<1x1024xi32> to vector<1x1024xi32>
    %broadcast_in_dim3A_567 = vector.broadcast %broadcast_in_dim3A_566 : vector<1x1024xi32> to vector<200x1024xi32>
    %broadcast_in_dim3A_568 = vector.broadcast %jit3A_565 : i32 to vector<200x1024xi32>
    %select_n3A_569 = arith.select %eq3A_564, %broadcast_in_dim3A_567, %broadcast_in_dim3A_568 : vector<200x1024xi1>, vector<200x1024xi32>
    %reduce_min3A_570 = arith.constant dense<2147483647> : vector<200xi32>
    %reduce_min3A_571 = vector.multi_reduction <minsi>, %select_n3A_569, %reduce_min3A_570 [1] : vector<200x1024xi32> to vector<200xi32>
    %broadcast_in_dim3A_572 = vector.shape_cast %reduce_min3A_571 : vector<200xi32> to vector<200x1xi32>
    %lt3A_573 = arith.constant 0x7F800000 : f32
    %lt3A_574 = vector.broadcast %lt3A_573 : f32 to vector<200x1xf32>
    %lt3A_575 = arith.cmpf olt, %broadcast_in_dim3A_562, %lt3A_574 : vector<200x1xf32>
    %jit3A_576 = arith.constant 0 : i32
    %broadcast_in_dim3A_577 = vector.broadcast %jit3A_576 : i32 to vector<200x1xi32>
    %select_n3A_578 = arith.select %lt3A_575, %broadcast_in_dim3A_572, %broadcast_in_dim3A_577 : vector<200x1xi1>, vector<200x1xi32>
    %swap3A_579 = arith.constant 0 : index
    %swap3A_580 = arith.constant 12 : index
    %swap3A_581 = vector.load %arg7[%swap3A_579, %swap3A_580] : memref<200x32xi32, #tpu.memory_space<vmem>>, vector<200x1xi32>
    tpu.vector_store %arg7[%swap3A_579, %swap3A_580], %select_n3A_578 {strides = array<i32>} : memref<200x32xi32, #tpu.memory_space<vmem>>, vector<200x1xi32>,
    %jit3A_582 = arith.constant 1.000000e+00 : f32
    %jit3A_583 = arith.constant 0.000000e+00 : f32
    %broadcast_in_dim3A_584 = vector.broadcast %jit3A_582 : f32 to vector<200x1xf32>
    %broadcast_in_dim3A_585 = vector.broadcast %jit3A_583 : f32 to vector<200x1xf32>
    %select_n3A_586 = arith.select %lt3A_575, %broadcast_in_dim3A_584, %broadcast_in_dim3A_585 : vector<200x1xi1>, vector<200x1xf32>
    %swap3A_587 = arith.constant 0 : index
    %swap3A_588 = arith.constant 12 : index
    %swap3A_589 = vector.load %arg8[%swap3A_587, %swap3A_588] : memref<200x32xf32, #tpu.memory_space<vmem>>, vector<200x1xf32>
    tpu.vector_store %arg8[%swap3A_587, %swap3A_588], %select_n3A_586 {strides = array<i32>} : memref<200x32xf32, #tpu.memory_space<vmem>>, vector<200x1xf32>,
    %jit3A_590 = arith.constant 1.600000e+01 : f32
    %broadcast_in_dim3A_591 = vector.broadcast %jit3A_590 : f32 to vector<200x1xf32>
    %select_n3A_592 = arith.select %lt3A_575, %broadcast_in_dim3A_562, %broadcast_in_dim3A_591 : vector<200x1xi1>, vector<200x1xf32>
    %swap3A_593 = arith.constant 0 : index
    %swap3A_594 = arith.constant 12 : index
    %swap3A_595 = vector.load %arg9[%swap3A_593, %swap3A_594] : memref<200x32xf32, #tpu.memory_space<vmem>>, vector<200x1xf32>
    tpu.vector_store %arg9[%swap3A_593, %swap3A_594], %select_n3A_592 {strides = array<i32>} : memref<200x32xf32, #tpu.memory_space<vmem>>, vector<200x1xf32>,
    %eq3A_596 = vector.broadcast %get3A_29 : vector<1x1024xi32> to vector<200x1024xi32>
    %eq3A_597 = vector.broadcast %broadcast_in_dim3A_572 : vector<200x1xi32> to vector<200x1024xi32>
    %eq3A_598 = arith.cmpi eq, %eq3A_596, %eq3A_597 : vector<200x1024xi32>
    %and3A_599 = arith.andi %eq3A_564, %eq3A_598 : vector<200x1024xi1>
    %jit3A_600 = arith.constant 0x7F800000 : f32
    %broadcast_in_dim3A_601 = vector.broadcast %jit3A_600 : f32 to vector<200x1024xf32>
    %select_n3A_602 = arith.select %and3A_599, %broadcast_in_dim3A_601, %select_n3A_559 : vector<200x1024xi1>, vector<200x1024xf32>
    %reduce_min3A_603 = arith.constant dense<0x7F800000> : vector<200xf32>
    %reduce_min3A_604 = vector.multi_reduction <minimumf>, %select_n3A_602, %reduce_min3A_603 [1] : vector<200x1024xf32> to vector<200xf32>
    %broadcast_in_dim3A_605 = vector.shape_cast %reduce_min3A_604 : vector<200xf32> to vector<200x1xf32>
    %eq3A_606 = vector.broadcast %broadcast_in_dim3A_605 : vector<200x1xf32> to vector<200x1024xf32>
    %eq3A_607 = arith.cmpf oeq, %select_n3A_602, %eq3A_606 : vector<200x1024xf32>
    %jit3A_608 = arith.constant 10000 : i32
    %broadcast_in_dim3A_609 = vector.shape_cast %get3A_29 : vector<1x1024xi32> to vector<1x1024xi32>
    %broadcast_in_dim3A_610 = vector.broadcast %broadcast_in_dim3A_609 : vector<1x1024xi32> to vector<200x1024xi32>
    %broadcast_in_dim3A_611 = vector.broadcast %jit3A_608 : i32 to vector<200x1024xi32>
    %select_n3A_612 = arith.select %eq3A_607, %broadcast_in_dim3A_610, %broadcast_in_dim3A_611 : vector<200x1024xi1>, vector<200x1024xi32>
    %reduce_min3A_613 = arith.constant dense<2147483647> : vector<200xi32>
    %reduce_min3A_614 = vector.multi_reduction <minsi>, %select_n3A_612, %reduce_min3A_613 [1] : vector<200x1024xi32> to vector<200xi32>
    %broadcast_in_dim3A_615 = vector.shape_cast %reduce_min3A_614 : vector<200xi32> to vector<200x1xi32>
    %lt3A_616 = arith.constant 0x7F800000 : f32
    %lt3A_617 = vector.broadcast %lt3A_616 : f32 to vector<200x1xf32>
    %lt3A_618 = arith.cmpf olt, %broadcast_in_dim3A_605, %lt3A_617 : vector<200x1xf32>
    %jit3A_619 = arith.constant 0 : i32
    %broadcast_in_dim3A_620 = vector.broadcast %jit3A_619 : i32 to vector<200x1xi32>
    %select_n3A_621 = arith.select %lt3A_618, %broadcast_in_dim3A_615, %broadcast_in_dim3A_620 : vector<200x1xi1>, vector<200x1xi32>
    %swap3A_622 = arith.constant 0 : index
    %swap3A_623 = arith.constant 13 : index
    %swap3A_624 = vector.load %arg7[%swap3A_622, %swap3A_623] : memref<200x32xi32, #tpu.memory_space<vmem>>, vector<200x1xi32>
    tpu.vector_store %arg7[%swap3A_622, %swap3A_623], %select_n3A_621 {strides = array<i32>} : memref<200x32xi32, #tpu.memory_space<vmem>>, vector<200x1xi32>,
    %jit3A_625 = arith.constant 1.000000e+00 : f32
    %jit3A_626 = arith.constant 0.000000e+00 : f32
    %broadcast_in_dim3A_627 = vector.broadcast %jit3A_625 : f32 to vector<200x1xf32>
    %broadcast_in_dim3A_628 = vector.broadcast %jit3A_626 : f32 to vector<200x1xf32>
    %select_n3A_629 = arith.select %lt3A_618, %broadcast_in_dim3A_627, %broadcast_in_dim3A_628 : vector<200x1xi1>, vector<200x1xf32>
    %swap3A_630 = arith.constant 0 : index
    %swap3A_631 = arith.constant 13 : index
    %swap3A_632 = vector.load %arg8[%swap3A_630, %swap3A_631] : memref<200x32xf32, #tpu.memory_space<vmem>>, vector<200x1xf32>
    tpu.vector_store %arg8[%swap3A_630, %swap3A_631], %select_n3A_629 {strides = array<i32>} : memref<200x32xf32, #tpu.memory_space<vmem>>, vector<200x1xf32>,
    %jit3A_633 = arith.constant 1.600000e+01 : f32
    %broadcast_in_dim3A_634 = vector.broadcast %jit3A_633 : f32 to vector<200x1xf32>
    %select_n3A_635 = arith.select %lt3A_618, %broadcast_in_dim3A_605, %broadcast_in_dim3A_634 : vector<200x1xi1>, vector<200x1xf32>
    %swap3A_636 = arith.constant 0 : index
    %swap3A_637 = arith.constant 13 : index
    %swap3A_638 = vector.load %arg9[%swap3A_636, %swap3A_637] : memref<200x32xf32, #tpu.memory_space<vmem>>, vector<200x1xf32>
    tpu.vector_store %arg9[%swap3A_636, %swap3A_637], %select_n3A_635 {strides = array<i32>} : memref<200x32xf32, #tpu.memory_space<vmem>>, vector<200x1xf32>,
    %eq3A_639 = vector.broadcast %get3A_29 : vector<1x1024xi32> to vector<200x1024xi32>
    %eq3A_640 = vector.broadcast %broadcast_in_dim3A_615 : vector<200x1xi32> to vector<200x1024xi32>
    %eq3A_641 = arith.cmpi eq, %eq3A_639, %eq3A_640 : vector<200x1024xi32>
    %and3A_642 = arith.andi %eq3A_607, %eq3A_641 : vector<200x1024xi1>
    %jit3A_643 = arith.constant 0x7F800000 : f32
    %broadcast_in_dim3A_644 = vector.broadcast %jit3A_643 : f32 to vector<200x1024xf32>
    %select_n3A_645 = arith.select %and3A_642, %broadcast_in_dim3A_644, %select_n3A_602 : vector<200x1024xi1>, vector<200x1024xf32>
    %reduce_min3A_646 = arith.constant dense<0x7F800000> : vector<200xf32>
    %reduce_min3A_647 = vector.multi_reduction <minimumf>, %select_n3A_645, %reduce_min3A_646 [1] : vector<200x1024xf32> to vector<200xf32>
    %broadcast_in_dim3A_648 = vector.shape_cast %reduce_min3A_647 : vector<200xf32> to vector<200x1xf32>
    %eq3A_649 = vector.broadcast %broadcast_in_dim3A_648 : vector<200x1xf32> to vector<200x1024xf32>
    %eq3A_650 = arith.cmpf oeq, %select_n3A_645, %eq3A_649 : vector<200x1024xf32>
    %jit3A_651 = arith.constant 10000 : i32
    %broadcast_in_dim3A_652 = vector.shape_cast %get3A_29 : vector<1x1024xi32> to vector<1x1024xi32>
    %broadcast_in_dim3A_653 = vector.broadcast %broadcast_in_dim3A_652 : vector<1x1024xi32> to vector<200x1024xi32>
    %broadcast_in_dim3A_654 = vector.broadcast %jit3A_651 : i32 to vector<200x1024xi32>
    %select_n3A_655 = arith.select %eq3A_650, %broadcast_in_dim3A_653, %broadcast_in_dim3A_654 : vector<200x1024xi1>, vector<200x1024xi32>
    %reduce_min3A_656 = arith.constant dense<2147483647> : vector<200xi32>
    %reduce_min3A_657 = vector.multi_reduction <minsi>, %select_n3A_655, %reduce_min3A_656 [1] : vector<200x1024xi32> to vector<200xi32>
    %broadcast_in_dim3A_658 = vector.shape_cast %reduce_min3A_657 : vector<200xi32> to vector<200x1xi32>
    %lt3A_659 = arith.constant 0x7F800000 : f32
    %lt3A_660 = vector.broadcast %lt3A_659 : f32 to vector<200x1xf32>
    %lt3A_661 = arith.cmpf olt, %broadcast_in_dim3A_648, %lt3A_660 : vector<200x1xf32>
    %jit3A_662 = arith.constant 0 : i32
    %broadcast_in_dim3A_663 = vector.broadcast %jit3A_662 : i32 to vector<200x1xi32>
    %select_n3A_664 = arith.select %lt3A_661, %broadcast_in_dim3A_658, %broadcast_in_dim3A_663 : vector<200x1xi1>, vector<200x1xi32>
    %swap3A_665 = arith.constant 0 : index
    %swap3A_666 = arith.constant 14 : index
    %swap3A_667 = vector.load %arg7[%swap3A_665, %swap3A_666] : memref<200x32xi32, #tpu.memory_space<vmem>>, vector<200x1xi32>
    tpu.vector_store %arg7[%swap3A_665, %swap3A_666], %select_n3A_664 {strides = array<i32>} : memref<200x32xi32, #tpu.memory_space<vmem>>, vector<200x1xi32>,
    %jit3A_668 = arith.constant 1.000000e+00 : f32
    %jit3A_669 = arith.constant 0.000000e+00 : f32
    %broadcast_in_dim3A_670 = vector.broadcast %jit3A_668 : f32 to vector<200x1xf32>
    %broadcast_in_dim3A_671 = vector.broadcast %jit3A_669 : f32 to vector<200x1xf32>
    %select_n3A_672 = arith.select %lt3A_661, %broadcast_in_dim3A_670, %broadcast_in_dim3A_671 : vector<200x1xi1>, vector<200x1xf32>
    %swap3A_673 = arith.constant 0 : index
    %swap3A_674 = arith.constant 14 : index
    %swap3A_675 = vector.load %arg8[%swap3A_673, %swap3A_674] : memref<200x32xf32, #tpu.memory_space<vmem>>, vector<200x1xf32>
    tpu.vector_store %arg8[%swap3A_673, %swap3A_674], %select_n3A_672 {strides = array<i32>} : memref<200x32xf32, #tpu.memory_space<vmem>>, vector<200x1xf32>,
    %jit3A_676 = arith.constant 1.600000e+01 : f32
    %broadcast_in_dim3A_677 = vector.broadcast %jit3A_676 : f32 to vector<200x1xf32>
    %select_n3A_678 = arith.select %lt3A_661, %broadcast_in_dim3A_648, %broadcast_in_dim3A_677 : vector<200x1xi1>, vector<200x1xf32>
    %swap3A_679 = arith.constant 0 : index
    %swap3A_680 = arith.constant 14 : index
    %swap3A_681 = vector.load %arg9[%swap3A_679, %swap3A_680] : memref<200x32xf32, #tpu.memory_space<vmem>>, vector<200x1xf32>
    tpu.vector_store %arg9[%swap3A_679, %swap3A_680], %select_n3A_678 {strides = array<i32>} : memref<200x32xf32, #tpu.memory_space<vmem>>, vector<200x1xf32>,
    %eq3A_682 = vector.broadcast %get3A_29 : vector<1x1024xi32> to vector<200x1024xi32>
    %eq3A_683 = vector.broadcast %broadcast_in_dim3A_658 : vector<200x1xi32> to vector<200x1024xi32>
    %eq3A_684 = arith.cmpi eq, %eq3A_682, %eq3A_683 : vector<200x1024xi32>
    %and3A_685 = arith.andi %eq3A_650, %eq3A_684 : vector<200x1024xi1>
    %jit3A_686 = arith.constant 0x7F800000 : f32
    %broadcast_in_dim3A_687 = vector.broadcast %jit3A_686 : f32 to vector<200x1024xf32>
    %select_n3A_688 = arith.select %and3A_685, %broadcast_in_dim3A_687, %select_n3A_645 : vector<200x1024xi1>, vector<200x1024xf32>
    %reduce_min3A_689 = arith.constant dense<0x7F800000> : vector<200xf32>
    %reduce_min3A_690 = vector.multi_reduction <minimumf>, %select_n3A_688, %reduce_min3A_689 [1] : vector<200x1024xf32> to vector<200xf32>
    %broadcast_in_dim3A_691 = vector.shape_cast %reduce_min3A_690 : vector<200xf32> to vector<200x1xf32>
    %eq3A_692 = vector.broadcast %broadcast_in_dim3A_691 : vector<200x1xf32> to vector<200x1024xf32>
    %eq3A_693 = arith.cmpf oeq, %select_n3A_688, %eq3A_692 : vector<200x1024xf32>
    %jit3A_694 = arith.constant 10000 : i32
    %broadcast_in_dim3A_695 = vector.shape_cast %get3A_29 : vector<1x1024xi32> to vector<1x1024xi32>
    %broadcast_in_dim3A_696 = vector.broadcast %broadcast_in_dim3A_695 : vector<1x1024xi32> to vector<200x1024xi32>
    %broadcast_in_dim3A_697 = vector.broadcast %jit3A_694 : i32 to vector<200x1024xi32>
    %select_n3A_698 = arith.select %eq3A_693, %broadcast_in_dim3A_696, %broadcast_in_dim3A_697 : vector<200x1024xi1>, vector<200x1024xi32>
    %reduce_min3A_699 = arith.constant dense<2147483647> : vector<200xi32>
    %reduce_min3A_700 = vector.multi_reduction <minsi>, %select_n3A_698, %reduce_min3A_699 [1] : vector<200x1024xi32> to vector<200xi32>
    %broadcast_in_dim3A_701 = vector.shape_cast %reduce_min3A_700 : vector<200xi32> to vector<200x1xi32>
    %lt3A_702 = arith.constant 0x7F800000 : f32
    %lt3A_703 = vector.broadcast %lt3A_702 : f32 to vector<200x1xf32>
    %lt3A_704 = arith.cmpf olt, %broadcast_in_dim3A_691, %lt3A_703 : vector<200x1xf32>
    %jit3A_705 = arith.constant 0 : i32
    %broadcast_in_dim3A_706 = vector.broadcast %jit3A_705 : i32 to vector<200x1xi32>
    %select_n3A_707 = arith.select %lt3A_704, %broadcast_in_dim3A_701, %broadcast_in_dim3A_706 : vector<200x1xi1>, vector<200x1xi32>
    %swap3A_708 = arith.constant 0 : index
    %swap3A_709 = arith.constant 15 : index
    %swap3A_710 = vector.load %arg7[%swap3A_708, %swap3A_709] : memref<200x32xi32, #tpu.memory_space<vmem>>, vector<200x1xi32>
    tpu.vector_store %arg7[%swap3A_708, %swap3A_709], %select_n3A_707 {strides = array<i32>} : memref<200x32xi32, #tpu.memory_space<vmem>>, vector<200x1xi32>,
    %jit3A_711 = arith.constant 1.000000e+00 : f32
    %jit3A_712 = arith.constant 0.000000e+00 : f32
    %broadcast_in_dim3A_713 = vector.broadcast %jit3A_711 : f32 to vector<200x1xf32>
    %broadcast_in_dim3A_714 = vector.broadcast %jit3A_712 : f32 to vector<200x1xf32>
    %select_n3A_715 = arith.select %lt3A_704, %broadcast_in_dim3A_713, %broadcast_in_dim3A_714 : vector<200x1xi1>, vector<200x1xf32>
    %swap3A_716 = arith.constant 0 : index
    %swap3A_717 = arith.constant 15 : index
    %swap3A_718 = vector.load %arg8[%swap3A_716, %swap3A_717] : memref<200x32xf32, #tpu.memory_space<vmem>>, vector<200x1xf32>
    tpu.vector_store %arg8[%swap3A_716, %swap3A_717], %select_n3A_715 {strides = array<i32>} : memref<200x32xf32, #tpu.memory_space<vmem>>, vector<200x1xf32>,
    %jit3A_719 = arith.constant 1.600000e+01 : f32
    %broadcast_in_dim3A_720 = vector.broadcast %jit3A_719 : f32 to vector<200x1xf32>
    %select_n3A_721 = arith.select %lt3A_704, %broadcast_in_dim3A_691, %broadcast_in_dim3A_720 : vector<200x1xi1>, vector<200x1xf32>
    %swap3A_722 = arith.constant 0 : index
    %swap3A_723 = arith.constant 15 : index
    %swap3A_724 = vector.load %arg9[%swap3A_722, %swap3A_723] : memref<200x32xf32, #tpu.memory_space<vmem>>, vector<200x1xf32>
    tpu.vector_store %arg9[%swap3A_722, %swap3A_723], %select_n3A_721 {strides = array<i32>} : memref<200x32xf32, #tpu.memory_space<vmem>>, vector<200x1xf32>,
    %eq3A_725 = vector.broadcast %get3A_29 : vector<1x1024xi32> to vector<200x1024xi32>
    %eq3A_726 = vector.broadcast %broadcast_in_dim3A_701 : vector<200x1xi32> to vector<200x1024xi32>
    %eq3A_727 = arith.cmpi eq, %eq3A_725, %eq3A_726 : vector<200x1024xi32>
    %and3A_728 = arith.andi %eq3A_693, %eq3A_727 : vector<200x1024xi1>
    %jit3A_729 = arith.constant 0x7F800000 : f32
    %broadcast_in_dim3A_730 = vector.broadcast %jit3A_729 : f32 to vector<200x1024xf32>
    %select_n3A_731 = arith.select %and3A_728, %broadcast_in_dim3A_730, %select_n3A_688 : vector<200x1024xi1>, vector<200x1024xf32>
    %reduce_min3A_732 = arith.constant dense<0x7F800000> : vector<200xf32>
    %reduce_min3A_733 = vector.multi_reduction <minimumf>, %select_n3A_731, %reduce_min3A_732 [1] : vector<200x1024xf32> to vector<200xf32>
    %broadcast_in_dim3A_734 = vector.shape_cast %reduce_min3A_733 : vector<200xf32> to vector<200x1xf32>
    %eq3A_735 = vector.broadcast %broadcast_in_dim3A_734 : vector<200x1xf32> to vector<200x1024xf32>
    %eq3A_736 = arith.cmpf oeq, %select_n3A_731, %eq3A_735 : vector<200x1024xf32>
    %jit3A_737 = arith.constant 10000 : i32
    %broadcast_in_dim3A_738 = vector.shape_cast %get3A_29 : vector<1x1024xi32> to vector<1x1024xi32>
    %broadcast_in_dim3A_739 = vector.broadcast %broadcast_in_dim3A_738 : vector<1x1024xi32> to vector<200x1024xi32>
    %broadcast_in_dim3A_740 = vector.broadcast %jit3A_737 : i32 to vector<200x1024xi32>
    %select_n3A_741 = arith.select %eq3A_736, %broadcast_in_dim3A_739, %broadcast_in_dim3A_740 : vector<200x1024xi1>, vector<200x1024xi32>
    %reduce_min3A_742 = arith.constant dense<2147483647> : vector<200xi32>
    %reduce_min3A_743 = vector.multi_reduction <minsi>, %select_n3A_741, %reduce_min3A_742 [1] : vector<200x1024xi32> to vector<200xi32>
    %broadcast_in_dim3A_744 = vector.shape_cast %reduce_min3A_743 : vector<200xi32> to vector<200x1xi32>
    %lt3A_745 = arith.constant 0x7F800000 : f32
    %lt3A_746 = vector.broadcast %lt3A_745 : f32 to vector<200x1xf32>
    %lt3A_747 = arith.cmpf olt, %broadcast_in_dim3A_734, %lt3A_746 : vector<200x1xf32>
    %jit3A_748 = arith.constant 0 : i32
    %broadcast_in_dim3A_749 = vector.broadcast %jit3A_748 : i32 to vector<200x1xi32>
    %select_n3A_750 = arith.select %lt3A_747, %broadcast_in_dim3A_744, %broadcast_in_dim3A_749 : vector<200x1xi1>, vector<200x1xi32>
    %swap3A_751 = arith.constant 0 : index
    %swap3A_752 = arith.constant 16 : index
    %swap3A_753 = vector.load %arg7[%swap3A_751, %swap3A_752] : memref<200x32xi32, #tpu.memory_space<vmem>>, vector<200x1xi32>
    tpu.vector_store %arg7[%swap3A_751, %swap3A_752], %select_n3A_750 {strides = array<i32>} : memref<200x32xi32, #tpu.memory_space<vmem>>, vector<200x1xi32>,
    %jit3A_754 = arith.constant 1.000000e+00 : f32
    %jit3A_755 = arith.constant 0.000000e+00 : f32
    %broadcast_in_dim3A_756 = vector.broadcast %jit3A_754 : f32 to vector<200x1xf32>
    %broadcast_in_dim3A_757 = vector.broadcast %jit3A_755 : f32 to vector<200x1xf32>
    %select_n3A_758 = arith.select %lt3A_747, %broadcast_in_dim3A_756, %broadcast_in_dim3A_757 : vector<200x1xi1>, vector<200x1xf32>
    %swap3A_759 = arith.constant 0 : index
    %swap3A_760 = arith.constant 16 : index
    %swap3A_761 = vector.load %arg8[%swap3A_759, %swap3A_760] : memref<200x32xf32, #tpu.memory_space<vmem>>, vector<200x1xf32>
    tpu.vector_store %arg8[%swap3A_759, %swap3A_760], %select_n3A_758 {strides = array<i32>} : memref<200x32xf32, #tpu.memory_space<vmem>>, vector<200x1xf32>,
    %jit3A_762 = arith.constant 1.600000e+01 : f32
    %broadcast_in_dim3A_763 = vector.broadcast %jit3A_762 : f32 to vector<200x1xf32>
    %select_n3A_764 = arith.select %lt3A_747, %broadcast_in_dim3A_734, %broadcast_in_dim3A_763 : vector<200x1xi1>, vector<200x1xf32>
    %swap3A_765 = arith.constant 0 : index
    %swap3A_766 = arith.constant 16 : index
    %swap3A_767 = vector.load %arg9[%swap3A_765, %swap3A_766] : memref<200x32xf32, #tpu.memory_space<vmem>>, vector<200x1xf32>
    tpu.vector_store %arg9[%swap3A_765, %swap3A_766], %select_n3A_764 {strides = array<i32>} : memref<200x32xf32, #tpu.memory_space<vmem>>, vector<200x1xf32>,
    %eq3A_768 = vector.broadcast %get3A_29 : vector<1x1024xi32> to vector<200x1024xi32>
    %eq3A_769 = vector.broadcast %broadcast_in_dim3A_744 : vector<200x1xi32> to vector<200x1024xi32>
    %eq3A_770 = arith.cmpi eq, %eq3A_768, %eq3A_769 : vector<200x1024xi32>
    %and3A_771 = arith.andi %eq3A_736, %eq3A_770 : vector<200x1024xi1>
    %jit3A_772 = arith.constant 0x7F800000 : f32
    %broadcast_in_dim3A_773 = vector.broadcast %jit3A_772 : f32 to vector<200x1024xf32>
    %select_n3A_774 = arith.select %and3A_771, %broadcast_in_dim3A_773, %select_n3A_731 : vector<200x1024xi1>, vector<200x1024xf32>
    %reduce_min3A_775 = arith.constant dense<0x7F800000> : vector<200xf32>
    %reduce_min3A_776 = vector.multi_reduction <minimumf>, %select_n3A_774, %reduce_min3A_775 [1] : vector<200x1024xf32> to vector<200xf32>
    %broadcast_in_dim3A_777 = vector.shape_cast %reduce_min3A_776 : vector<200xf32> to vector<200x1xf32>
    %eq3A_778 = vector.broadcast %broadcast_in_dim3A_777 : vector<200x1xf32> to vector<200x1024xf32>
    %eq3A_779 = arith.cmpf oeq, %select_n3A_774, %eq3A_778 : vector<200x1024xf32>
    %jit3A_780 = arith.constant 10000 : i32
    %broadcast_in_dim3A_781 = vector.shape_cast %get3A_29 : vector<1x1024xi32> to vector<1x1024xi32>
    %broadcast_in_dim3A_782 = vector.broadcast %broadcast_in_dim3A_781 : vector<1x1024xi32> to vector<200x1024xi32>
    %broadcast_in_dim3A_783 = vector.broadcast %jit3A_780 : i32 to vector<200x1024xi32>
    %select_n3A_784 = arith.select %eq3A_779, %broadcast_in_dim3A_782, %broadcast_in_dim3A_783 : vector<200x1024xi1>, vector<200x1024xi32>
    %reduce_min3A_785 = arith.constant dense<2147483647> : vector<200xi32>
    %reduce_min3A_786 = vector.multi_reduction <minsi>, %select_n3A_784, %reduce_min3A_785 [1] : vector<200x1024xi32> to vector<200xi32>
    %broadcast_in_dim3A_787 = vector.shape_cast %reduce_min3A_786 : vector<200xi32> to vector<200x1xi32>
    %lt3A_788 = arith.constant 0x7F800000 : f32
    %lt3A_789 = vector.broadcast %lt3A_788 : f32 to vector<200x1xf32>
    %lt3A_790 = arith.cmpf olt, %broadcast_in_dim3A_777, %lt3A_789 : vector<200x1xf32>
    %jit3A_791 = arith.constant 0 : i32
    %broadcast_in_dim3A_792 = vector.broadcast %jit3A_791 : i32 to vector<200x1xi32>
    %select_n3A_793 = arith.select %lt3A_790, %broadcast_in_dim3A_787, %broadcast_in_dim3A_792 : vector<200x1xi1>, vector<200x1xi32>
    %swap3A_794 = arith.constant 0 : index
    %swap3A_795 = arith.constant 17 : index
    %swap3A_796 = vector.load %arg7[%swap3A_794, %swap3A_795] : memref<200x32xi32, #tpu.memory_space<vmem>>, vector<200x1xi32>
    tpu.vector_store %arg7[%swap3A_794, %swap3A_795], %select_n3A_793 {strides = array<i32>} : memref<200x32xi32, #tpu.memory_space<vmem>>, vector<200x1xi32>,
    %jit3A_797 = arith.constant 1.000000e+00 : f32
    %jit3A_798 = arith.constant 0.000000e+00 : f32
    %broadcast_in_dim3A_799 = vector.broadcast %jit3A_797 : f32 to vector<200x1xf32>
    %broadcast_in_dim3A_800 = vector.broadcast %jit3A_798 : f32 to vector<200x1xf32>
    %select_n3A_801 = arith.select %lt3A_790, %broadcast_in_dim3A_799, %broadcast_in_dim3A_800 : vector<200x1xi1>, vector<200x1xf32>
    %swap3A_802 = arith.constant 0 : index
    %swap3A_803 = arith.constant 17 : index
    %swap3A_804 = vector.load %arg8[%swap3A_802, %swap3A_803] : memref<200x32xf32, #tpu.memory_space<vmem>>, vector<200x1xf32>
    tpu.vector_store %arg8[%swap3A_802, %swap3A_803], %select_n3A_801 {strides = array<i32>} : memref<200x32xf32, #tpu.memory_space<vmem>>, vector<200x1xf32>,
    %jit3A_805 = arith.constant 1.600000e+01 : f32
    %broadcast_in_dim3A_806 = vector.broadcast %jit3A_805 : f32 to vector<200x1xf32>
    %select_n3A_807 = arith.select %lt3A_790, %broadcast_in_dim3A_777, %broadcast_in_dim3A_806 : vector<200x1xi1>, vector<200x1xf32>
    %swap3A_808 = arith.constant 0 : index
    %swap3A_809 = arith.constant 17 : index
    %swap3A_810 = vector.load %arg9[%swap3A_808, %swap3A_809] : memref<200x32xf32, #tpu.memory_space<vmem>>, vector<200x1xf32>
    tpu.vector_store %arg9[%swap3A_808, %swap3A_809], %select_n3A_807 {strides = array<i32>} : memref<200x32xf32, #tpu.memory_space<vmem>>, vector<200x1xf32>,
    %eq3A_811 = vector.broadcast %get3A_29 : vector<1x1024xi32> to vector<200x1024xi32>
    %eq3A_812 = vector.broadcast %broadcast_in_dim3A_787 : vector<200x1xi32> to vector<200x1024xi32>
    %eq3A_813 = arith.cmpi eq, %eq3A_811, %eq3A_812 : vector<200x1024xi32>
    %and3A_814 = arith.andi %eq3A_779, %eq3A_813 : vector<200x1024xi1>
    %jit3A_815 = arith.constant 0x7F800000 : f32
    %broadcast_in_dim3A_816 = vector.broadcast %jit3A_815 : f32 to vector<200x1024xf32>
    %select_n3A_817 = arith.select %and3A_814, %broadcast_in_dim3A_816, %select_n3A_774 : vector<200x1024xi1>, vector<200x1024xf32>
    %reduce_min3A_818 = arith.constant dense<0x7F800000> : vector<200xf32>
    %reduce_min3A_819 = vector.multi_reduction <minimumf>, %select_n3A_817, %reduce_min3A_818 [1] : vector<200x1024xf32> to vector<200xf32>
    %broadcast_in_dim3A_820 = vector.shape_cast %reduce_min3A_819 : vector<200xf32> to vector<200x1xf32>
    %eq3A_821 = vector.broadcast %broadcast_in_dim3A_820 : vector<200x1xf32> to vector<200x1024xf32>
    %eq3A_822 = arith.cmpf oeq, %select_n3A_817, %eq3A_821 : vector<200x1024xf32>
    %jit3A_823 = arith.constant 10000 : i32
    %broadcast_in_dim3A_824 = vector.shape_cast %get3A_29 : vector<1x1024xi32> to vector<1x1024xi32>
    %broadcast_in_dim3A_825 = vector.broadcast %broadcast_in_dim3A_824 : vector<1x1024xi32> to vector<200x1024xi32>
    %broadcast_in_dim3A_826 = vector.broadcast %jit3A_823 : i32 to vector<200x1024xi32>
    %select_n3A_827 = arith.select %eq3A_822, %broadcast_in_dim3A_825, %broadcast_in_dim3A_826 : vector<200x1024xi1>, vector<200x1024xi32>
    %reduce_min3A_828 = arith.constant dense<2147483647> : vector<200xi32>
    %reduce_min3A_829 = vector.multi_reduction <minsi>, %select_n3A_827, %reduce_min3A_828 [1] : vector<200x1024xi32> to vector<200xi32>
    %broadcast_in_dim3A_830 = vector.shape_cast %reduce_min3A_829 : vector<200xi32> to vector<200x1xi32>
    %lt3A_831 = arith.constant 0x7F800000 : f32
    %lt3A_832 = vector.broadcast %lt3A_831 : f32 to vector<200x1xf32>
    %lt3A_833 = arith.cmpf olt, %broadcast_in_dim3A_820, %lt3A_832 : vector<200x1xf32>
    %jit3A_834 = arith.constant 0 : i32
    %broadcast_in_dim3A_835 = vector.broadcast %jit3A_834 : i32 to vector<200x1xi32>
    %select_n3A_836 = arith.select %lt3A_833, %broadcast_in_dim3A_830, %broadcast_in_dim3A_835 : vector<200x1xi1>, vector<200x1xi32>
    %swap3A_837 = arith.constant 0 : index
    %swap3A_838 = arith.constant 18 : index
    %swap3A_839 = vector.load %arg7[%swap3A_837, %swap3A_838] : memref<200x32xi32, #tpu.memory_space<vmem>>, vector<200x1xi32>
    tpu.vector_store %arg7[%swap3A_837, %swap3A_838], %select_n3A_836 {strides = array<i32>} : memref<200x32xi32, #tpu.memory_space<vmem>>, vector<200x1xi32>,
    %jit3A_840 = arith.constant 1.000000e+00 : f32
    %jit3A_841 = arith.constant 0.000000e+00 : f32
    %broadcast_in_dim3A_842 = vector.broadcast %jit3A_840 : f32 to vector<200x1xf32>
    %broadcast_in_dim3A_843 = vector.broadcast %jit3A_841 : f32 to vector<200x1xf32>
    %select_n3A_844 = arith.select %lt3A_833, %broadcast_in_dim3A_842, %broadcast_in_dim3A_843 : vector<200x1xi1>, vector<200x1xf32>
    %swap3A_845 = arith.constant 0 : index
    %swap3A_846 = arith.constant 18 : index
    %swap3A_847 = vector.load %arg8[%swap3A_845, %swap3A_846] : memref<200x32xf32, #tpu.memory_space<vmem>>, vector<200x1xf32>
    tpu.vector_store %arg8[%swap3A_845, %swap3A_846], %select_n3A_844 {strides = array<i32>} : memref<200x32xf32, #tpu.memory_space<vmem>>, vector<200x1xf32>,
    %jit3A_848 = arith.constant 1.600000e+01 : f32
    %broadcast_in_dim3A_849 = vector.broadcast %jit3A_848 : f32 to vector<200x1xf32>
    %select_n3A_850 = arith.select %lt3A_833, %broadcast_in_dim3A_820, %broadcast_in_dim3A_849 : vector<200x1xi1>, vector<200x1xf32>
    %swap3A_851 = arith.constant 0 : index
    %swap3A_852 = arith.constant 18 : index
    %swap3A_853 = vector.load %arg9[%swap3A_851, %swap3A_852] : memref<200x32xf32, #tpu.memory_space<vmem>>, vector<200x1xf32>
    tpu.vector_store %arg9[%swap3A_851, %swap3A_852], %select_n3A_850 {strides = array<i32>} : memref<200x32xf32, #tpu.memory_space<vmem>>, vector<200x1xf32>,
    %eq3A_854 = vector.broadcast %get3A_29 : vector<1x1024xi32> to vector<200x1024xi32>
    %eq3A_855 = vector.broadcast %broadcast_in_dim3A_830 : vector<200x1xi32> to vector<200x1024xi32>
    %eq3A_856 = arith.cmpi eq, %eq3A_854, %eq3A_855 : vector<200x1024xi32>
    %and3A_857 = arith.andi %eq3A_822, %eq3A_856 : vector<200x1024xi1>
    %jit3A_858 = arith.constant 0x7F800000 : f32
    %broadcast_in_dim3A_859 = vector.broadcast %jit3A_858 : f32 to vector<200x1024xf32>
    %select_n3A_860 = arith.select %and3A_857, %broadcast_in_dim3A_859, %select_n3A_817 : vector<200x1024xi1>, vector<200x1024xf32>
    %reduce_min3A_861 = arith.constant dense<0x7F800000> : vector<200xf32>
    %reduce_min3A_862 = vector.multi_reduction <minimumf>, %select_n3A_860, %reduce_min3A_861 [1] : vector<200x1024xf32> to vector<200xf32>
    %broadcast_in_dim3A_863 = vector.shape_cast %reduce_min3A_862 : vector<200xf32> to vector<200x1xf32>
    %eq3A_864 = vector.broadcast %broadcast_in_dim3A_863 : vector<200x1xf32> to vector<200x1024xf32>
    %eq3A_865 = arith.cmpf oeq, %select_n3A_860, %eq3A_864 : vector<200x1024xf32>
    %jit3A_866 = arith.constant 10000 : i32
    %broadcast_in_dim3A_867 = vector.shape_cast %get3A_29 : vector<1x1024xi32> to vector<1x1024xi32>
    %broadcast_in_dim3A_868 = vector.broadcast %broadcast_in_dim3A_867 : vector<1x1024xi32> to vector<200x1024xi32>
    %broadcast_in_dim3A_869 = vector.broadcast %jit3A_866 : i32 to vector<200x1024xi32>
    %select_n3A_870 = arith.select %eq3A_865, %broadcast_in_dim3A_868, %broadcast_in_dim3A_869 : vector<200x1024xi1>, vector<200x1024xi32>
    %reduce_min3A_871 = arith.constant dense<2147483647> : vector<200xi32>
    %reduce_min3A_872 = vector.multi_reduction <minsi>, %select_n3A_870, %reduce_min3A_871 [1] : vector<200x1024xi32> to vector<200xi32>
    %broadcast_in_dim3A_873 = vector.shape_cast %reduce_min3A_872 : vector<200xi32> to vector<200x1xi32>
    %lt3A_874 = arith.constant 0x7F800000 : f32
    %lt3A_875 = vector.broadcast %lt3A_874 : f32 to vector<200x1xf32>
    %lt3A_876 = arith.cmpf olt, %broadcast_in_dim3A_863, %lt3A_875 : vector<200x1xf32>
    %jit3A_877 = arith.constant 0 : i32
    %broadcast_in_dim3A_878 = vector.broadcast %jit3A_877 : i32 to vector<200x1xi32>
    %select_n3A_879 = arith.select %lt3A_876, %broadcast_in_dim3A_873, %broadcast_in_dim3A_878 : vector<200x1xi1>, vector<200x1xi32>
    %swap3A_880 = arith.constant 0 : index
    %swap3A_881 = arith.constant 19 : index
    %swap3A_882 = vector.load %arg7[%swap3A_880, %swap3A_881] : memref<200x32xi32, #tpu.memory_space<vmem>>, vector<200x1xi32>
    tpu.vector_store %arg7[%swap3A_880, %swap3A_881], %select_n3A_879 {strides = array<i32>} : memref<200x32xi32, #tpu.memory_space<vmem>>, vector<200x1xi32>,
    %jit3A_883 = arith.constant 1.000000e+00 : f32
    %jit3A_884 = arith.constant 0.000000e+00 : f32
    %broadcast_in_dim3A_885 = vector.broadcast %jit3A_883 : f32 to vector<200x1xf32>
    %broadcast_in_dim3A_886 = vector.broadcast %jit3A_884 : f32 to vector<200x1xf32>
    %select_n3A_887 = arith.select %lt3A_876, %broadcast_in_dim3A_885, %broadcast_in_dim3A_886 : vector<200x1xi1>, vector<200x1xf32>
    %swap3A_888 = arith.constant 0 : index
    %swap3A_889 = arith.constant 19 : index
    %swap3A_890 = vector.load %arg8[%swap3A_888, %swap3A_889] : memref<200x32xf32, #tpu.memory_space<vmem>>, vector<200x1xf32>
    tpu.vector_store %arg8[%swap3A_888, %swap3A_889], %select_n3A_887 {strides = array<i32>} : memref<200x32xf32, #tpu.memory_space<vmem>>, vector<200x1xf32>,
    %jit3A_891 = arith.constant 1.600000e+01 : f32
    %broadcast_in_dim3A_892 = vector.broadcast %jit3A_891 : f32 to vector<200x1xf32>
    %select_n3A_893 = arith.select %lt3A_876, %broadcast_in_dim3A_863, %broadcast_in_dim3A_892 : vector<200x1xi1>, vector<200x1xf32>
    %swap3A_894 = arith.constant 0 : index
    %swap3A_895 = arith.constant 19 : index
    %swap3A_896 = vector.load %arg9[%swap3A_894, %swap3A_895] : memref<200x32xf32, #tpu.memory_space<vmem>>, vector<200x1xf32>
    tpu.vector_store %arg9[%swap3A_894, %swap3A_895], %select_n3A_893 {strides = array<i32>} : memref<200x32xf32, #tpu.memory_space<vmem>>, vector<200x1xf32>,
    %eq3A_897 = vector.broadcast %get3A_29 : vector<1x1024xi32> to vector<200x1024xi32>
    %eq3A_898 = vector.broadcast %broadcast_in_dim3A_873 : vector<200x1xi32> to vector<200x1024xi32>
    %eq3A_899 = arith.cmpi eq, %eq3A_897, %eq3A_898 : vector<200x1024xi32>
    %and3A_900 = arith.andi %eq3A_865, %eq3A_899 : vector<200x1024xi1>
    %jit3A_901 = arith.constant 0x7F800000 : f32
    %broadcast_in_dim3A_902 = vector.broadcast %jit3A_901 : f32 to vector<200x1024xf32>
    %select_n3A_903 = arith.select %and3A_900, %broadcast_in_dim3A_902, %select_n3A_860 : vector<200x1024xi1>, vector<200x1024xf32>
    %reduce_min3A_904 = arith.constant dense<0x7F800000> : vector<200xf32>
    %reduce_min3A_905 = vector.multi_reduction <minimumf>, %select_n3A_903, %reduce_min3A_904 [1] : vector<200x1024xf32> to vector<200xf32>
    %broadcast_in_dim3A_906 = vector.shape_cast %reduce_min3A_905 : vector<200xf32> to vector<200x1xf32>
    %eq3A_907 = vector.broadcast %broadcast_in_dim3A_906 : vector<200x1xf32> to vector<200x1024xf32>
    %eq3A_908 = arith.cmpf oeq, %select_n3A_903, %eq3A_907 : vector<200x1024xf32>
    %jit3A_909 = arith.constant 10000 : i32
    %broadcast_in_dim3A_910 = vector.shape_cast %get3A_29 : vector<1x1024xi32> to vector<1x1024xi32>
    %broadcast_in_dim3A_911 = vector.broadcast %broadcast_in_dim3A_910 : vector<1x1024xi32> to vector<200x1024xi32>
    %broadcast_in_dim3A_912 = vector.broadcast %jit3A_909 : i32 to vector<200x1024xi32>
    %select_n3A_913 = arith.select %eq3A_908, %broadcast_in_dim3A_911, %broadcast_in_dim3A_912 : vector<200x1024xi1>, vector<200x1024xi32>
    %reduce_min3A_914 = arith.constant dense<2147483647> : vector<200xi32>
    %reduce_min3A_915 = vector.multi_reduction <minsi>, %select_n3A_913, %reduce_min3A_914 [1] : vector<200x1024xi32> to vector<200xi32>
    %broadcast_in_dim3A_916 = vector.shape_cast %reduce_min3A_915 : vector<200xi32> to vector<200x1xi32>
    %lt3A_917 = arith.constant 0x7F800000 : f32
    %lt3A_918 = vector.broadcast %lt3A_917 : f32 to vector<200x1xf32>
    %lt3A_919 = arith.cmpf olt, %broadcast_in_dim3A_906, %lt3A_918 : vector<200x1xf32>
    %jit3A_920 = arith.constant 0 : i32
    %broadcast_in_dim3A_921 = vector.broadcast %jit3A_920 : i32 to vector<200x1xi32>
    %select_n3A_922 = arith.select %lt3A_919, %broadcast_in_dim3A_916, %broadcast_in_dim3A_921 : vector<200x1xi1>, vector<200x1xi32>
    %swap3A_923 = arith.constant 0 : index
    %swap3A_924 = arith.constant 20 : index
    %swap3A_925 = vector.load %arg7[%swap3A_923, %swap3A_924] : memref<200x32xi32, #tpu.memory_space<vmem>>, vector<200x1xi32>
    tpu.vector_store %arg7[%swap3A_923, %swap3A_924], %select_n3A_922 {strides = array<i32>} : memref<200x32xi32, #tpu.memory_space<vmem>>, vector<200x1xi32>,
    %jit3A_926 = arith.constant 1.000000e+00 : f32
    %jit3A_927 = arith.constant 0.000000e+00 : f32
    %broadcast_in_dim3A_928 = vector.broadcast %jit3A_926 : f32 to vector<200x1xf32>
    %broadcast_in_dim3A_929 = vector.broadcast %jit3A_927 : f32 to vector<200x1xf32>
    %select_n3A_930 = arith.select %lt3A_919, %broadcast_in_dim3A_928, %broadcast_in_dim3A_929 : vector<200x1xi1>, vector<200x1xf32>
    %swap3A_931 = arith.constant 0 : index
    %swap3A_932 = arith.constant 20 : index
    %swap3A_933 = vector.load %arg8[%swap3A_931, %swap3A_932] : memref<200x32xf32, #tpu.memory_space<vmem>>, vector<200x1xf32>
    tpu.vector_store %arg8[%swap3A_931, %swap3A_932], %select_n3A_930 {strides = array<i32>} : memref<200x32xf32, #tpu.memory_space<vmem>>, vector<200x1xf32>,
    %jit3A_934 = arith.constant 1.600000e+01 : f32
    %broadcast_in_dim3A_935 = vector.broadcast %jit3A_934 : f32 to vector<200x1xf32>
    %select_n3A_936 = arith.select %lt3A_919, %broadcast_in_dim3A_906, %broadcast_in_dim3A_935 : vector<200x1xi1>, vector<200x1xf32>
    %swap3A_937 = arith.constant 0 : index
    %swap3A_938 = arith.constant 20 : index
    %swap3A_939 = vector.load %arg9[%swap3A_937, %swap3A_938] : memref<200x32xf32, #tpu.memory_space<vmem>>, vector<200x1xf32>
    tpu.vector_store %arg9[%swap3A_937, %swap3A_938], %select_n3A_936 {strides = array<i32>} : memref<200x32xf32, #tpu.memory_space<vmem>>, vector<200x1xf32>,
    %eq3A_940 = vector.broadcast %get3A_29 : vector<1x1024xi32> to vector<200x1024xi32>
    %eq3A_941 = vector.broadcast %broadcast_in_dim3A_916 : vector<200x1xi32> to vector<200x1024xi32>
    %eq3A_942 = arith.cmpi eq, %eq3A_940, %eq3A_941 : vector<200x1024xi32>
    %and3A_943 = arith.andi %eq3A_908, %eq3A_942 : vector<200x1024xi1>
    %jit3A_944 = arith.constant 0x7F800000 : f32
    %broadcast_in_dim3A_945 = vector.broadcast %jit3A_944 : f32 to vector<200x1024xf32>
    %select_n3A_946 = arith.select %and3A_943, %broadcast_in_dim3A_945, %select_n3A_903 : vector<200x1024xi1>, vector<200x1024xf32>
    %reduce_min3A_947 = arith.constant dense<0x7F800000> : vector<200xf32>
    %reduce_min3A_948 = vector.multi_reduction <minimumf>, %select_n3A_946, %reduce_min3A_947 [1] : vector<200x1024xf32> to vector<200xf32>
    %broadcast_in_dim3A_949 = vector.shape_cast %reduce_min3A_948 : vector<200xf32> to vector<200x1xf32>
    %eq3A_950 = vector.broadcast %broadcast_in_dim3A_949 : vector<200x1xf32> to vector<200x1024xf32>
    %eq3A_951 = arith.cmpf oeq, %select_n3A_946, %eq3A_950 : vector<200x1024xf32>
    %jit3A_952 = arith.constant 10000 : i32
    %broadcast_in_dim3A_953 = vector.shape_cast %get3A_29 : vector<1x1024xi32> to vector<1x1024xi32>
    %broadcast_in_dim3A_954 = vector.broadcast %broadcast_in_dim3A_953 : vector<1x1024xi32> to vector<200x1024xi32>
    %broadcast_in_dim3A_955 = vector.broadcast %jit3A_952 : i32 to vector<200x1024xi32>
    %select_n3A_956 = arith.select %eq3A_951, %broadcast_in_dim3A_954, %broadcast_in_dim3A_955 : vector<200x1024xi1>, vector<200x1024xi32>
    %reduce_min3A_957 = arith.constant dense<2147483647> : vector<200xi32>
    %reduce_min3A_958 = vector.multi_reduction <minsi>, %select_n3A_956, %reduce_min3A_957 [1] : vector<200x1024xi32> to vector<200xi32>
    %broadcast_in_dim3A_959 = vector.shape_cast %reduce_min3A_958 : vector<200xi32> to vector<200x1xi32>
    %lt3A_960 = arith.constant 0x7F800000 : f32
    %lt3A_961 = vector.broadcast %lt3A_960 : f32 to vector<200x1xf32>
    %lt3A_962 = arith.cmpf olt, %broadcast_in_dim3A_949, %lt3A_961 : vector<200x1xf32>
    %jit3A_963 = arith.constant 0 : i32
    %broadcast_in_dim3A_964 = vector.broadcast %jit3A_963 : i32 to vector<200x1xi32>
    %select_n3A_965 = arith.select %lt3A_962, %broadcast_in_dim3A_959, %broadcast_in_dim3A_964 : vector<200x1xi1>, vector<200x1xi32>
    %swap3A_966 = arith.constant 0 : index
    %swap3A_967 = arith.constant 21 : index
    %swap3A_968 = vector.load %arg7[%swap3A_966, %swap3A_967] : memref<200x32xi32, #tpu.memory_space<vmem>>, vector<200x1xi32>
    tpu.vector_store %arg7[%swap3A_966, %swap3A_967], %select_n3A_965 {strides = array<i32>} : memref<200x32xi32, #tpu.memory_space<vmem>>, vector<200x1xi32>,
    %jit3A_969 = arith.constant 1.000000e+00 : f32
    %jit3A_970 = arith.constant 0.000000e+00 : f32
    %broadcast_in_dim3A_971 = vector.broadcast %jit3A_969 : f32 to vector<200x1xf32>
    %broadcast_in_dim3A_972 = vector.broadcast %jit3A_970 : f32 to vector<200x1xf32>
    %select_n3A_973 = arith.select %lt3A_962, %broadcast_in_dim3A_971, %broadcast_in_dim3A_972 : vector<200x1xi1>, vector<200x1xf32>
    %swap3A_974 = arith.constant 0 : index
    %swap3A_975 = arith.constant 21 : index
    %swap3A_976 = vector.load %arg8[%swap3A_974, %swap3A_975] : memref<200x32xf32, #tpu.memory_space<vmem>>, vector<200x1xf32>
    tpu.vector_store %arg8[%swap3A_974, %swap3A_975], %select_n3A_973 {strides = array<i32>} : memref<200x32xf32, #tpu.memory_space<vmem>>, vector<200x1xf32>,
    %jit3A_977 = arith.constant 1.600000e+01 : f32
    %broadcast_in_dim3A_978 = vector.broadcast %jit3A_977 : f32 to vector<200x1xf32>
    %select_n3A_979 = arith.select %lt3A_962, %broadcast_in_dim3A_949, %broadcast_in_dim3A_978 : vector<200x1xi1>, vector<200x1xf32>
    %swap3A_980 = arith.constant 0 : index
    %swap3A_981 = arith.constant 21 : index
    %swap3A_982 = vector.load %arg9[%swap3A_980, %swap3A_981] : memref<200x32xf32, #tpu.memory_space<vmem>>, vector<200x1xf32>
    tpu.vector_store %arg9[%swap3A_980, %swap3A_981], %select_n3A_979 {strides = array<i32>} : memref<200x32xf32, #tpu.memory_space<vmem>>, vector<200x1xf32>,
    %eq3A_983 = vector.broadcast %get3A_29 : vector<1x1024xi32> to vector<200x1024xi32>
    %eq3A_984 = vector.broadcast %broadcast_in_dim3A_959 : vector<200x1xi32> to vector<200x1024xi32>
    %eq3A_985 = arith.cmpi eq, %eq3A_983, %eq3A_984 : vector<200x1024xi32>
    %and3A_986 = arith.andi %eq3A_951, %eq3A_985 : vector<200x1024xi1>
    %jit3A_987 = arith.constant 0x7F800000 : f32
    %broadcast_in_dim3A_988 = vector.broadcast %jit3A_987 : f32 to vector<200x1024xf32>
    %select_n3A_989 = arith.select %and3A_986, %broadcast_in_dim3A_988, %select_n3A_946 : vector<200x1024xi1>, vector<200x1024xf32>
    %reduce_min3A_990 = arith.constant dense<0x7F800000> : vector<200xf32>
    %reduce_min3A_991 = vector.multi_reduction <minimumf>, %select_n3A_989, %reduce_min3A_990 [1] : vector<200x1024xf32> to vector<200xf32>
    %broadcast_in_dim3A_992 = vector.shape_cast %reduce_min3A_991 : vector<200xf32> to vector<200x1xf32>
    %eq3A_993 = vector.broadcast %broadcast_in_dim3A_992 : vector<200x1xf32> to vector<200x1024xf32>
    %eq3A_994 = arith.cmpf oeq, %select_n3A_989, %eq3A_993 : vector<200x1024xf32>
    %jit3A_995 = arith.constant 10000 : i32
    %broadcast_in_dim3A_996 = vector.shape_cast %get3A_29 : vector<1x1024xi32> to vector<1x1024xi32>
    %broadcast_in_dim3A_997 = vector.broadcast %broadcast_in_dim3A_996 : vector<1x1024xi32> to vector<200x1024xi32>
    %broadcast_in_dim3A_998 = vector.broadcast %jit3A_995 : i32 to vector<200x1024xi32>
    %select_n3A_999 = arith.select %eq3A_994, %broadcast_in_dim3A_997, %broadcast_in_dim3A_998 : vector<200x1024xi1>, vector<200x1024xi32>
    %reduce_min3A_1000 = arith.constant dense<2147483647> : vector<200xi32>
    %reduce_min3A_1001 = vector.multi_reduction <minsi>, %select_n3A_999, %reduce_min3A_1000 [1] : vector<200x1024xi32> to vector<200xi32>
    %broadcast_in_dim3A_1002 = vector.shape_cast %reduce_min3A_1001 : vector<200xi32> to vector<200x1xi32>
    %lt3A_1003 = arith.constant 0x7F800000 : f32
    %lt3A_1004 = vector.broadcast %lt3A_1003 : f32 to vector<200x1xf32>
    %lt3A_1005 = arith.cmpf olt, %broadcast_in_dim3A_992, %lt3A_1004 : vector<200x1xf32>
    %jit3A_1006 = arith.constant 0 : i32
    %broadcast_in_dim3A_1007 = vector.broadcast %jit3A_1006 : i32 to vector<200x1xi32>
    %select_n3A_1008 = arith.select %lt3A_1005, %broadcast_in_dim3A_1002, %broadcast_in_dim3A_1007 : vector<200x1xi1>, vector<200x1xi32>
    %swap3A_1009 = arith.constant 0 : index
    %swap3A_1010 = arith.constant 22 : index
    %swap3A_1011 = vector.load %arg7[%swap3A_1009, %swap3A_1010] : memref<200x32xi32, #tpu.memory_space<vmem>>, vector<200x1xi32>
    tpu.vector_store %arg7[%swap3A_1009, %swap3A_1010], %select_n3A_1008 {strides = array<i32>} : memref<200x32xi32, #tpu.memory_space<vmem>>, vector<200x1xi32>,
    %jit3A_1012 = arith.constant 1.000000e+00 : f32
    %jit3A_1013 = arith.constant 0.000000e+00 : f32
    %broadcast_in_dim3A_1014 = vector.broadcast %jit3A_1012 : f32 to vector<200x1xf32>
    %broadcast_in_dim3A_1015 = vector.broadcast %jit3A_1013 : f32 to vector<200x1xf32>
    %select_n3A_1016 = arith.select %lt3A_1005, %broadcast_in_dim3A_1014, %broadcast_in_dim3A_1015 : vector<200x1xi1>, vector<200x1xf32>
    %swap3A_1017 = arith.constant 0 : index
    %swap3A_1018 = arith.constant 22 : index
    %swap3A_1019 = vector.load %arg8[%swap3A_1017, %swap3A_1018] : memref<200x32xf32, #tpu.memory_space<vmem>>, vector<200x1xf32>
    tpu.vector_store %arg8[%swap3A_1017, %swap3A_1018], %select_n3A_1016 {strides = array<i32>} : memref<200x32xf32, #tpu.memory_space<vmem>>, vector<200x1xf32>,
    %jit3A_1020 = arith.constant 1.600000e+01 : f32
    %broadcast_in_dim3A_1021 = vector.broadcast %jit3A_1020 : f32 to vector<200x1xf32>
    %select_n3A_1022 = arith.select %lt3A_1005, %broadcast_in_dim3A_992, %broadcast_in_dim3A_1021 : vector<200x1xi1>, vector<200x1xf32>
    %swap3A_1023 = arith.constant 0 : index
    %swap3A_1024 = arith.constant 22 : index
    %swap3A_1025 = vector.load %arg9[%swap3A_1023, %swap3A_1024] : memref<200x32xf32, #tpu.memory_space<vmem>>, vector<200x1xf32>
    tpu.vector_store %arg9[%swap3A_1023, %swap3A_1024], %select_n3A_1022 {strides = array<i32>} : memref<200x32xf32, #tpu.memory_space<vmem>>, vector<200x1xf32>,
    %eq3A_1026 = vector.broadcast %get3A_29 : vector<1x1024xi32> to vector<200x1024xi32>
    %eq3A_1027 = vector.broadcast %broadcast_in_dim3A_1002 : vector<200x1xi32> to vector<200x1024xi32>
    %eq3A_1028 = arith.cmpi eq, %eq3A_1026, %eq3A_1027 : vector<200x1024xi32>
    %and3A_1029 = arith.andi %eq3A_994, %eq3A_1028 : vector<200x1024xi1>
    %jit3A_1030 = arith.constant 0x7F800000 : f32
    %broadcast_in_dim3A_1031 = vector.broadcast %jit3A_1030 : f32 to vector<200x1024xf32>
    %select_n3A_1032 = arith.select %and3A_1029, %broadcast_in_dim3A_1031, %select_n3A_989 : vector<200x1024xi1>, vector<200x1024xf32>
    %reduce_min3A_1033 = arith.constant dense<0x7F800000> : vector<200xf32>
    %reduce_min3A_1034 = vector.multi_reduction <minimumf>, %select_n3A_1032, %reduce_min3A_1033 [1] : vector<200x1024xf32> to vector<200xf32>
    %broadcast_in_dim3A_1035 = vector.shape_cast %reduce_min3A_1034 : vector<200xf32> to vector<200x1xf32>
    %eq3A_1036 = vector.broadcast %broadcast_in_dim3A_1035 : vector<200x1xf32> to vector<200x1024xf32>
    %eq3A_1037 = arith.cmpf oeq, %select_n3A_1032, %eq3A_1036 : vector<200x1024xf32>
    %jit3A_1038 = arith.constant 10000 : i32
    %broadcast_in_dim3A_1039 = vector.shape_cast %get3A_29 : vector<1x1024xi32> to vector<1x1024xi32>
    %broadcast_in_dim3A_1040 = vector.broadcast %broadcast_in_dim3A_1039 : vector<1x1024xi32> to vector<200x1024xi32>
    %broadcast_in_dim3A_1041 = vector.broadcast %jit3A_1038 : i32 to vector<200x1024xi32>
    %select_n3A_1042 = arith.select %eq3A_1037, %broadcast_in_dim3A_1040, %broadcast_in_dim3A_1041 : vector<200x1024xi1>, vector<200x1024xi32>
    %reduce_min3A_1043 = arith.constant dense<2147483647> : vector<200xi32>
    %reduce_min3A_1044 = vector.multi_reduction <minsi>, %select_n3A_1042, %reduce_min3A_1043 [1] : vector<200x1024xi32> to vector<200xi32>
    %broadcast_in_dim3A_1045 = vector.shape_cast %reduce_min3A_1044 : vector<200xi32> to vector<200x1xi32>
    %lt3A_1046 = arith.constant 0x7F800000 : f32
    %lt3A_1047 = vector.broadcast %lt3A_1046 : f32 to vector<200x1xf32>
    %lt3A_1048 = arith.cmpf olt, %broadcast_in_dim3A_1035, %lt3A_1047 : vector<200x1xf32>
    %jit3A_1049 = arith.constant 0 : i32
    %broadcast_in_dim3A_1050 = vector.broadcast %jit3A_1049 : i32 to vector<200x1xi32>
    %select_n3A_1051 = arith.select %lt3A_1048, %broadcast_in_dim3A_1045, %broadcast_in_dim3A_1050 : vector<200x1xi1>, vector<200x1xi32>
    %swap3A_1052 = arith.constant 0 : index
    %swap3A_1053 = arith.constant 23 : index
    %swap3A_1054 = vector.load %arg7[%swap3A_1052, %swap3A_1053] : memref<200x32xi32, #tpu.memory_space<vmem>>, vector<200x1xi32>
    tpu.vector_store %arg7[%swap3A_1052, %swap3A_1053], %select_n3A_1051 {strides = array<i32>} : memref<200x32xi32, #tpu.memory_space<vmem>>, vector<200x1xi32>,
    %jit3A_1055 = arith.constant 1.000000e+00 : f32
    %jit3A_1056 = arith.constant 0.000000e+00 : f32
    %broadcast_in_dim3A_1057 = vector.broadcast %jit3A_1055 : f32 to vector<200x1xf32>
    %broadcast_in_dim3A_1058 = vector.broadcast %jit3A_1056 : f32 to vector<200x1xf32>
    %select_n3A_1059 = arith.select %lt3A_1048, %broadcast_in_dim3A_1057, %broadcast_in_dim3A_1058 : vector<200x1xi1>, vector<200x1xf32>
    %swap3A_1060 = arith.constant 0 : index
    %swap3A_1061 = arith.constant 23 : index
    %swap3A_1062 = vector.load %arg8[%swap3A_1060, %swap3A_1061] : memref<200x32xf32, #tpu.memory_space<vmem>>, vector<200x1xf32>
    tpu.vector_store %arg8[%swap3A_1060, %swap3A_1061], %select_n3A_1059 {strides = array<i32>} : memref<200x32xf32, #tpu.memory_space<vmem>>, vector<200x1xf32>,
    %jit3A_1063 = arith.constant 1.600000e+01 : f32
    %broadcast_in_dim3A_1064 = vector.broadcast %jit3A_1063 : f32 to vector<200x1xf32>
    %select_n3A_1065 = arith.select %lt3A_1048, %broadcast_in_dim3A_1035, %broadcast_in_dim3A_1064 : vector<200x1xi1>, vector<200x1xf32>
    %swap3A_1066 = arith.constant 0 : index
    %swap3A_1067 = arith.constant 23 : index
    %swap3A_1068 = vector.load %arg9[%swap3A_1066, %swap3A_1067] : memref<200x32xf32, #tpu.memory_space<vmem>>, vector<200x1xf32>
    tpu.vector_store %arg9[%swap3A_1066, %swap3A_1067], %select_n3A_1065 {strides = array<i32>} : memref<200x32xf32, #tpu.memory_space<vmem>>, vector<200x1xf32>,
    %eq3A_1069 = vector.broadcast %get3A_29 : vector<1x1024xi32> to vector<200x1024xi32>
    %eq3A_1070 = vector.broadcast %broadcast_in_dim3A_1045 : vector<200x1xi32> to vector<200x1024xi32>
    %eq3A_1071 = arith.cmpi eq, %eq3A_1069, %eq3A_1070 : vector<200x1024xi32>
    %and3A_1072 = arith.andi %eq3A_1037, %eq3A_1071 : vector<200x1024xi1>
    %jit3A_1073 = arith.constant 0x7F800000 : f32
    %broadcast_in_dim3A_1074 = vector.broadcast %jit3A_1073 : f32 to vector<200x1024xf32>
    %select_n3A_1075 = arith.select %and3A_1072, %broadcast_in_dim3A_1074, %select_n3A_1032 : vector<200x1024xi1>, vector<200x1024xf32>
    %reduce_min3A_1076 = arith.constant dense<0x7F800000> : vector<200xf32>
    %reduce_min3A_1077 = vector.multi_reduction <minimumf>, %select_n3A_1075, %reduce_min3A_1076 [1] : vector<200x1024xf32> to vector<200xf32>
    %broadcast_in_dim3A_1078 = vector.shape_cast %reduce_min3A_1077 : vector<200xf32> to vector<200x1xf32>
    %eq3A_1079 = vector.broadcast %broadcast_in_dim3A_1078 : vector<200x1xf32> to vector<200x1024xf32>
    %eq3A_1080 = arith.cmpf oeq, %select_n3A_1075, %eq3A_1079 : vector<200x1024xf32>
    %jit3A_1081 = arith.constant 10000 : i32
    %broadcast_in_dim3A_1082 = vector.shape_cast %get3A_29 : vector<1x1024xi32> to vector<1x1024xi32>
    %broadcast_in_dim3A_1083 = vector.broadcast %broadcast_in_dim3A_1082 : vector<1x1024xi32> to vector<200x1024xi32>
    %broadcast_in_dim3A_1084 = vector.broadcast %jit3A_1081 : i32 to vector<200x1024xi32>
    %select_n3A_1085 = arith.select %eq3A_1080, %broadcast_in_dim3A_1083, %broadcast_in_dim3A_1084 : vector<200x1024xi1>, vector<200x1024xi32>
    %reduce_min3A_1086 = arith.constant dense<2147483647> : vector<200xi32>
    %reduce_min3A_1087 = vector.multi_reduction <minsi>, %select_n3A_1085, %reduce_min3A_1086 [1] : vector<200x1024xi32> to vector<200xi32>
    %broadcast_in_dim3A_1088 = vector.shape_cast %reduce_min3A_1087 : vector<200xi32> to vector<200x1xi32>
    %lt3A_1089 = arith.constant 0x7F800000 : f32
    %lt3A_1090 = vector.broadcast %lt3A_1089 : f32 to vector<200x1xf32>
    %lt3A_1091 = arith.cmpf olt, %broadcast_in_dim3A_1078, %lt3A_1090 : vector<200x1xf32>
    %jit3A_1092 = arith.constant 0 : i32
    %broadcast_in_dim3A_1093 = vector.broadcast %jit3A_1092 : i32 to vector<200x1xi32>
    %select_n3A_1094 = arith.select %lt3A_1091, %broadcast_in_dim3A_1088, %broadcast_in_dim3A_1093 : vector<200x1xi1>, vector<200x1xi32>
    %swap3A_1095 = arith.constant 0 : index
    %swap3A_1096 = arith.constant 24 : index
    %swap3A_1097 = vector.load %arg7[%swap3A_1095, %swap3A_1096] : memref<200x32xi32, #tpu.memory_space<vmem>>, vector<200x1xi32>
    tpu.vector_store %arg7[%swap3A_1095, %swap3A_1096], %select_n3A_1094 {strides = array<i32>} : memref<200x32xi32, #tpu.memory_space<vmem>>, vector<200x1xi32>,
    %jit3A_1098 = arith.constant 1.000000e+00 : f32
    %jit3A_1099 = arith.constant 0.000000e+00 : f32
    %broadcast_in_dim3A_1100 = vector.broadcast %jit3A_1098 : f32 to vector<200x1xf32>
    %broadcast_in_dim3A_1101 = vector.broadcast %jit3A_1099 : f32 to vector<200x1xf32>
    %select_n3A_1102 = arith.select %lt3A_1091, %broadcast_in_dim3A_1100, %broadcast_in_dim3A_1101 : vector<200x1xi1>, vector<200x1xf32>
    %swap3A_1103 = arith.constant 0 : index
    %swap3A_1104 = arith.constant 24 : index
    %swap3A_1105 = vector.load %arg8[%swap3A_1103, %swap3A_1104] : memref<200x32xf32, #tpu.memory_space<vmem>>, vector<200x1xf32>
    tpu.vector_store %arg8[%swap3A_1103, %swap3A_1104], %select_n3A_1102 {strides = array<i32>} : memref<200x32xf32, #tpu.memory_space<vmem>>, vector<200x1xf32>,
    %jit3A_1106 = arith.constant 1.600000e+01 : f32
    %broadcast_in_dim3A_1107 = vector.broadcast %jit3A_1106 : f32 to vector<200x1xf32>
    %select_n3A_1108 = arith.select %lt3A_1091, %broadcast_in_dim3A_1078, %broadcast_in_dim3A_1107 : vector<200x1xi1>, vector<200x1xf32>
    %swap3A_1109 = arith.constant 0 : index
    %swap3A_1110 = arith.constant 24 : index
    %swap3A_1111 = vector.load %arg9[%swap3A_1109, %swap3A_1110] : memref<200x32xf32, #tpu.memory_space<vmem>>, vector<200x1xf32>
    tpu.vector_store %arg9[%swap3A_1109, %swap3A_1110], %select_n3A_1108 {strides = array<i32>} : memref<200x32xf32, #tpu.memory_space<vmem>>, vector<200x1xf32>,
    %eq3A_1112 = vector.broadcast %get3A_29 : vector<1x1024xi32> to vector<200x1024xi32>
    %eq3A_1113 = vector.broadcast %broadcast_in_dim3A_1088 : vector<200x1xi32> to vector<200x1024xi32>
    %eq3A_1114 = arith.cmpi eq, %eq3A_1112, %eq3A_1113 : vector<200x1024xi32>
    %and3A_1115 = arith.andi %eq3A_1080, %eq3A_1114 : vector<200x1024xi1>
    %jit3A_1116 = arith.constant 0x7F800000 : f32
    %broadcast_in_dim3A_1117 = vector.broadcast %jit3A_1116 : f32 to vector<200x1024xf32>
    %select_n3A_1118 = arith.select %and3A_1115, %broadcast_in_dim3A_1117, %select_n3A_1075 : vector<200x1024xi1>, vector<200x1024xf32>
    %reduce_min3A_1119 = arith.constant dense<0x7F800000> : vector<200xf32>
    %reduce_min3A_1120 = vector.multi_reduction <minimumf>, %select_n3A_1118, %reduce_min3A_1119 [1] : vector<200x1024xf32> to vector<200xf32>
    %broadcast_in_dim3A_1121 = vector.shape_cast %reduce_min3A_1120 : vector<200xf32> to vector<200x1xf32>
    %eq3A_1122 = vector.broadcast %broadcast_in_dim3A_1121 : vector<200x1xf32> to vector<200x1024xf32>
    %eq3A_1123 = arith.cmpf oeq, %select_n3A_1118, %eq3A_1122 : vector<200x1024xf32>
    %jit3A_1124 = arith.constant 10000 : i32
    %broadcast_in_dim3A_1125 = vector.shape_cast %get3A_29 : vector<1x1024xi32> to vector<1x1024xi32>
    %broadcast_in_dim3A_1126 = vector.broadcast %broadcast_in_dim3A_1125 : vector<1x1024xi32> to vector<200x1024xi32>
    %broadcast_in_dim3A_1127 = vector.broadcast %jit3A_1124 : i32 to vector<200x1024xi32>
    %select_n3A_1128 = arith.select %eq3A_1123, %broadcast_in_dim3A_1126, %broadcast_in_dim3A_1127 : vector<200x1024xi1>, vector<200x1024xi32>
    %reduce_min3A_1129 = arith.constant dense<2147483647> : vector<200xi32>
    %reduce_min3A_1130 = vector.multi_reduction <minsi>, %select_n3A_1128, %reduce_min3A_1129 [1] : vector<200x1024xi32> to vector<200xi32>
    %broadcast_in_dim3A_1131 = vector.shape_cast %reduce_min3A_1130 : vector<200xi32> to vector<200x1xi32>
    %lt3A_1132 = arith.constant 0x7F800000 : f32
    %lt3A_1133 = vector.broadcast %lt3A_1132 : f32 to vector<200x1xf32>
    %lt3A_1134 = arith.cmpf olt, %broadcast_in_dim3A_1121, %lt3A_1133 : vector<200x1xf32>
    %jit3A_1135 = arith.constant 0 : i32
    %broadcast_in_dim3A_1136 = vector.broadcast %jit3A_1135 : i32 to vector<200x1xi32>
    %select_n3A_1137 = arith.select %lt3A_1134, %broadcast_in_dim3A_1131, %broadcast_in_dim3A_1136 : vector<200x1xi1>, vector<200x1xi32>
    %swap3A_1138 = arith.constant 0 : index
    %swap3A_1139 = arith.constant 25 : index
    %swap3A_1140 = vector.load %arg7[%swap3A_1138, %swap3A_1139] : memref<200x32xi32, #tpu.memory_space<vmem>>, vector<200x1xi32>
    tpu.vector_store %arg7[%swap3A_1138, %swap3A_1139], %select_n3A_1137 {strides = array<i32>} : memref<200x32xi32, #tpu.memory_space<vmem>>, vector<200x1xi32>,
    %jit3A_1141 = arith.constant 1.000000e+00 : f32
    %jit3A_1142 = arith.constant 0.000000e+00 : f32
    %broadcast_in_dim3A_1143 = vector.broadcast %jit3A_1141 : f32 to vector<200x1xf32>
    %broadcast_in_dim3A_1144 = vector.broadcast %jit3A_1142 : f32 to vector<200x1xf32>
    %select_n3A_1145 = arith.select %lt3A_1134, %broadcast_in_dim3A_1143, %broadcast_in_dim3A_1144 : vector<200x1xi1>, vector<200x1xf32>
    %swap3A_1146 = arith.constant 0 : index
    %swap3A_1147 = arith.constant 25 : index
    %swap3A_1148 = vector.load %arg8[%swap3A_1146, %swap3A_1147] : memref<200x32xf32, #tpu.memory_space<vmem>>, vector<200x1xf32>
    tpu.vector_store %arg8[%swap3A_1146, %swap3A_1147], %select_n3A_1145 {strides = array<i32>} : memref<200x32xf32, #tpu.memory_space<vmem>>, vector<200x1xf32>,
    %jit3A_1149 = arith.constant 1.600000e+01 : f32
    %broadcast_in_dim3A_1150 = vector.broadcast %jit3A_1149 : f32 to vector<200x1xf32>
    %select_n3A_1151 = arith.select %lt3A_1134, %broadcast_in_dim3A_1121, %broadcast_in_dim3A_1150 : vector<200x1xi1>, vector<200x1xf32>
    %swap3A_1152 = arith.constant 0 : index
    %swap3A_1153 = arith.constant 25 : index
    %swap3A_1154 = vector.load %arg9[%swap3A_1152, %swap3A_1153] : memref<200x32xf32, #tpu.memory_space<vmem>>, vector<200x1xf32>
    tpu.vector_store %arg9[%swap3A_1152, %swap3A_1153], %select_n3A_1151 {strides = array<i32>} : memref<200x32xf32, #tpu.memory_space<vmem>>, vector<200x1xf32>,
    %eq3A_1155 = vector.broadcast %get3A_29 : vector<1x1024xi32> to vector<200x1024xi32>
    %eq3A_1156 = vector.broadcast %broadcast_in_dim3A_1131 : vector<200x1xi32> to vector<200x1024xi32>
    %eq3A_1157 = arith.cmpi eq, %eq3A_1155, %eq3A_1156 : vector<200x1024xi32>
    %and3A_1158 = arith.andi %eq3A_1123, %eq3A_1157 : vector<200x1024xi1>
    %jit3A_1159 = arith.constant 0x7F800000 : f32
    %broadcast_in_dim3A_1160 = vector.broadcast %jit3A_1159 : f32 to vector<200x1024xf32>
    %select_n3A_1161 = arith.select %and3A_1158, %broadcast_in_dim3A_1160, %select_n3A_1118 : vector<200x1024xi1>, vector<200x1024xf32>
    %reduce_min3A_1162 = arith.constant dense<0x7F800000> : vector<200xf32>
    %reduce_min3A_1163 = vector.multi_reduction <minimumf>, %select_n3A_1161, %reduce_min3A_1162 [1] : vector<200x1024xf32> to vector<200xf32>
    %broadcast_in_dim3A_1164 = vector.shape_cast %reduce_min3A_1163 : vector<200xf32> to vector<200x1xf32>
    %eq3A_1165 = vector.broadcast %broadcast_in_dim3A_1164 : vector<200x1xf32> to vector<200x1024xf32>
    %eq3A_1166 = arith.cmpf oeq, %select_n3A_1161, %eq3A_1165 : vector<200x1024xf32>
    %jit3A_1167 = arith.constant 10000 : i32
    %broadcast_in_dim3A_1168 = vector.shape_cast %get3A_29 : vector<1x1024xi32> to vector<1x1024xi32>
    %broadcast_in_dim3A_1169 = vector.broadcast %broadcast_in_dim3A_1168 : vector<1x1024xi32> to vector<200x1024xi32>
    %broadcast_in_dim3A_1170 = vector.broadcast %jit3A_1167 : i32 to vector<200x1024xi32>
    %select_n3A_1171 = arith.select %eq3A_1166, %broadcast_in_dim3A_1169, %broadcast_in_dim3A_1170 : vector<200x1024xi1>, vector<200x1024xi32>
    %reduce_min3A_1172 = arith.constant dense<2147483647> : vector<200xi32>
    %reduce_min3A_1173 = vector.multi_reduction <minsi>, %select_n3A_1171, %reduce_min3A_1172 [1] : vector<200x1024xi32> to vector<200xi32>
    %broadcast_in_dim3A_1174 = vector.shape_cast %reduce_min3A_1173 : vector<200xi32> to vector<200x1xi32>
    %lt3A_1175 = arith.constant 0x7F800000 : f32
    %lt3A_1176 = vector.broadcast %lt3A_1175 : f32 to vector<200x1xf32>
    %lt3A_1177 = arith.cmpf olt, %broadcast_in_dim3A_1164, %lt3A_1176 : vector<200x1xf32>
    %jit3A_1178 = arith.constant 0 : i32
    %broadcast_in_dim3A_1179 = vector.broadcast %jit3A_1178 : i32 to vector<200x1xi32>
    %select_n3A_1180 = arith.select %lt3A_1177, %broadcast_in_dim3A_1174, %broadcast_in_dim3A_1179 : vector<200x1xi1>, vector<200x1xi32>
    %swap3A_1181 = arith.constant 0 : index
    %swap3A_1182 = arith.constant 26 : index
    %swap3A_1183 = vector.load %arg7[%swap3A_1181, %swap3A_1182] : memref<200x32xi32, #tpu.memory_space<vmem>>, vector<200x1xi32>
    tpu.vector_store %arg7[%swap3A_1181, %swap3A_1182], %select_n3A_1180 {strides = array<i32>} : memref<200x32xi32, #tpu.memory_space<vmem>>, vector<200x1xi32>,
    %jit3A_1184 = arith.constant 1.000000e+00 : f32
    %jit3A_1185 = arith.constant 0.000000e+00 : f32
    %broadcast_in_dim3A_1186 = vector.broadcast %jit3A_1184 : f32 to vector<200x1xf32>
    %broadcast_in_dim3A_1187 = vector.broadcast %jit3A_1185 : f32 to vector<200x1xf32>
    %select_n3A_1188 = arith.select %lt3A_1177, %broadcast_in_dim3A_1186, %broadcast_in_dim3A_1187 : vector<200x1xi1>, vector<200x1xf32>
    %swap3A_1189 = arith.constant 0 : index
    %swap3A_1190 = arith.constant 26 : index
    %swap3A_1191 = vector.load %arg8[%swap3A_1189, %swap3A_1190] : memref<200x32xf32, #tpu.memory_space<vmem>>, vector<200x1xf32>
    tpu.vector_store %arg8[%swap3A_1189, %swap3A_1190], %select_n3A_1188 {strides = array<i32>} : memref<200x32xf32, #tpu.memory_space<vmem>>, vector<200x1xf32>,
    %jit3A_1192 = arith.constant 1.600000e+01 : f32
    %broadcast_in_dim3A_1193 = vector.broadcast %jit3A_1192 : f32 to vector<200x1xf32>
    %select_n3A_1194 = arith.select %lt3A_1177, %broadcast_in_dim3A_1164, %broadcast_in_dim3A_1193 : vector<200x1xi1>, vector<200x1xf32>
    %swap3A_1195 = arith.constant 0 : index
    %swap3A_1196 = arith.constant 26 : index
    %swap3A_1197 = vector.load %arg9[%swap3A_1195, %swap3A_1196] : memref<200x32xf32, #tpu.memory_space<vmem>>, vector<200x1xf32>
    tpu.vector_store %arg9[%swap3A_1195, %swap3A_1196], %select_n3A_1194 {strides = array<i32>} : memref<200x32xf32, #tpu.memory_space<vmem>>, vector<200x1xf32>,
    %eq3A_1198 = vector.broadcast %get3A_29 : vector<1x1024xi32> to vector<200x1024xi32>
    %eq3A_1199 = vector.broadcast %broadcast_in_dim3A_1174 : vector<200x1xi32> to vector<200x1024xi32>
    %eq3A_1200 = arith.cmpi eq, %eq3A_1198, %eq3A_1199 : vector<200x1024xi32>
    %and3A_1201 = arith.andi %eq3A_1166, %eq3A_1200 : vector<200x1024xi1>
    %jit3A_1202 = arith.constant 0x7F800000 : f32
    %broadcast_in_dim3A_1203 = vector.broadcast %jit3A_1202 : f32 to vector<200x1024xf32>
    %select_n3A_1204 = arith.select %and3A_1201, %broadcast_in_dim3A_1203, %select_n3A_1161 : vector<200x1024xi1>, vector<200x1024xf32>
    %reduce_min3A_1205 = arith.constant dense<0x7F800000> : vector<200xf32>
    %reduce_min3A_1206 = vector.multi_reduction <minimumf>, %select_n3A_1204, %reduce_min3A_1205 [1] : vector<200x1024xf32> to vector<200xf32>
    %broadcast_in_dim3A_1207 = vector.shape_cast %reduce_min3A_1206 : vector<200xf32> to vector<200x1xf32>
    %eq3A_1208 = vector.broadcast %broadcast_in_dim3A_1207 : vector<200x1xf32> to vector<200x1024xf32>
    %eq3A_1209 = arith.cmpf oeq, %select_n3A_1204, %eq3A_1208 : vector<200x1024xf32>
    %jit3A_1210 = arith.constant 10000 : i32
    %broadcast_in_dim3A_1211 = vector.shape_cast %get3A_29 : vector<1x1024xi32> to vector<1x1024xi32>
    %broadcast_in_dim3A_1212 = vector.broadcast %broadcast_in_dim3A_1211 : vector<1x1024xi32> to vector<200x1024xi32>
    %broadcast_in_dim3A_1213 = vector.broadcast %jit3A_1210 : i32 to vector<200x1024xi32>
    %select_n3A_1214 = arith.select %eq3A_1209, %broadcast_in_dim3A_1212, %broadcast_in_dim3A_1213 : vector<200x1024xi1>, vector<200x1024xi32>
    %reduce_min3A_1215 = arith.constant dense<2147483647> : vector<200xi32>
    %reduce_min3A_1216 = vector.multi_reduction <minsi>, %select_n3A_1214, %reduce_min3A_1215 [1] : vector<200x1024xi32> to vector<200xi32>
    %broadcast_in_dim3A_1217 = vector.shape_cast %reduce_min3A_1216 : vector<200xi32> to vector<200x1xi32>
    %lt3A_1218 = arith.constant 0x7F800000 : f32
    %lt3A_1219 = vector.broadcast %lt3A_1218 : f32 to vector<200x1xf32>
    %lt3A_1220 = arith.cmpf olt, %broadcast_in_dim3A_1207, %lt3A_1219 : vector<200x1xf32>
    %jit3A_1221 = arith.constant 0 : i32
    %broadcast_in_dim3A_1222 = vector.broadcast %jit3A_1221 : i32 to vector<200x1xi32>
    %select_n3A_1223 = arith.select %lt3A_1220, %broadcast_in_dim3A_1217, %broadcast_in_dim3A_1222 : vector<200x1xi1>, vector<200x1xi32>
    %swap3A_1224 = arith.constant 0 : index
    %swap3A_1225 = arith.constant 27 : index
    %swap3A_1226 = vector.load %arg7[%swap3A_1224, %swap3A_1225] : memref<200x32xi32, #tpu.memory_space<vmem>>, vector<200x1xi32>
    tpu.vector_store %arg7[%swap3A_1224, %swap3A_1225], %select_n3A_1223 {strides = array<i32>} : memref<200x32xi32, #tpu.memory_space<vmem>>, vector<200x1xi32>,
    %jit3A_1227 = arith.constant 1.000000e+00 : f32
    %jit3A_1228 = arith.constant 0.000000e+00 : f32
    %broadcast_in_dim3A_1229 = vector.broadcast %jit3A_1227 : f32 to vector<200x1xf32>
    %broadcast_in_dim3A_1230 = vector.broadcast %jit3A_1228 : f32 to vector<200x1xf32>
    %select_n3A_1231 = arith.select %lt3A_1220, %broadcast_in_dim3A_1229, %broadcast_in_dim3A_1230 : vector<200x1xi1>, vector<200x1xf32>
    %swap3A_1232 = arith.constant 0 : index
    %swap3A_1233 = arith.constant 27 : index
    %swap3A_1234 = vector.load %arg8[%swap3A_1232, %swap3A_1233] : memref<200x32xf32, #tpu.memory_space<vmem>>, vector<200x1xf32>
    tpu.vector_store %arg8[%swap3A_1232, %swap3A_1233], %select_n3A_1231 {strides = array<i32>} : memref<200x32xf32, #tpu.memory_space<vmem>>, vector<200x1xf32>,
    %jit3A_1235 = arith.constant 1.600000e+01 : f32
    %broadcast_in_dim3A_1236 = vector.broadcast %jit3A_1235 : f32 to vector<200x1xf32>
    %select_n3A_1237 = arith.select %lt3A_1220, %broadcast_in_dim3A_1207, %broadcast_in_dim3A_1236 : vector<200x1xi1>, vector<200x1xf32>
    %swap3A_1238 = arith.constant 0 : index
    %swap3A_1239 = arith.constant 27 : index
    %swap3A_1240 = vector.load %arg9[%swap3A_1238, %swap3A_1239] : memref<200x32xf32, #tpu.memory_space<vmem>>, vector<200x1xf32>
    tpu.vector_store %arg9[%swap3A_1238, %swap3A_1239], %select_n3A_1237 {strides = array<i32>} : memref<200x32xf32, #tpu.memory_space<vmem>>, vector<200x1xf32>,
    %eq3A_1241 = vector.broadcast %get3A_29 : vector<1x1024xi32> to vector<200x1024xi32>
    %eq3A_1242 = vector.broadcast %broadcast_in_dim3A_1217 : vector<200x1xi32> to vector<200x1024xi32>
    %eq3A_1243 = arith.cmpi eq, %eq3A_1241, %eq3A_1242 : vector<200x1024xi32>
    %and3A_1244 = arith.andi %eq3A_1209, %eq3A_1243 : vector<200x1024xi1>
    %jit3A_1245 = arith.constant 0x7F800000 : f32
    %broadcast_in_dim3A_1246 = vector.broadcast %jit3A_1245 : f32 to vector<200x1024xf32>
    %select_n3A_1247 = arith.select %and3A_1244, %broadcast_in_dim3A_1246, %select_n3A_1204 : vector<200x1024xi1>, vector<200x1024xf32>
    %reduce_min3A_1248 = arith.constant dense<0x7F800000> : vector<200xf32>
    %reduce_min3A_1249 = vector.multi_reduction <minimumf>, %select_n3A_1247, %reduce_min3A_1248 [1] : vector<200x1024xf32> to vector<200xf32>
    %broadcast_in_dim3A_1250 = vector.shape_cast %reduce_min3A_1249 : vector<200xf32> to vector<200x1xf32>
    %eq3A_1251 = vector.broadcast %broadcast_in_dim3A_1250 : vector<200x1xf32> to vector<200x1024xf32>
    %eq3A_1252 = arith.cmpf oeq, %select_n3A_1247, %eq3A_1251 : vector<200x1024xf32>
    %jit3A_1253 = arith.constant 10000 : i32
    %broadcast_in_dim3A_1254 = vector.shape_cast %get3A_29 : vector<1x1024xi32> to vector<1x1024xi32>
    %broadcast_in_dim3A_1255 = vector.broadcast %broadcast_in_dim3A_1254 : vector<1x1024xi32> to vector<200x1024xi32>
    %broadcast_in_dim3A_1256 = vector.broadcast %jit3A_1253 : i32 to vector<200x1024xi32>
    %select_n3A_1257 = arith.select %eq3A_1252, %broadcast_in_dim3A_1255, %broadcast_in_dim3A_1256 : vector<200x1024xi1>, vector<200x1024xi32>
    %reduce_min3A_1258 = arith.constant dense<2147483647> : vector<200xi32>
    %reduce_min3A_1259 = vector.multi_reduction <minsi>, %select_n3A_1257, %reduce_min3A_1258 [1] : vector<200x1024xi32> to vector<200xi32>
    %broadcast_in_dim3A_1260 = vector.shape_cast %reduce_min3A_1259 : vector<200xi32> to vector<200x1xi32>
    %lt3A_1261 = arith.constant 0x7F800000 : f32
    %lt3A_1262 = vector.broadcast %lt3A_1261 : f32 to vector<200x1xf32>
    %lt3A_1263 = arith.cmpf olt, %broadcast_in_dim3A_1250, %lt3A_1262 : vector<200x1xf32>
    %jit3A_1264 = arith.constant 0 : i32
    %broadcast_in_dim3A_1265 = vector.broadcast %jit3A_1264 : i32 to vector<200x1xi32>
    %select_n3A_1266 = arith.select %lt3A_1263, %broadcast_in_dim3A_1260, %broadcast_in_dim3A_1265 : vector<200x1xi1>, vector<200x1xi32>
    %swap3A_1267 = arith.constant 0 : index
    %swap3A_1268 = arith.constant 28 : index
    %swap3A_1269 = vector.load %arg7[%swap3A_1267, %swap3A_1268] : memref<200x32xi32, #tpu.memory_space<vmem>>, vector<200x1xi32>
    tpu.vector_store %arg7[%swap3A_1267, %swap3A_1268], %select_n3A_1266 {strides = array<i32>} : memref<200x32xi32, #tpu.memory_space<vmem>>, vector<200x1xi32>,
    %jit3A_1270 = arith.constant 1.000000e+00 : f32
    %jit3A_1271 = arith.constant 0.000000e+00 : f32
    %broadcast_in_dim3A_1272 = vector.broadcast %jit3A_1270 : f32 to vector<200x1xf32>
    %broadcast_in_dim3A_1273 = vector.broadcast %jit3A_1271 : f32 to vector<200x1xf32>
    %select_n3A_1274 = arith.select %lt3A_1263, %broadcast_in_dim3A_1272, %broadcast_in_dim3A_1273 : vector<200x1xi1>, vector<200x1xf32>
    %swap3A_1275 = arith.constant 0 : index
    %swap3A_1276 = arith.constant 28 : index
    %swap3A_1277 = vector.load %arg8[%swap3A_1275, %swap3A_1276] : memref<200x32xf32, #tpu.memory_space<vmem>>, vector<200x1xf32>
    tpu.vector_store %arg8[%swap3A_1275, %swap3A_1276], %select_n3A_1274 {strides = array<i32>} : memref<200x32xf32, #tpu.memory_space<vmem>>, vector<200x1xf32>,
    %jit3A_1278 = arith.constant 1.600000e+01 : f32
    %broadcast_in_dim3A_1279 = vector.broadcast %jit3A_1278 : f32 to vector<200x1xf32>
    %select_n3A_1280 = arith.select %lt3A_1263, %broadcast_in_dim3A_1250, %broadcast_in_dim3A_1279 : vector<200x1xi1>, vector<200x1xf32>
    %swap3A_1281 = arith.constant 0 : index
    %swap3A_1282 = arith.constant 28 : index
    %swap3A_1283 = vector.load %arg9[%swap3A_1281, %swap3A_1282] : memref<200x32xf32, #tpu.memory_space<vmem>>, vector<200x1xf32>
    tpu.vector_store %arg9[%swap3A_1281, %swap3A_1282], %select_n3A_1280 {strides = array<i32>} : memref<200x32xf32, #tpu.memory_space<vmem>>, vector<200x1xf32>,
    %eq3A_1284 = vector.broadcast %get3A_29 : vector<1x1024xi32> to vector<200x1024xi32>
    %eq3A_1285 = vector.broadcast %broadcast_in_dim3A_1260 : vector<200x1xi32> to vector<200x1024xi32>
    %eq3A_1286 = arith.cmpi eq, %eq3A_1284, %eq3A_1285 : vector<200x1024xi32>
    %and3A_1287 = arith.andi %eq3A_1252, %eq3A_1286 : vector<200x1024xi1>
    %jit3A_1288 = arith.constant 0x7F800000 : f32
    %broadcast_in_dim3A_1289 = vector.broadcast %jit3A_1288 : f32 to vector<200x1024xf32>
    %select_n3A_1290 = arith.select %and3A_1287, %broadcast_in_dim3A_1289, %select_n3A_1247 : vector<200x1024xi1>, vector<200x1024xf32>
    %reduce_min3A_1291 = arith.constant dense<0x7F800000> : vector<200xf32>
    %reduce_min3A_1292 = vector.multi_reduction <minimumf>, %select_n3A_1290, %reduce_min3A_1291 [1] : vector<200x1024xf32> to vector<200xf32>
    %broadcast_in_dim3A_1293 = vector.shape_cast %reduce_min3A_1292 : vector<200xf32> to vector<200x1xf32>
    %eq3A_1294 = vector.broadcast %broadcast_in_dim3A_1293 : vector<200x1xf32> to vector<200x1024xf32>
    %eq3A_1295 = arith.cmpf oeq, %select_n3A_1290, %eq3A_1294 : vector<200x1024xf32>
    %jit3A_1296 = arith.constant 10000 : i32
    %broadcast_in_dim3A_1297 = vector.shape_cast %get3A_29 : vector<1x1024xi32> to vector<1x1024xi32>
    %broadcast_in_dim3A_1298 = vector.broadcast %broadcast_in_dim3A_1297 : vector<1x1024xi32> to vector<200x1024xi32>
    %broadcast_in_dim3A_1299 = vector.broadcast %jit3A_1296 : i32 to vector<200x1024xi32>
    %select_n3A_1300 = arith.select %eq3A_1295, %broadcast_in_dim3A_1298, %broadcast_in_dim3A_1299 : vector<200x1024xi1>, vector<200x1024xi32>
    %reduce_min3A_1301 = arith.constant dense<2147483647> : vector<200xi32>
    %reduce_min3A_1302 = vector.multi_reduction <minsi>, %select_n3A_1300, %reduce_min3A_1301 [1] : vector<200x1024xi32> to vector<200xi32>
    %broadcast_in_dim3A_1303 = vector.shape_cast %reduce_min3A_1302 : vector<200xi32> to vector<200x1xi32>
    %lt3A_1304 = arith.constant 0x7F800000 : f32
    %lt3A_1305 = vector.broadcast %lt3A_1304 : f32 to vector<200x1xf32>
    %lt3A_1306 = arith.cmpf olt, %broadcast_in_dim3A_1293, %lt3A_1305 : vector<200x1xf32>
    %jit3A_1307 = arith.constant 0 : i32
    %broadcast_in_dim3A_1308 = vector.broadcast %jit3A_1307 : i32 to vector<200x1xi32>
    %select_n3A_1309 = arith.select %lt3A_1306, %broadcast_in_dim3A_1303, %broadcast_in_dim3A_1308 : vector<200x1xi1>, vector<200x1xi32>
    %swap3A_1310 = arith.constant 0 : index
    %swap3A_1311 = arith.constant 29 : index
    %swap3A_1312 = vector.load %arg7[%swap3A_1310, %swap3A_1311] : memref<200x32xi32, #tpu.memory_space<vmem>>, vector<200x1xi32>
    tpu.vector_store %arg7[%swap3A_1310, %swap3A_1311], %select_n3A_1309 {strides = array<i32>} : memref<200x32xi32, #tpu.memory_space<vmem>>, vector<200x1xi32>,
    %jit3A_1313 = arith.constant 1.000000e+00 : f32
    %jit3A_1314 = arith.constant 0.000000e+00 : f32
    %broadcast_in_dim3A_1315 = vector.broadcast %jit3A_1313 : f32 to vector<200x1xf32>
    %broadcast_in_dim3A_1316 = vector.broadcast %jit3A_1314 : f32 to vector<200x1xf32>
    %select_n3A_1317 = arith.select %lt3A_1306, %broadcast_in_dim3A_1315, %broadcast_in_dim3A_1316 : vector<200x1xi1>, vector<200x1xf32>
    %swap3A_1318 = arith.constant 0 : index
    %swap3A_1319 = arith.constant 29 : index
    %swap3A_1320 = vector.load %arg8[%swap3A_1318, %swap3A_1319] : memref<200x32xf32, #tpu.memory_space<vmem>>, vector<200x1xf32>
    tpu.vector_store %arg8[%swap3A_1318, %swap3A_1319], %select_n3A_1317 {strides = array<i32>} : memref<200x32xf32, #tpu.memory_space<vmem>>, vector<200x1xf32>,
    %jit3A_1321 = arith.constant 1.600000e+01 : f32
    %broadcast_in_dim3A_1322 = vector.broadcast %jit3A_1321 : f32 to vector<200x1xf32>
    %select_n3A_1323 = arith.select %lt3A_1306, %broadcast_in_dim3A_1293, %broadcast_in_dim3A_1322 : vector<200x1xi1>, vector<200x1xf32>
    %swap3A_1324 = arith.constant 0 : index
    %swap3A_1325 = arith.constant 29 : index
    %swap3A_1326 = vector.load %arg9[%swap3A_1324, %swap3A_1325] : memref<200x32xf32, #tpu.memory_space<vmem>>, vector<200x1xf32>
    tpu.vector_store %arg9[%swap3A_1324, %swap3A_1325], %select_n3A_1323 {strides = array<i32>} : memref<200x32xf32, #tpu.memory_space<vmem>>, vector<200x1xf32>,
    %eq3A_1327 = vector.broadcast %get3A_29 : vector<1x1024xi32> to vector<200x1024xi32>
    %eq3A_1328 = vector.broadcast %broadcast_in_dim3A_1303 : vector<200x1xi32> to vector<200x1024xi32>
    %eq3A_1329 = arith.cmpi eq, %eq3A_1327, %eq3A_1328 : vector<200x1024xi32>
    %and3A_1330 = arith.andi %eq3A_1295, %eq3A_1329 : vector<200x1024xi1>
    %jit3A_1331 = arith.constant 0x7F800000 : f32
    %broadcast_in_dim3A_1332 = vector.broadcast %jit3A_1331 : f32 to vector<200x1024xf32>
    %select_n3A_1333 = arith.select %and3A_1330, %broadcast_in_dim3A_1332, %select_n3A_1290 : vector<200x1024xi1>, vector<200x1024xf32>
    %reduce_min3A_1334 = arith.constant dense<0x7F800000> : vector<200xf32>
    %reduce_min3A_1335 = vector.multi_reduction <minimumf>, %select_n3A_1333, %reduce_min3A_1334 [1] : vector<200x1024xf32> to vector<200xf32>
    %broadcast_in_dim3A_1336 = vector.shape_cast %reduce_min3A_1335 : vector<200xf32> to vector<200x1xf32>
    %eq3A_1337 = vector.broadcast %broadcast_in_dim3A_1336 : vector<200x1xf32> to vector<200x1024xf32>
    %eq3A_1338 = arith.cmpf oeq, %select_n3A_1333, %eq3A_1337 : vector<200x1024xf32>
    %jit3A_1339 = arith.constant 10000 : i32
    %broadcast_in_dim3A_1340 = vector.shape_cast %get3A_29 : vector<1x1024xi32> to vector<1x1024xi32>
    %broadcast_in_dim3A_1341 = vector.broadcast %broadcast_in_dim3A_1340 : vector<1x1024xi32> to vector<200x1024xi32>
    %broadcast_in_dim3A_1342 = vector.broadcast %jit3A_1339 : i32 to vector<200x1024xi32>
    %select_n3A_1343 = arith.select %eq3A_1338, %broadcast_in_dim3A_1341, %broadcast_in_dim3A_1342 : vector<200x1024xi1>, vector<200x1024xi32>
    %reduce_min3A_1344 = arith.constant dense<2147483647> : vector<200xi32>
    %reduce_min3A_1345 = vector.multi_reduction <minsi>, %select_n3A_1343, %reduce_min3A_1344 [1] : vector<200x1024xi32> to vector<200xi32>
    %broadcast_in_dim3A_1346 = vector.shape_cast %reduce_min3A_1345 : vector<200xi32> to vector<200x1xi32>
    %lt3A_1347 = arith.constant 0x7F800000 : f32
    %lt3A_1348 = vector.broadcast %lt3A_1347 : f32 to vector<200x1xf32>
    %lt3A_1349 = arith.cmpf olt, %broadcast_in_dim3A_1336, %lt3A_1348 : vector<200x1xf32>
    %jit3A_1350 = arith.constant 0 : i32
    %broadcast_in_dim3A_1351 = vector.broadcast %jit3A_1350 : i32 to vector<200x1xi32>
    %select_n3A_1352 = arith.select %lt3A_1349, %broadcast_in_dim3A_1346, %broadcast_in_dim3A_1351 : vector<200x1xi1>, vector<200x1xi32>
    %swap3A_1353 = arith.constant 0 : index
    %swap3A_1354 = arith.constant 30 : index
    %swap3A_1355 = vector.load %arg7[%swap3A_1353, %swap3A_1354] : memref<200x32xi32, #tpu.memory_space<vmem>>, vector<200x1xi32>
    tpu.vector_store %arg7[%swap3A_1353, %swap3A_1354], %select_n3A_1352 {strides = array<i32>} : memref<200x32xi32, #tpu.memory_space<vmem>>, vector<200x1xi32>,
    %jit3A_1356 = arith.constant 1.000000e+00 : f32
    %jit3A_1357 = arith.constant 0.000000e+00 : f32
    %broadcast_in_dim3A_1358 = vector.broadcast %jit3A_1356 : f32 to vector<200x1xf32>
    %broadcast_in_dim3A_1359 = vector.broadcast %jit3A_1357 : f32 to vector<200x1xf32>
    %select_n3A_1360 = arith.select %lt3A_1349, %broadcast_in_dim3A_1358, %broadcast_in_dim3A_1359 : vector<200x1xi1>, vector<200x1xf32>
    %swap3A_1361 = arith.constant 0 : index
    %swap3A_1362 = arith.constant 30 : index
    %swap3A_1363 = vector.load %arg8[%swap3A_1361, %swap3A_1362] : memref<200x32xf32, #tpu.memory_space<vmem>>, vector<200x1xf32>
    tpu.vector_store %arg8[%swap3A_1361, %swap3A_1362], %select_n3A_1360 {strides = array<i32>} : memref<200x32xf32, #tpu.memory_space<vmem>>, vector<200x1xf32>,
    %jit3A_1364 = arith.constant 1.600000e+01 : f32
    %broadcast_in_dim3A_1365 = vector.broadcast %jit3A_1364 : f32 to vector<200x1xf32>
    %select_n3A_1366 = arith.select %lt3A_1349, %broadcast_in_dim3A_1336, %broadcast_in_dim3A_1365 : vector<200x1xi1>, vector<200x1xf32>
    %swap3A_1367 = arith.constant 0 : index
    %swap3A_1368 = arith.constant 30 : index
    %swap3A_1369 = vector.load %arg9[%swap3A_1367, %swap3A_1368] : memref<200x32xf32, #tpu.memory_space<vmem>>, vector<200x1xf32>
    tpu.vector_store %arg9[%swap3A_1367, %swap3A_1368], %select_n3A_1366 {strides = array<i32>} : memref<200x32xf32, #tpu.memory_space<vmem>>, vector<200x1xf32>,
    %eq3A_1370 = vector.broadcast %get3A_29 : vector<1x1024xi32> to vector<200x1024xi32>
    %eq3A_1371 = vector.broadcast %broadcast_in_dim3A_1346 : vector<200x1xi32> to vector<200x1024xi32>
    %eq3A_1372 = arith.cmpi eq, %eq3A_1370, %eq3A_1371 : vector<200x1024xi32>
    %and3A_1373 = arith.andi %eq3A_1338, %eq3A_1372 : vector<200x1024xi1>
    %jit3A_1374 = arith.constant 0x7F800000 : f32
    %broadcast_in_dim3A_1375 = vector.broadcast %jit3A_1374 : f32 to vector<200x1024xf32>
    %select_n3A_1376 = arith.select %and3A_1373, %broadcast_in_dim3A_1375, %select_n3A_1333 : vector<200x1024xi1>, vector<200x1024xf32>
    %reduce_min3A_1377 = arith.constant dense<0x7F800000> : vector<200xf32>
    %reduce_min3A_1378 = vector.multi_reduction <minimumf>, %select_n3A_1376, %reduce_min3A_1377 [1] : vector<200x1024xf32> to vector<200xf32>
    %broadcast_in_dim3A_1379 = vector.shape_cast %reduce_min3A_1378 : vector<200xf32> to vector<200x1xf32>
    %eq3A_1380 = vector.broadcast %broadcast_in_dim3A_1379 : vector<200x1xf32> to vector<200x1024xf32>
    %eq3A_1381 = arith.cmpf oeq, %select_n3A_1376, %eq3A_1380 : vector<200x1024xf32>
    %jit3A_1382 = arith.constant 10000 : i32
    %broadcast_in_dim3A_1383 = vector.shape_cast %get3A_29 : vector<1x1024xi32> to vector<1x1024xi32>
    %broadcast_in_dim3A_1384 = vector.broadcast %broadcast_in_dim3A_1383 : vector<1x1024xi32> to vector<200x1024xi32>
    %broadcast_in_dim3A_1385 = vector.broadcast %jit3A_1382 : i32 to vector<200x1024xi32>
    %select_n3A_1386 = arith.select %eq3A_1381, %broadcast_in_dim3A_1384, %broadcast_in_dim3A_1385 : vector<200x1024xi1>, vector<200x1024xi32>
    %reduce_min3A_1387 = arith.constant dense<2147483647> : vector<200xi32>
    %reduce_min3A_1388 = vector.multi_reduction <minsi>, %select_n3A_1386, %reduce_min3A_1387 [1] : vector<200x1024xi32> to vector<200xi32>
    %broadcast_in_dim3A_1389 = vector.shape_cast %reduce_min3A_1388 : vector<200xi32> to vector<200x1xi32>
    %lt3A_1390 = arith.constant 0x7F800000 : f32
    %lt3A_1391 = vector.broadcast %lt3A_1390 : f32 to vector<200x1xf32>
    %lt3A_1392 = arith.cmpf olt, %broadcast_in_dim3A_1379, %lt3A_1391 : vector<200x1xf32>
    %jit3A_1393 = arith.constant 0 : i32
    %broadcast_in_dim3A_1394 = vector.broadcast %jit3A_1393 : i32 to vector<200x1xi32>
    %select_n3A_1395 = arith.select %lt3A_1392, %broadcast_in_dim3A_1389, %broadcast_in_dim3A_1394 : vector<200x1xi1>, vector<200x1xi32>
    %swap3A_1396 = arith.constant 0 : index
    %swap3A_1397 = arith.constant 31 : index
    %swap3A_1398 = vector.load %arg7[%swap3A_1396, %swap3A_1397] : memref<200x32xi32, #tpu.memory_space<vmem>>, vector<200x1xi32>
    tpu.vector_store %arg7[%swap3A_1396, %swap3A_1397], %select_n3A_1395 {strides = array<i32>} : memref<200x32xi32, #tpu.memory_space<vmem>>, vector<200x1xi32>,
    %jit3A_1399 = arith.constant 1.000000e+00 : f32
    %jit3A_1400 = arith.constant 0.000000e+00 : f32
    %broadcast_in_dim3A_1401 = vector.broadcast %jit3A_1399 : f32 to vector<200x1xf32>
    %broadcast_in_dim3A_1402 = vector.broadcast %jit3A_1400 : f32 to vector<200x1xf32>
    %select_n3A_1403 = arith.select %lt3A_1392, %broadcast_in_dim3A_1401, %broadcast_in_dim3A_1402 : vector<200x1xi1>, vector<200x1xf32>
    %swap3A_1404 = arith.constant 0 : index
    %swap3A_1405 = arith.constant 31 : index
    %swap3A_1406 = vector.load %arg8[%swap3A_1404, %swap3A_1405] : memref<200x32xf32, #tpu.memory_space<vmem>>, vector<200x1xf32>
    tpu.vector_store %arg8[%swap3A_1404, %swap3A_1405], %select_n3A_1403 {strides = array<i32>} : memref<200x32xf32, #tpu.memory_space<vmem>>, vector<200x1xf32>,
    %jit3A_1407 = arith.constant 1.600000e+01 : f32
    %broadcast_in_dim3A_1408 = vector.broadcast %jit3A_1407 : f32 to vector<200x1xf32>
    %select_n3A_1409 = arith.select %lt3A_1392, %broadcast_in_dim3A_1379, %broadcast_in_dim3A_1408 : vector<200x1xi1>, vector<200x1xf32>
    %swap3A_1410 = arith.constant 0 : index
    %swap3A_1411 = arith.constant 31 : index
    %swap3A_1412 = vector.load %arg9[%swap3A_1410, %swap3A_1411] : memref<200x32xf32, #tpu.memory_space<vmem>>, vector<200x1xf32>
    tpu.vector_store %arg9[%swap3A_1410, %swap3A_1411], %select_n3A_1409 {strides = array<i32>} : memref<200x32xf32, #tpu.memory_space<vmem>>, vector<200x1xf32>,
    return
  }
  func.func @transform_0(%arg0: i32) -> (i32, i32) {
    %c0_i32 = arith.constant 0 : i32
    %c0_i32_0 = arith.constant 0 : i32
    return %arg0, %c0_i32 : i32, i32
  }
  func.func @transform_1(%arg0: i32) -> (i32, i32) {
    %c0_i32 = arith.constant 0 : i32
    %c0_i32_0 = arith.constant 0 : i32
    return %arg0, %c0_i32 : i32, i32
  }
  func.func @transform_2(%arg0: i32) -> (i32, i32, i32) {
    %c0_i32 = arith.constant 0 : i32
    %c0_i32_0 = arith.constant 0 : i32
    %c0_i32_1 = arith.constant 0 : i32
    return %arg0, %c0_i32, %c0_i32_0 : i32, i32, i32
  }
  func.func @transform_3(%arg0: i32) -> (i32, i32, i32) {
    %c0_i32 = arith.constant 0 : i32
    %c0_i32_0 = arith.constant 0 : i32
    %c0_i32_1 = arith.constant 0 : i32
    return %arg0, %c0_i32, %c0_i32_0 : i32, i32, i32
  }
  func.func @transform_4(%arg0: i32) -> (i32, i32, i32) {
    %c0_i32 = arith.constant 0 : i32
    %c0_i32_0 = arith.constant 0 : i32
    %c0_i32_1 = arith.constant 0 : i32
    return %arg0, %c0_i32, %c0_i32_0 : i32, i32, i32
  }
  func.func @transform_5(%arg0: i32) -> (i32, i32, i32) {
    %c0_i32 = arith.constant 0 : i32
    %c0_i32_0 = arith.constant 0 : i32
    %c0_i32_1 = arith.constant 0 : i32
    return %arg0, %c0_i32, %c0_i32_0 : i32, i32, i32
  }
  func.func @transform_6(%arg0: i32) -> (i32, i32) {
    %c0_i32 = arith.constant 0 : i32
    %c0_i32_0 = arith.constant 0 : i32
    return %arg0, %c0_i32 : i32, i32
  }
  func.func @transform_7(%arg0: i32) -> (i32, i32) {
    %c0_i32 = arith.constant 0 : i32
    %c0_i32_0 = arith.constant 0 : i32
    return %arg0, %c0_i32 : i32, i32
  }
  func.func @transform_8(%arg0: i32) -> (i32, i32) {
    %c0_i32 = arith.constant 0 : i32
    %c0_i32_0 = arith.constant 0 : i32
    return %arg0, %c0_i32 : i32, i32
  }
}

module attributes {stable_mosaic.version = 14 : i64} {
  func.func @body(%arg0: i32, %arg1: memref<80x256xf32, #tpu.memory_space<vmem>>, %arg2: memref<2560x256xf32, #tpu.memory_space<vmem>>, %arg3: memref<1x2560xf32, #tpu.memory_space<vmem>>, %arg4: memref<2560x1xf32, #tpu.memory_space<vmem>>, %arg5: memref<8x256xf32, #tpu.memory_space<vmem>>, %arg6: memref<1x256xf32, #tpu.memory_space<vmem>>, %arg7: memref<1x8xf32, #tpu.memory_space<smem>>, %arg8: memref<80x256xf32, #tpu.memory_space<vmem>>, %arg9: memref<80x1xf32, #tpu.memory_space<vmem>>) attributes {dimension_semantics = [#tpu.dimension_semantics<arbitrary>], iteration_bounds = array<i64: 125>, scalar_prefetch = 0 : i64, scratch_operands = 0 : i64, tpu.core_type = #tpu.core_type<tc>, window_params = [{transform_indices = @transform_0, window_bounds = array<i64: 80, 256>}, {transform_indices = @transform_1, window_bounds = array<i64: 2560, 256>}, {transform_indices = @transform_2, window_bounds = array<i64: 1, 2560>}, {transform_indices = @transform_3, window_bounds = array<i64: 2560, 1>}, {pipeline_mode = #tpu.pipeline_mode<synchronous>, transform_indices = @transform_4, window_bounds = array<i64: 8, 256>}, {pipeline_mode = #tpu.pipeline_mode<synchronous>, transform_indices = @transform_5, window_bounds = array<i64: 1, 256>}, {transform_indices = @transform_6, window_bounds = array<i64: 1, 8>}, {transform_indices = @transform_7, window_bounds = array<i64: 80, 256>}, {transform_indices = @transform_8, window_bounds = array<i64: 80, 1>}]} {
    %get3A = arith.constant 0 : index
    %get3A_0 = arith.constant 0 : index
    %get3A_1 = vector.load %arg3[%get3A, %get3A_0] : memref<1x2560xf32, #tpu.memory_space<vmem>>, vector<1x2560xf32>
    %mul3A = arith.constant 1.250000e-01 : f32
    %mul3A_2 = vector.broadcast %mul3A : f32 to vector<1x2560xf32>
    %mul3A_3 = arith.mulf %get3A_1, %mul3A_2 : vector<1x2560xf32>
    %div3A = arith.constant 1.000000e+00 : f32
    %div3A_4 = vector.broadcast %div3A : f32 to vector<1x2560xf32>
    %div3A_5 = arith.divf %div3A_4, %mul3A_3 : vector<1x2560xf32>
    %mul3A_6 = arith.mulf %mul3A_3, %mul3A_3 : vector<1x2560xf32>
    %mul3A_7 = arith.mulf %mul3A_6, %mul3A_6 : vector<1x2560xf32>
    %mul3A_8 = arith.mulf %mul3A_7, %mul3A_3 : vector<1x2560xf32>
    %mul3A_9 = arith.constant -2.800000e+01 : f32
    %mul3A_10 = vector.broadcast %mul3A_9 : f32 to vector<1x2560xf32>
    %mul3A_11 = arith.mulf %mul3A_10, %mul3A_8 : vector<1x2560xf32>
    %add3A = arith.addf %div3A_5, %mul3A_11 : vector<1x2560xf32>
    %mul3A_12 = arith.constant 4.800000e+01 : f32
    %mul3A_13 = vector.broadcast %mul3A_12 : f32 to vector<1x2560xf32>
    %mul3A_14 = arith.mulf %mul3A_13, %mul3A_8 : vector<1x2560xf32>
    %mul3A_15 = arith.mulf %mul3A_14, %mul3A_3 : vector<1x2560xf32>
    %add3A_16 = arith.addf %add3A, %mul3A_15 : vector<1x2560xf32>
    %mul3A_17 = arith.constant -2.100000e+01 : f32
    %mul3A_18 = vector.broadcast %mul3A_17 : f32 to vector<1x2560xf32>
    %mul3A_19 = arith.mulf %mul3A_18, %mul3A_8 : vector<1x2560xf32>
    %mul3A_20 = arith.mulf %mul3A_19, %mul3A_6 : vector<1x2560xf32>
    %add3A_21 = arith.addf %add3A_16, %mul3A_20 : vector<1x2560xf32>
    %lt3A = arith.constant 1.000000e+00 : f32
    %lt3A_22 = vector.broadcast %lt3A : f32 to vector<1x2560xf32>
    %lt3A_23 = arith.cmpf olt, %mul3A_3, %lt3A_22 : vector<1x2560xf32>
    %jit3A = arith.constant 0.000000e+00 : f32
    %broadcast_in_dim3A = vector.broadcast %jit3A : f32 to vector<1x2560xf32>
    %select_n3A = arith.select %lt3A_23, %add3A_21, %broadcast_in_dim3A : vector<1x2560xi1>, vector<1x2560xf32>
    %get3A_24 = arith.constant 0 : index
    %get3A_25 = arith.constant 0 : index
    %get3A_26 = memref.load %arg7[%get3A_24, %get3A_25] : memref<1x8xf32, #tpu.memory_space<smem>>
    %mul3A_27 = vector.broadcast %get3A_26 : f32 to vector<1x2560xf32>
    %mul3A_28 = arith.mulf %mul3A_27, %mul3A_3 : vector<1x2560xf32>
    %sin3A = math.sin %mul3A_28 : vector<1x2560xf32>
    %mul3A_29 = arith.mulf %select_n3A, %sin3A : vector<1x2560xf32>
    %get3A_30 = arith.constant 0 : index
    %get3A_31 = arith.constant 1 : index
    %get3A_32 = memref.load %arg7[%get3A_30, %get3A_31] : memref<1x8xf32, #tpu.memory_space<smem>>
    %mul3A_33 = vector.broadcast %get3A_32 : f32 to vector<1x2560xf32>
    %mul3A_34 = arith.mulf %mul3A_33, %mul3A_3 : vector<1x2560xf32>
    %sin3A_35 = math.sin %mul3A_34 : vector<1x2560xf32>
    %mul3A_36 = arith.mulf %select_n3A, %sin3A_35 : vector<1x2560xf32>
    %get3A_37 = arith.constant 0 : index
    %get3A_38 = arith.constant 2 : index
    %get3A_39 = memref.load %arg7[%get3A_37, %get3A_38] : memref<1x8xf32, #tpu.memory_space<smem>>
    %mul3A_40 = vector.broadcast %get3A_39 : f32 to vector<1x2560xf32>
    %mul3A_41 = arith.mulf %mul3A_40, %mul3A_3 : vector<1x2560xf32>
    %sin3A_42 = math.sin %mul3A_41 : vector<1x2560xf32>
    %mul3A_43 = arith.mulf %select_n3A, %sin3A_42 : vector<1x2560xf32>
    %get3A_44 = arith.constant 0 : index
    %get3A_45 = arith.constant 3 : index
    %get3A_46 = memref.load %arg7[%get3A_44, %get3A_45] : memref<1x8xf32, #tpu.memory_space<smem>>
    %mul3A_47 = vector.broadcast %get3A_46 : f32 to vector<1x2560xf32>
    %mul3A_48 = arith.mulf %mul3A_47, %mul3A_3 : vector<1x2560xf32>
    %sin3A_49 = math.sin %mul3A_48 : vector<1x2560xf32>
    %mul3A_50 = arith.mulf %select_n3A, %sin3A_49 : vector<1x2560xf32>
    %get3A_51 = arith.constant 0 : index
    %get3A_52 = arith.constant 4 : index
    %get3A_53 = memref.load %arg7[%get3A_51, %get3A_52] : memref<1x8xf32, #tpu.memory_space<smem>>
    %mul3A_54 = vector.broadcast %get3A_53 : f32 to vector<1x2560xf32>
    %mul3A_55 = arith.mulf %mul3A_54, %mul3A_3 : vector<1x2560xf32>
    %sin3A_56 = math.sin %mul3A_55 : vector<1x2560xf32>
    %mul3A_57 = arith.mulf %select_n3A, %sin3A_56 : vector<1x2560xf32>
    %get3A_58 = arith.constant 0 : index
    %get3A_59 = arith.constant 5 : index
    %get3A_60 = memref.load %arg7[%get3A_58, %get3A_59] : memref<1x8xf32, #tpu.memory_space<smem>>
    %mul3A_61 = vector.broadcast %get3A_60 : f32 to vector<1x2560xf32>
    %mul3A_62 = arith.mulf %mul3A_61, %mul3A_3 : vector<1x2560xf32>
    %sin3A_63 = math.sin %mul3A_62 : vector<1x2560xf32>
    %mul3A_64 = arith.mulf %select_n3A, %sin3A_63 : vector<1x2560xf32>
    %broadcast_in_dim3A_65 = arith.constant 0.000000e+00 : f32
    %broadcast_in_dim3A_66 = vector.broadcast %broadcast_in_dim3A_65 : f32 to vector<2x2560xf32>
    %concatenate3A = tpu.concatenate %mul3A_29, %mul3A_36, %mul3A_43, %mul3A_50, %mul3A_57, %mul3A_64, %broadcast_in_dim3A_66 in 0 : vector<1x2560xf32>, vector<1x2560xf32>, vector<1x2560xf32>, vector<1x2560xf32>, vector<1x2560xf32>, vector<1x2560xf32>, vector<2x2560xf32> -> vector<8x2560xf32>
    %get3A_67 = arith.constant 0 : index
    %get3A_68 = arith.constant 0 : index
    %get3A_69 = vector.load %arg5[%get3A_67, %get3A_68] : memref<8x256xf32, #tpu.memory_space<vmem>>, vector<8x256xf32>
    %dot_general3A = arith.constant dense<0.000000e+00> : vector<2560x256xf32>
    %dot_general3A_70 = tpu.matmul %concatenate3A, %get3A_69, %dot_general3A {dimension_numbers = #tpu.dot_dimension_numbers<[0], [0], [1], [1], [0, 1, 1, 1], [], []>, transpose_lhs_hint = false} : vector<8x2560xf32>, vector<8x256xf32>, vector<2560x256xf32> -> vector<2560x256xf32>
    %get3A_71 = arith.constant 0 : index
    %get3A_72 = arith.constant 0 : index
    %get3A_73 = vector.load %arg1[%get3A_71, %get3A_72] : memref<80x256xf32, #tpu.memory_space<vmem>>, vector<80x256xf32>
    %broadcast_in_dim3A_74 = vector.shape_cast %get3A_73 : vector<80x256xf32> to vector<80x1x256xf32>
    %broadcast_in_dim3A_75 = vector.shape_cast %broadcast_in_dim3A_74 : vector<80x1x256xf32> to vector<80x1x256xf32>
    %broadcast_in_dim3A_76 = vector.broadcast %broadcast_in_dim3A_75 : vector<80x1x256xf32> to vector<80x32x256xf32>
    %reshape3A = vector.shape_cast %broadcast_in_dim3A_76 : vector<80x32x256xf32> to vector<2560x256xf32>
    %get3A_77 = arith.constant 0 : index
    %get3A_78 = arith.constant 0 : index
    %get3A_79 = vector.load %arg2[%get3A_77, %get3A_78] : memref<2560x256xf32, #tpu.memory_space<vmem>>, vector<2560x256xf32>
    %get3A_80 = arith.constant 0 : index
    %get3A_81 = arith.constant 0 : index
    %get3A_82 = vector.load %arg6[%get3A_80, %get3A_81] : memref<1x256xf32, #tpu.memory_space<vmem>>, vector<1x256xf32>
    %add3A_83 = vector.broadcast %get3A_82 : vector<1x256xf32> to vector<2560x256xf32>
    %add3A_84 = arith.addf %get3A_79, %add3A_83 : vector<2560x256xf32>
    %add3A_85 = arith.addf %add3A_84, %reshape3A : vector<2560x256xf32>
    %add3A_86 = arith.addf %add3A_85, %dot_general3A_70 : vector<2560x256xf32>
    %logistic3A = arith.negf %add3A_86 : vector<2560x256xf32>
    %logistic3A_87 = math.exp %logistic3A : vector<2560x256xf32>
    %logistic3A_88 = arith.constant 1.000000e+00 : f32
    %logistic3A_89 = vector.broadcast %logistic3A_88 : f32 to vector<2560x256xf32>
    %logistic3A_90 = arith.addf %logistic3A_89, %logistic3A_87 : vector<2560x256xf32>
    %logistic3A_91 = arith.divf %logistic3A_89, %logistic3A_90 : vector<2560x256xf32>
    %mul3A_92 = arith.mulf %add3A_86, %logistic3A_91 : vector<2560x256xf32>
    %get3A_93 = arith.constant 0 : index
    %get3A_94 = arith.constant 0 : index
    %get3A_95 = vector.load %arg4[%get3A_93, %get3A_94] : memref<2560x1xf32, #tpu.memory_space<vmem>>, vector<2560x1xf32>
    %mul3A_96 = vector.broadcast %get3A_95 : vector<2560x1xf32> to vector<2560x256xf32>
    %mul3A_97 = arith.mulf %mul3A_92, %mul3A_96 : vector<2560x256xf32>
    %reshape3A_98 = vector.shape_cast %mul3A_97 : vector<2560x256xf32> to vector<80x32x256xf32>
    %reduce_sum3A = arith.constant dense<0.000000e+00> : vector<80x256xf32>
    %reduce_sum3A_99 = vector.multi_reduction <add>, %reshape3A_98, %reduce_sum3A [1] : vector<80x32x256xf32> to vector<80x256xf32>
    %swap3A = arith.constant 0 : index
    %swap3A_100 = arith.constant 0 : index
    %swap3A_101 = vector.load %arg8[%swap3A, %swap3A_100] : memref<80x256xf32, #tpu.memory_space<vmem>>, vector<80x256xf32>
    tpu.vector_store %arg8[%swap3A, %swap3A_100], %reduce_sum3A_99 {strides = array<i32>} : memref<80x256xf32, #tpu.memory_space<vmem>>, vector<80x256xf32>,
    %get3A_102 = arith.constant 0 : index
    %get3A_103 = arith.constant 0 : index
    %get3A_104 = vector.load %arg4[%get3A_102, %get3A_103] : memref<2560x1xf32, #tpu.memory_space<vmem>>, vector<2560x1xf32>
    %reshape3A_105 = vector.shape_cast %get3A_104 : vector<2560x1xf32> to vector<80x32xf32>
    %reduce_sum3A_106 = arith.constant dense<0.000000e+00> : vector<80xf32>
    %reduce_sum3A_107 = vector.multi_reduction <add>, %reshape3A_105, %reduce_sum3A_106 [1] : vector<80x32xf32> to vector<80xf32>
    %broadcast_in_dim3A_108 = vector.shape_cast %reduce_sum3A_107 : vector<80xf32> to vector<80x1xf32>
    %swap3A_109 = arith.constant 0 : index
    %swap3A_110 = arith.constant 0 : index
    %swap3A_111 = vector.load %arg9[%swap3A_109, %swap3A_110] : memref<80x1xf32, #tpu.memory_space<vmem>>, vector<80x1xf32>
    tpu.vector_store %arg9[%swap3A_109, %swap3A_110], %broadcast_in_dim3A_108 {strides = array<i32>} : memref<80x1xf32, #tpu.memory_space<vmem>>, vector<80x1xf32>,
    return
  }
  func.func @transform_0(%arg0: i32) -> (i32, i32) {
    %c0_i32 = arith.constant 0 : i32
    %c0_i32_0 = arith.constant 0 : i32
    return %arg0, %c0_i32 : i32, i32
  }
  func.func @transform_1(%arg0: i32) -> (i32, i32) {
    %c0_i32 = arith.constant 0 : i32
    %c0_i32_0 = arith.constant 0 : i32
    return %arg0, %c0_i32 : i32, i32
  }
  func.func @transform_2(%arg0: i32) -> (i32, i32) {
    %c0_i32 = arith.constant 0 : i32
    %c0_i32_0 = arith.constant 0 : i32
    return %c0_i32, %arg0 : i32, i32
  }
  func.func @transform_3(%arg0: i32) -> (i32, i32) {
    %c0_i32 = arith.constant 0 : i32
    %c0_i32_0 = arith.constant 0 : i32
    return %arg0, %c0_i32 : i32, i32
  }
  func.func @transform_4(%arg0: i32) -> (i32, i32) {
    %c0_i32 = arith.constant 0 : i32
    %c0_i32_0 = arith.constant 0 : i32
    %c0_i32_1 = arith.constant 0 : i32
    return %c0_i32, %c0_i32_0 : i32, i32
  }
  func.func @transform_5(%arg0: i32) -> (i32, i32) {
    %c0_i32 = arith.constant 0 : i32
    %c0_i32_0 = arith.constant 0 : i32
    %c0_i32_1 = arith.constant 0 : i32
    return %c0_i32, %c0_i32_0 : i32, i32
  }
  func.func @transform_6(%arg0: i32) -> (i32, i32) {
    %c0_i32 = arith.constant 0 : i32
    %c0_i32_0 = arith.constant 0 : i32
    %c0_i32_1 = arith.constant 0 : i32
    return %c0_i32, %c0_i32_0 : i32, i32
  }
  func.func @transform_7(%arg0: i32) -> (i32, i32) {
    %c0_i32 = arith.constant 0 : i32
    %c0_i32_0 = arith.constant 0 : i32
    return %arg0, %c0_i32 : i32, i32
  }
  func.func @transform_8(%arg0: i32) -> (i32, i32) {
    %c0_i32 = arith.constant 0 : i32
    %c0_i32_0 = arith.constant 0 : i32
    return %arg0, %c0_i32 : i32, i32
  }
}

module attributes {stable_mosaic.version = 14 : i64} {
  func.func @body(%arg0: i32, %arg1: memref<400x256xf32, #tpu.memory_space<vmem>>, %arg2: memref<400x256xf32, #tpu.memory_space<vmem>>, %arg3: memref<400x1xf32, #tpu.memory_space<vmem>>, %arg4: memref<256x256xf32, #tpu.memory_space<vmem>>, %arg5: memref<1x256xf32, #tpu.memory_space<vmem>>, %arg6: memref<256x256xf32, #tpu.memory_space<vmem>>, %arg7: memref<256x256xf32, #tpu.memory_space<vmem>>, %arg8: memref<1x256xf32, #tpu.memory_space<vmem>>, %arg9: memref<256x256xf32, #tpu.memory_space<vmem>>, %arg10: memref<1x256xf32, #tpu.memory_space<vmem>>, %arg11: memref<256x512xf32, #tpu.memory_space<vmem>>, %arg12: memref<400x256xf32, #tpu.memory_space<vmem>>, %arg13: memref<400x512xf32, #tpu.memory_space<vmem>>) attributes {dimension_semantics = [#tpu.dimension_semantics<arbitrary>], iteration_bounds = array<i64: 25>, scalar_prefetch = 0 : i64, scratch_operands = 0 : i64, tpu.core_type = #tpu.core_type<tc>, window_params = [{transform_indices = @transform_0, window_bounds = array<i64: 400, 256>}, {transform_indices = @transform_1, window_bounds = array<i64: 400, 256>}, {transform_indices = @transform_2, window_bounds = array<i64: 400, 1>}, {pipeline_mode = #tpu.pipeline_mode<synchronous>, transform_indices = @transform_3, window_bounds = array<i64: 256, 256>}, {pipeline_mode = #tpu.pipeline_mode<synchronous>, transform_indices = @transform_4, window_bounds = array<i64: 1, 256>}, {pipeline_mode = #tpu.pipeline_mode<synchronous>, transform_indices = @transform_5, window_bounds = array<i64: 256, 256>}, {pipeline_mode = #tpu.pipeline_mode<synchronous>, transform_indices = @transform_6, window_bounds = array<i64: 256, 256>}, {pipeline_mode = #tpu.pipeline_mode<synchronous>, transform_indices = @transform_7, window_bounds = array<i64: 1, 256>}, {pipeline_mode = #tpu.pipeline_mode<synchronous>, transform_indices = @transform_8, window_bounds = array<i64: 256, 256>}, {pipeline_mode = #tpu.pipeline_mode<synchronous>, transform_indices = @transform_9, window_bounds = array<i64: 1, 256>}, {pipeline_mode = #tpu.pipeline_mode<synchronous>, transform_indices = @transform_10, window_bounds = array<i64: 256, 512>}, {transform_indices = @transform_11, window_bounds = array<i64: 400, 256>}, {transform_indices = @transform_12, window_bounds = array<i64: 400, 512>}]} {
    %get3A = arith.constant 0 : index
    %get3A_0 = arith.constant 0 : index
    %get3A_1 = vector.load %arg1[%get3A, %get3A_0] : memref<400x256xf32, #tpu.memory_space<vmem>>, vector<400x256xf32>
    %get3A_2 = arith.constant 0 : index
    %get3A_3 = arith.constant 0 : index
    %get3A_4 = vector.load %arg2[%get3A_2, %get3A_3] : memref<400x256xf32, #tpu.memory_space<vmem>>, vector<400x256xf32>
    %get3A_5 = arith.constant 0 : index
    %get3A_6 = arith.constant 0 : index
    %get3A_7 = vector.load %arg4[%get3A_5, %get3A_6] : memref<256x256xf32, #tpu.memory_space<vmem>>, vector<256x256xf32>
    %dot_general3A = arith.constant dense<0.000000e+00> : vector<400x256xf32>
    %dot_general3A_8 = tpu.matmul %get3A_4, %get3A_7, %dot_general3A {dimension_numbers = #tpu.dot_dimension_numbers<[1], [0], [0], [1], [0, 0, 1, 1], [], []>, transpose_lhs_hint = false} : vector<400x256xf32>, vector<256x256xf32>, vector<400x256xf32> -> vector<400x256xf32>
    %get3A_9 = arith.constant 0 : index
    %get3A_10 = arith.constant 0 : index
    %get3A_11 = vector.load %arg3[%get3A_9, %get3A_10] : memref<400x1xf32, #tpu.memory_space<vmem>>, vector<400x1xf32>
    %get3A_12 = arith.constant 0 : index
    %get3A_13 = arith.constant 0 : index
    %get3A_14 = vector.load %arg5[%get3A_12, %get3A_13] : memref<1x256xf32, #tpu.memory_space<vmem>>, vector<1x256xf32>
    %mul3A = vector.broadcast %get3A_11 : vector<400x1xf32> to vector<400x256xf32>
    %mul3A_15 = vector.broadcast %get3A_14 : vector<1x256xf32> to vector<400x256xf32>
    %mul3A_16 = arith.mulf %mul3A, %mul3A_15 : vector<400x256xf32>
    %add3A = arith.addf %dot_general3A_8, %mul3A_16 : vector<400x256xf32>
    %get3A_17 = arith.constant 0 : index
    %get3A_18 = arith.constant 0 : index
    %get3A_19 = vector.load %arg6[%get3A_17, %get3A_18] : memref<256x256xf32, #tpu.memory_space<vmem>>, vector<256x256xf32>
    %dot_general3A_20 = arith.constant dense<0.000000e+00> : vector<400x256xf32>
    %dot_general3A_21 = tpu.matmul %get3A_1, %get3A_19, %dot_general3A_20 {dimension_numbers = #tpu.dot_dimension_numbers<[1], [0], [0], [1], [0, 0, 1, 1], [], []>, transpose_lhs_hint = false} : vector<400x256xf32>, vector<256x256xf32>, vector<400x256xf32> -> vector<400x256xf32>
    %get3A_22 = arith.constant 0 : index
    %get3A_23 = arith.constant 0 : index
    %get3A_24 = vector.load %arg7[%get3A_22, %get3A_23] : memref<256x256xf32, #tpu.memory_space<vmem>>, vector<256x256xf32>
    %dot_general3A_25 = arith.constant dense<0.000000e+00> : vector<400x256xf32>
    %dot_general3A_26 = tpu.matmul %add3A, %get3A_24, %dot_general3A_25 {dimension_numbers = #tpu.dot_dimension_numbers<[1], [0], [0], [1], [0, 0, 1, 1], [], []>, transpose_lhs_hint = false} : vector<400x256xf32>, vector<256x256xf32>, vector<400x256xf32> -> vector<400x256xf32>
    %add3A_27 = arith.addf %dot_general3A_21, %dot_general3A_26 : vector<400x256xf32>
    %get3A_28 = arith.constant 0 : index
    %get3A_29 = arith.constant 0 : index
    %get3A_30 = vector.load %arg8[%get3A_28, %get3A_29] : memref<1x256xf32, #tpu.memory_space<vmem>>, vector<1x256xf32>
    %add3A_31 = vector.broadcast %get3A_30 : vector<1x256xf32> to vector<400x256xf32>
    %add3A_32 = arith.addf %add3A_27, %add3A_31 : vector<400x256xf32>
    %logistic3A = arith.negf %add3A_32 : vector<400x256xf32>
    %logistic3A_33 = math.exp %logistic3A : vector<400x256xf32>
    %logistic3A_34 = arith.constant 1.000000e+00 : f32
    %logistic3A_35 = vector.broadcast %logistic3A_34 : f32 to vector<400x256xf32>
    %logistic3A_36 = arith.addf %logistic3A_35, %logistic3A_33 : vector<400x256xf32>
    %logistic3A_37 = arith.divf %logistic3A_35, %logistic3A_36 : vector<400x256xf32>
    %mul3A_38 = arith.mulf %add3A_32, %logistic3A_37 : vector<400x256xf32>
    %get3A_39 = arith.constant 0 : index
    %get3A_40 = arith.constant 0 : index
    %get3A_41 = vector.load %arg9[%get3A_39, %get3A_40] : memref<256x256xf32, #tpu.memory_space<vmem>>, vector<256x256xf32>
    %dot_general3A_42 = arith.constant dense<0.000000e+00> : vector<400x256xf32>
    %dot_general3A_43 = tpu.matmul %mul3A_38, %get3A_41, %dot_general3A_42 {dimension_numbers = #tpu.dot_dimension_numbers<[1], [0], [0], [1], [0, 0, 1, 1], [], []>, transpose_lhs_hint = false} : vector<400x256xf32>, vector<256x256xf32>, vector<400x256xf32> -> vector<400x256xf32>
    %get3A_44 = arith.constant 0 : index
    %get3A_45 = arith.constant 0 : index
    %get3A_46 = vector.load %arg10[%get3A_44, %get3A_45] : memref<1x256xf32, #tpu.memory_space<vmem>>, vector<1x256xf32>
    %add3A_47 = vector.broadcast %get3A_46 : vector<1x256xf32> to vector<400x256xf32>
    %add3A_48 = arith.addf %dot_general3A_43, %add3A_47 : vector<400x256xf32>
    %add3A_49 = arith.addf %add3A_48, %get3A_1 : vector<400x256xf32>
    %swap3A = arith.constant 0 : index
    %swap3A_50 = arith.constant 0 : index
    %swap3A_51 = vector.load %arg12[%swap3A, %swap3A_50] : memref<400x256xf32, #tpu.memory_space<vmem>>, vector<400x256xf32>
    tpu.vector_store %arg12[%swap3A, %swap3A_50], %add3A_49 {strides = array<i32>} : memref<400x256xf32, #tpu.memory_space<vmem>>, vector<400x256xf32>,
    %get3A_52 = arith.constant 0 : index
    %get3A_53 = arith.constant 0 : index
    %get3A_54 = vector.load %arg11[%get3A_52, %get3A_53] : memref<256x512xf32, #tpu.memory_space<vmem>>, vector<256x512xf32>
    %dot_general3A_55 = arith.constant dense<0.000000e+00> : vector<400x512xf32>
    %dot_general3A_56 = tpu.matmul %add3A_49, %get3A_54, %dot_general3A_55 {dimension_numbers = #tpu.dot_dimension_numbers<[1], [0], [0], [1], [0, 0, 1, 1], [], []>, transpose_lhs_hint = false} : vector<400x256xf32>, vector<256x512xf32>, vector<400x512xf32> -> vector<400x512xf32>
    %swap3A_57 = arith.constant 0 : index
    %swap3A_58 = arith.constant 0 : index
    %swap3A_59 = vector.load %arg13[%swap3A_57, %swap3A_58] : memref<400x512xf32, #tpu.memory_space<vmem>>, vector<400x512xf32>
    tpu.vector_store %arg13[%swap3A_57, %swap3A_58], %dot_general3A_56 {strides = array<i32>} : memref<400x512xf32, #tpu.memory_space<vmem>>, vector<400x512xf32>,
    return
  }
  func.func @transform_0(%arg0: i32) -> (i32, i32) {
    %c0_i32 = arith.constant 0 : i32
    %c0_i32_0 = arith.constant 0 : i32
    return %arg0, %c0_i32 : i32, i32
  }
  func.func @transform_1(%arg0: i32) -> (i32, i32) {
    %c0_i32 = arith.constant 0 : i32
    %c0_i32_0 = arith.constant 0 : i32
    return %arg0, %c0_i32 : i32, i32
  }
  func.func @transform_2(%arg0: i32) -> (i32, i32) {
    %c0_i32 = arith.constant 0 : i32
    %c0_i32_0 = arith.constant 0 : i32
    return %arg0, %c0_i32 : i32, i32
  }
  func.func @transform_3(%arg0: i32) -> (i32, i32) {
    %c0_i32 = arith.constant 0 : i32
    %c0_i32_0 = arith.constant 0 : i32
    %c0_i32_1 = arith.constant 0 : i32
    return %c0_i32, %c0_i32_0 : i32, i32
  }
  func.func @transform_4(%arg0: i32) -> (i32, i32) {
    %c0_i32 = arith.constant 0 : i32
    %c0_i32_0 = arith.constant 0 : i32
    %c0_i32_1 = arith.constant 0 : i32
    return %c0_i32, %c0_i32_0 : i32, i32
  }
  func.func @transform_5(%arg0: i32) -> (i32, i32) {
    %c0_i32 = arith.constant 0 : i32
    %c0_i32_0 = arith.constant 0 : i32
    %c0_i32_1 = arith.constant 0 : i32
    return %c0_i32, %c0_i32_0 : i32, i32
  }
  func.func @transform_6(%arg0: i32) -> (i32, i32) {
    %c0_i32 = arith.constant 0 : i32
    %c0_i32_0 = arith.constant 0 : i32
    %c0_i32_1 = arith.constant 0 : i32
    return %c0_i32, %c0_i32_0 : i32, i32
  }
  func.func @transform_7(%arg0: i32) -> (i32, i32) {
    %c0_i32 = arith.constant 0 : i32
    %c0_i32_0 = arith.constant 0 : i32
    %c0_i32_1 = arith.constant 0 : i32
    return %c0_i32, %c0_i32_0 : i32, i32
  }
  func.func @transform_8(%arg0: i32) -> (i32, i32) {
    %c0_i32 = arith.constant 0 : i32
    %c0_i32_0 = arith.constant 0 : i32
    %c0_i32_1 = arith.constant 0 : i32
    return %c0_i32, %c0_i32_0 : i32, i32
  }
  func.func @transform_9(%arg0: i32) -> (i32, i32) {
    %c0_i32 = arith.constant 0 : i32
    %c0_i32_0 = arith.constant 0 : i32
    %c0_i32_1 = arith.constant 0 : i32
    return %c0_i32, %c0_i32_0 : i32, i32
  }
  func.func @transform_10(%arg0: i32) -> (i32, i32) {
    %c0_i32 = arith.constant 0 : i32
    %c0_i32_0 = arith.constant 0 : i32
    %c0_i32_1 = arith.constant 0 : i32
    return %c0_i32, %c0_i32_0 : i32, i32
  }
  func.func @transform_11(%arg0: i32) -> (i32, i32) {
    %c0_i32 = arith.constant 0 : i32
    %c0_i32_0 = arith.constant 0 : i32
    return %arg0, %c0_i32 : i32, i32
  }
  func.func @transform_12(%arg0: i32) -> (i32, i32) {
    %c0_i32 = arith.constant 0 : i32
    %c0_i32_0 = arith.constant 0 : i32
    return %arg0, %c0_i32 : i32, i32
  }
}

module attributes {stable_mosaic.version = 14 : i64} {
  func.func @body(%arg0: i32, %arg1: memref<80x256xf32, #tpu.memory_space<vmem>>, %arg2: memref<2560x256xf32, #tpu.memory_space<vmem>>, %arg3: memref<1x2560xf32, #tpu.memory_space<vmem>>, %arg4: memref<2560x1xf32, #tpu.memory_space<vmem>>, %arg5: memref<8x256xf32, #tpu.memory_space<vmem>>, %arg6: memref<1x256xf32, #tpu.memory_space<vmem>>, %arg7: memref<1x8xf32, #tpu.memory_space<smem>>, %arg8: memref<80x256xf32, #tpu.memory_space<vmem>>, %arg9: memref<80x1xf32, #tpu.memory_space<vmem>>) attributes {dimension_semantics = [#tpu.dimension_semantics<arbitrary>], iteration_bounds = array<i64: 125>, scalar_prefetch = 0 : i64, scratch_operands = 0 : i64, tpu.core_type = #tpu.core_type<tc>, window_params = [{transform_indices = @transform_0, window_bounds = array<i64: 80, 256>}, {transform_indices = @transform_1, window_bounds = array<i64: 2560, 256>}, {transform_indices = @transform_2, window_bounds = array<i64: 1, 2560>}, {transform_indices = @transform_3, window_bounds = array<i64: 2560, 1>}, {pipeline_mode = #tpu.pipeline_mode<synchronous>, transform_indices = @transform_4, window_bounds = array<i64: 8, 256>}, {pipeline_mode = #tpu.pipeline_mode<synchronous>, transform_indices = @transform_5, window_bounds = array<i64: 1, 256>}, {transform_indices = @transform_6, window_bounds = array<i64: 1, 8>}, {transform_indices = @transform_7, window_bounds = array<i64: 80, 256>}, {transform_indices = @transform_8, window_bounds = array<i64: 80, 1>}]} {
    %get3A = arith.constant 0 : index
    %get3A_0 = arith.constant 0 : index
    %get3A_1 = vector.load %arg3[%get3A, %get3A_0] : memref<1x2560xf32, #tpu.memory_space<vmem>>, vector<1x2560xf32>
    %mul3A = arith.constant 1.250000e-01 : f32
    %mul3A_2 = vector.broadcast %mul3A : f32 to vector<1x2560xf32>
    %mul3A_3 = arith.mulf %get3A_1, %mul3A_2 : vector<1x2560xf32>
    %div3A = arith.constant 1.000000e+00 : f32
    %div3A_4 = vector.broadcast %div3A : f32 to vector<1x2560xf32>
    %div3A_5 = arith.divf %div3A_4, %mul3A_3 : vector<1x2560xf32>
    %mul3A_6 = arith.mulf %mul3A_3, %mul3A_3 : vector<1x2560xf32>
    %mul3A_7 = arith.mulf %mul3A_6, %mul3A_6 : vector<1x2560xf32>
    %mul3A_8 = arith.mulf %mul3A_7, %mul3A_3 : vector<1x2560xf32>
    %mul3A_9 = arith.constant -2.800000e+01 : f32
    %mul3A_10 = vector.broadcast %mul3A_9 : f32 to vector<1x2560xf32>
    %mul3A_11 = arith.mulf %mul3A_10, %mul3A_8 : vector<1x2560xf32>
    %add3A = arith.addf %div3A_5, %mul3A_11 : vector<1x2560xf32>
    %mul3A_12 = arith.constant 4.800000e+01 : f32
    %mul3A_13 = vector.broadcast %mul3A_12 : f32 to vector<1x2560xf32>
    %mul3A_14 = arith.mulf %mul3A_13, %mul3A_8 : vector<1x2560xf32>
    %mul3A_15 = arith.mulf %mul3A_14, %mul3A_3 : vector<1x2560xf32>
    %add3A_16 = arith.addf %add3A, %mul3A_15 : vector<1x2560xf32>
    %mul3A_17 = arith.constant -2.100000e+01 : f32
    %mul3A_18 = vector.broadcast %mul3A_17 : f32 to vector<1x2560xf32>
    %mul3A_19 = arith.mulf %mul3A_18, %mul3A_8 : vector<1x2560xf32>
    %mul3A_20 = arith.mulf %mul3A_19, %mul3A_6 : vector<1x2560xf32>
    %add3A_21 = arith.addf %add3A_16, %mul3A_20 : vector<1x2560xf32>
    %lt3A = arith.constant 1.000000e+00 : f32
    %lt3A_22 = vector.broadcast %lt3A : f32 to vector<1x2560xf32>
    %lt3A_23 = arith.cmpf olt, %mul3A_3, %lt3A_22 : vector<1x2560xf32>
    %jit3A = arith.constant 0.000000e+00 : f32
    %broadcast_in_dim3A = vector.broadcast %jit3A : f32 to vector<1x2560xf32>
    %select_n3A = arith.select %lt3A_23, %add3A_21, %broadcast_in_dim3A : vector<1x2560xi1>, vector<1x2560xf32>
    %get3A_24 = arith.constant 0 : index
    %get3A_25 = arith.constant 0 : index
    %get3A_26 = memref.load %arg7[%get3A_24, %get3A_25] : memref<1x8xf32, #tpu.memory_space<smem>>
    %mul3A_27 = vector.broadcast %get3A_26 : f32 to vector<1x2560xf32>
    %mul3A_28 = arith.mulf %mul3A_27, %mul3A_3 : vector<1x2560xf32>
    %sin3A = math.sin %mul3A_28 : vector<1x2560xf32>
    %mul3A_29 = arith.mulf %select_n3A, %sin3A : vector<1x2560xf32>
    %get3A_30 = arith.constant 0 : index
    %get3A_31 = arith.constant 1 : index
    %get3A_32 = memref.load %arg7[%get3A_30, %get3A_31] : memref<1x8xf32, #tpu.memory_space<smem>>
    %mul3A_33 = vector.broadcast %get3A_32 : f32 to vector<1x2560xf32>
    %mul3A_34 = arith.mulf %mul3A_33, %mul3A_3 : vector<1x2560xf32>
    %sin3A_35 = math.sin %mul3A_34 : vector<1x2560xf32>
    %mul3A_36 = arith.mulf %select_n3A, %sin3A_35 : vector<1x2560xf32>
    %get3A_37 = arith.constant 0 : index
    %get3A_38 = arith.constant 2 : index
    %get3A_39 = memref.load %arg7[%get3A_37, %get3A_38] : memref<1x8xf32, #tpu.memory_space<smem>>
    %mul3A_40 = vector.broadcast %get3A_39 : f32 to vector<1x2560xf32>
    %mul3A_41 = arith.mulf %mul3A_40, %mul3A_3 : vector<1x2560xf32>
    %sin3A_42 = math.sin %mul3A_41 : vector<1x2560xf32>
    %mul3A_43 = arith.mulf %select_n3A, %sin3A_42 : vector<1x2560xf32>
    %get3A_44 = arith.constant 0 : index
    %get3A_45 = arith.constant 3 : index
    %get3A_46 = memref.load %arg7[%get3A_44, %get3A_45] : memref<1x8xf32, #tpu.memory_space<smem>>
    %mul3A_47 = vector.broadcast %get3A_46 : f32 to vector<1x2560xf32>
    %mul3A_48 = arith.mulf %mul3A_47, %mul3A_3 : vector<1x2560xf32>
    %sin3A_49 = math.sin %mul3A_48 : vector<1x2560xf32>
    %mul3A_50 = arith.mulf %select_n3A, %sin3A_49 : vector<1x2560xf32>
    %get3A_51 = arith.constant 0 : index
    %get3A_52 = arith.constant 4 : index
    %get3A_53 = memref.load %arg7[%get3A_51, %get3A_52] : memref<1x8xf32, #tpu.memory_space<smem>>
    %mul3A_54 = vector.broadcast %get3A_53 : f32 to vector<1x2560xf32>
    %mul3A_55 = arith.mulf %mul3A_54, %mul3A_3 : vector<1x2560xf32>
    %sin3A_56 = math.sin %mul3A_55 : vector<1x2560xf32>
    %mul3A_57 = arith.mulf %select_n3A, %sin3A_56 : vector<1x2560xf32>
    %get3A_58 = arith.constant 0 : index
    %get3A_59 = arith.constant 5 : index
    %get3A_60 = memref.load %arg7[%get3A_58, %get3A_59] : memref<1x8xf32, #tpu.memory_space<smem>>
    %mul3A_61 = vector.broadcast %get3A_60 : f32 to vector<1x2560xf32>
    %mul3A_62 = arith.mulf %mul3A_61, %mul3A_3 : vector<1x2560xf32>
    %sin3A_63 = math.sin %mul3A_62 : vector<1x2560xf32>
    %mul3A_64 = arith.mulf %select_n3A, %sin3A_63 : vector<1x2560xf32>
    %broadcast_in_dim3A_65 = arith.constant 0.000000e+00 : f32
    %broadcast_in_dim3A_66 = vector.broadcast %broadcast_in_dim3A_65 : f32 to vector<2x2560xf32>
    %concatenate3A = tpu.concatenate %mul3A_29, %mul3A_36, %mul3A_43, %mul3A_50, %mul3A_57, %mul3A_64, %broadcast_in_dim3A_66 in 0 : vector<1x2560xf32>, vector<1x2560xf32>, vector<1x2560xf32>, vector<1x2560xf32>, vector<1x2560xf32>, vector<1x2560xf32>, vector<2x2560xf32> -> vector<8x2560xf32>
    %get3A_67 = arith.constant 0 : index
    %get3A_68 = arith.constant 0 : index
    %get3A_69 = vector.load %arg5[%get3A_67, %get3A_68] : memref<8x256xf32, #tpu.memory_space<vmem>>, vector<8x256xf32>
    %dot_general3A = arith.constant dense<0.000000e+00> : vector<2560x256xf32>
    %dot_general3A_70 = tpu.matmul %concatenate3A, %get3A_69, %dot_general3A {dimension_numbers = #tpu.dot_dimension_numbers<[0], [0], [1], [1], [0, 1, 1, 1], [], []>, transpose_lhs_hint = false} : vector<8x2560xf32>, vector<8x256xf32>, vector<2560x256xf32> -> vector<2560x256xf32>
    %get3A_71 = arith.constant 0 : index
    %get3A_72 = arith.constant 0 : index
    %get3A_73 = vector.load %arg1[%get3A_71, %get3A_72] : memref<80x256xf32, #tpu.memory_space<vmem>>, vector<80x256xf32>
    %broadcast_in_dim3A_74 = vector.shape_cast %get3A_73 : vector<80x256xf32> to vector<80x1x256xf32>
    %broadcast_in_dim3A_75 = vector.shape_cast %broadcast_in_dim3A_74 : vector<80x1x256xf32> to vector<80x1x256xf32>
    %broadcast_in_dim3A_76 = vector.broadcast %broadcast_in_dim3A_75 : vector<80x1x256xf32> to vector<80x32x256xf32>
    %reshape3A = vector.shape_cast %broadcast_in_dim3A_76 : vector<80x32x256xf32> to vector<2560x256xf32>
    %get3A_77 = arith.constant 0 : index
    %get3A_78 = arith.constant 0 : index
    %get3A_79 = vector.load %arg2[%get3A_77, %get3A_78] : memref<2560x256xf32, #tpu.memory_space<vmem>>, vector<2560x256xf32>
    %get3A_80 = arith.constant 0 : index
    %get3A_81 = arith.constant 0 : index
    %get3A_82 = vector.load %arg6[%get3A_80, %get3A_81] : memref<1x256xf32, #tpu.memory_space<vmem>>, vector<1x256xf32>
    %add3A_83 = vector.broadcast %get3A_82 : vector<1x256xf32> to vector<2560x256xf32>
    %add3A_84 = arith.addf %get3A_79, %add3A_83 : vector<2560x256xf32>
    %add3A_85 = arith.addf %add3A_84, %reshape3A : vector<2560x256xf32>
    %add3A_86 = arith.addf %add3A_85, %dot_general3A_70 : vector<2560x256xf32>
    %logistic3A = arith.negf %add3A_86 : vector<2560x256xf32>
    %logistic3A_87 = math.exp %logistic3A : vector<2560x256xf32>
    %logistic3A_88 = arith.constant 1.000000e+00 : f32
    %logistic3A_89 = vector.broadcast %logistic3A_88 : f32 to vector<2560x256xf32>
    %logistic3A_90 = arith.addf %logistic3A_89, %logistic3A_87 : vector<2560x256xf32>
    %logistic3A_91 = arith.divf %logistic3A_89, %logistic3A_90 : vector<2560x256xf32>
    %mul3A_92 = arith.mulf %add3A_86, %logistic3A_91 : vector<2560x256xf32>
    %get3A_93 = arith.constant 0 : index
    %get3A_94 = arith.constant 0 : index
    %get3A_95 = vector.load %arg4[%get3A_93, %get3A_94] : memref<2560x1xf32, #tpu.memory_space<vmem>>, vector<2560x1xf32>
    %mul3A_96 = vector.broadcast %get3A_95 : vector<2560x1xf32> to vector<2560x256xf32>
    %mul3A_97 = arith.mulf %mul3A_92, %mul3A_96 : vector<2560x256xf32>
    %reshape3A_98 = vector.shape_cast %mul3A_97 : vector<2560x256xf32> to vector<80x32x256xf32>
    %reduce_sum3A = arith.constant dense<0.000000e+00> : vector<80x256xf32>
    %reduce_sum3A_99 = vector.multi_reduction <add>, %reshape3A_98, %reduce_sum3A [1] : vector<80x32x256xf32> to vector<80x256xf32>
    %swap3A = arith.constant 0 : index
    %swap3A_100 = arith.constant 0 : index
    %swap3A_101 = vector.load %arg8[%swap3A, %swap3A_100] : memref<80x256xf32, #tpu.memory_space<vmem>>, vector<80x256xf32>
    tpu.vector_store %arg8[%swap3A, %swap3A_100], %reduce_sum3A_99 {strides = array<i32>} : memref<80x256xf32, #tpu.memory_space<vmem>>, vector<80x256xf32>,
    %get3A_102 = arith.constant 0 : index
    %get3A_103 = arith.constant 0 : index
    %get3A_104 = vector.load %arg4[%get3A_102, %get3A_103] : memref<2560x1xf32, #tpu.memory_space<vmem>>, vector<2560x1xf32>
    %reshape3A_105 = vector.shape_cast %get3A_104 : vector<2560x1xf32> to vector<80x32xf32>
    %reduce_sum3A_106 = arith.constant dense<0.000000e+00> : vector<80xf32>
    %reduce_sum3A_107 = vector.multi_reduction <add>, %reshape3A_105, %reduce_sum3A_106 [1] : vector<80x32xf32> to vector<80xf32>
    %broadcast_in_dim3A_108 = vector.shape_cast %reduce_sum3A_107 : vector<80xf32> to vector<80x1xf32>
    %swap3A_109 = arith.constant 0 : index
    %swap3A_110 = arith.constant 0 : index
    %swap3A_111 = vector.load %arg9[%swap3A_109, %swap3A_110] : memref<80x1xf32, #tpu.memory_space<vmem>>, vector<80x1xf32>
    tpu.vector_store %arg9[%swap3A_109, %swap3A_110], %broadcast_in_dim3A_108 {strides = array<i32>} : memref<80x1xf32, #tpu.memory_space<vmem>>, vector<80x1xf32>,
    return
  }
  func.func @transform_0(%arg0: i32) -> (i32, i32) {
    %c0_i32 = arith.constant 0 : i32
    %c0_i32_0 = arith.constant 0 : i32
    return %arg0, %c0_i32 : i32, i32
  }
  func.func @transform_1(%arg0: i32) -> (i32, i32) {
    %c0_i32 = arith.constant 0 : i32
    %c0_i32_0 = arith.constant 0 : i32
    return %arg0, %c0_i32 : i32, i32
  }
  func.func @transform_2(%arg0: i32) -> (i32, i32) {
    %c0_i32 = arith.constant 0 : i32
    %c0_i32_0 = arith.constant 0 : i32
    return %c0_i32, %arg0 : i32, i32
  }
  func.func @transform_3(%arg0: i32) -> (i32, i32) {
    %c0_i32 = arith.constant 0 : i32
    %c0_i32_0 = arith.constant 0 : i32
    return %arg0, %c0_i32 : i32, i32
  }
  func.func @transform_4(%arg0: i32) -> (i32, i32) {
    %c0_i32 = arith.constant 0 : i32
    %c0_i32_0 = arith.constant 0 : i32
    %c0_i32_1 = arith.constant 0 : i32
    return %c0_i32, %c0_i32_0 : i32, i32
  }
  func.func @transform_5(%arg0: i32) -> (i32, i32) {
    %c0_i32 = arith.constant 0 : i32
    %c0_i32_0 = arith.constant 0 : i32
    %c0_i32_1 = arith.constant 0 : i32
    return %c0_i32, %c0_i32_0 : i32, i32
  }
  func.func @transform_6(%arg0: i32) -> (i32, i32) {
    %c0_i32 = arith.constant 0 : i32
    %c0_i32_0 = arith.constant 0 : i32
    %c0_i32_1 = arith.constant 0 : i32
    return %c0_i32, %c0_i32_0 : i32, i32
  }
  func.func @transform_7(%arg0: i32) -> (i32, i32) {
    %c0_i32 = arith.constant 0 : i32
    %c0_i32_0 = arith.constant 0 : i32
    return %arg0, %c0_i32 : i32, i32
  }
  func.func @transform_8(%arg0: i32) -> (i32, i32) {
    %c0_i32 = arith.constant 0 : i32
    %c0_i32_0 = arith.constant 0 : i32
    return %arg0, %c0_i32 : i32, i32
  }
}

module attributes {stable_mosaic.version = 14 : i64} {
  func.func @body(%arg0: i32, %arg1: memref<400x256xf32, #tpu.memory_space<vmem>>, %arg2: memref<400x256xf32, #tpu.memory_space<vmem>>, %arg3: memref<400x1xf32, #tpu.memory_space<vmem>>, %arg4: memref<256x256xf32, #tpu.memory_space<vmem>>, %arg5: memref<1x256xf32, #tpu.memory_space<vmem>>, %arg6: memref<256x256xf32, #tpu.memory_space<vmem>>, %arg7: memref<256x256xf32, #tpu.memory_space<vmem>>, %arg8: memref<1x256xf32, #tpu.memory_space<vmem>>, %arg9: memref<256x256xf32, #tpu.memory_space<vmem>>, %arg10: memref<1x256xf32, #tpu.memory_space<vmem>>, %arg11: memref<400x256xf32, #tpu.memory_space<vmem>>) attributes {dimension_semantics = [#tpu.dimension_semantics<arbitrary>], iteration_bounds = array<i64: 25>, scalar_prefetch = 0 : i64, scratch_operands = 0 : i64, tpu.core_type = #tpu.core_type<tc>, window_params = [{transform_indices = @transform_0, window_bounds = array<i64: 400, 256>}, {transform_indices = @transform_1, window_bounds = array<i64: 400, 256>}, {transform_indices = @transform_2, window_bounds = array<i64: 400, 1>}, {pipeline_mode = #tpu.pipeline_mode<synchronous>, transform_indices = @transform_3, window_bounds = array<i64: 256, 256>}, {pipeline_mode = #tpu.pipeline_mode<synchronous>, transform_indices = @transform_4, window_bounds = array<i64: 1, 256>}, {pipeline_mode = #tpu.pipeline_mode<synchronous>, transform_indices = @transform_5, window_bounds = array<i64: 256, 256>}, {pipeline_mode = #tpu.pipeline_mode<synchronous>, transform_indices = @transform_6, window_bounds = array<i64: 256, 256>}, {pipeline_mode = #tpu.pipeline_mode<synchronous>, transform_indices = @transform_7, window_bounds = array<i64: 1, 256>}, {pipeline_mode = #tpu.pipeline_mode<synchronous>, transform_indices = @transform_8, window_bounds = array<i64: 256, 256>}, {pipeline_mode = #tpu.pipeline_mode<synchronous>, transform_indices = @transform_9, window_bounds = array<i64: 1, 256>}, {transform_indices = @transform_10, window_bounds = array<i64: 400, 256>}]} {
    %get3A = arith.constant 0 : index
    %get3A_0 = arith.constant 0 : index
    %get3A_1 = vector.load %arg1[%get3A, %get3A_0] : memref<400x256xf32, #tpu.memory_space<vmem>>, vector<400x256xf32>
    %get3A_2 = arith.constant 0 : index
    %get3A_3 = arith.constant 0 : index
    %get3A_4 = vector.load %arg2[%get3A_2, %get3A_3] : memref<400x256xf32, #tpu.memory_space<vmem>>, vector<400x256xf32>
    %get3A_5 = arith.constant 0 : index
    %get3A_6 = arith.constant 0 : index
    %get3A_7 = vector.load %arg4[%get3A_5, %get3A_6] : memref<256x256xf32, #tpu.memory_space<vmem>>, vector<256x256xf32>
    %dot_general3A = arith.constant dense<0.000000e+00> : vector<400x256xf32>
    %dot_general3A_8 = tpu.matmul %get3A_4, %get3A_7, %dot_general3A {dimension_numbers = #tpu.dot_dimension_numbers<[1], [0], [0], [1], [0, 0, 1, 1], [], []>, transpose_lhs_hint = false} : vector<400x256xf32>, vector<256x256xf32>, vector<400x256xf32> -> vector<400x256xf32>
    %get3A_9 = arith.constant 0 : index
    %get3A_10 = arith.constant 0 : index
    %get3A_11 = vector.load %arg3[%get3A_9, %get3A_10] : memref<400x1xf32, #tpu.memory_space<vmem>>, vector<400x1xf32>
    %get3A_12 = arith.constant 0 : index
    %get3A_13 = arith.constant 0 : index
    %get3A_14 = vector.load %arg5[%get3A_12, %get3A_13] : memref<1x256xf32, #tpu.memory_space<vmem>>, vector<1x256xf32>
    %mul3A = vector.broadcast %get3A_11 : vector<400x1xf32> to vector<400x256xf32>
    %mul3A_15 = vector.broadcast %get3A_14 : vector<1x256xf32> to vector<400x256xf32>
    %mul3A_16 = arith.mulf %mul3A, %mul3A_15 : vector<400x256xf32>
    %add3A = arith.addf %dot_general3A_8, %mul3A_16 : vector<400x256xf32>
    %get3A_17 = arith.constant 0 : index
    %get3A_18 = arith.constant 0 : index
    %get3A_19 = vector.load %arg6[%get3A_17, %get3A_18] : memref<256x256xf32, #tpu.memory_space<vmem>>, vector<256x256xf32>
    %dot_general3A_20 = arith.constant dense<0.000000e+00> : vector<400x256xf32>
    %dot_general3A_21 = tpu.matmul %get3A_1, %get3A_19, %dot_general3A_20 {dimension_numbers = #tpu.dot_dimension_numbers<[1], [0], [0], [1], [0, 0, 1, 1], [], []>, transpose_lhs_hint = false} : vector<400x256xf32>, vector<256x256xf32>, vector<400x256xf32> -> vector<400x256xf32>
    %get3A_22 = arith.constant 0 : index
    %get3A_23 = arith.constant 0 : index
    %get3A_24 = vector.load %arg7[%get3A_22, %get3A_23] : memref<256x256xf32, #tpu.memory_space<vmem>>, vector<256x256xf32>
    %dot_general3A_25 = arith.constant dense<0.000000e+00> : vector<400x256xf32>
    %dot_general3A_26 = tpu.matmul %add3A, %get3A_24, %dot_general3A_25 {dimension_numbers = #tpu.dot_dimension_numbers<[1], [0], [0], [1], [0, 0, 1, 1], [], []>, transpose_lhs_hint = false} : vector<400x256xf32>, vector<256x256xf32>, vector<400x256xf32> -> vector<400x256xf32>
    %add3A_27 = arith.addf %dot_general3A_21, %dot_general3A_26 : vector<400x256xf32>
    %get3A_28 = arith.constant 0 : index
    %get3A_29 = arith.constant 0 : index
    %get3A_30 = vector.load %arg8[%get3A_28, %get3A_29] : memref<1x256xf32, #tpu.memory_space<vmem>>, vector<1x256xf32>
    %add3A_31 = vector.broadcast %get3A_30 : vector<1x256xf32> to vector<400x256xf32>
    %add3A_32 = arith.addf %add3A_27, %add3A_31 : vector<400x256xf32>
    %logistic3A = arith.negf %add3A_32 : vector<400x256xf32>
    %logistic3A_33 = math.exp %logistic3A : vector<400x256xf32>
    %logistic3A_34 = arith.constant 1.000000e+00 : f32
    %logistic3A_35 = vector.broadcast %logistic3A_34 : f32 to vector<400x256xf32>
    %logistic3A_36 = arith.addf %logistic3A_35, %logistic3A_33 : vector<400x256xf32>
    %logistic3A_37 = arith.divf %logistic3A_35, %logistic3A_36 : vector<400x256xf32>
    %mul3A_38 = arith.mulf %add3A_32, %logistic3A_37 : vector<400x256xf32>
    %get3A_39 = arith.constant 0 : index
    %get3A_40 = arith.constant 0 : index
    %get3A_41 = vector.load %arg9[%get3A_39, %get3A_40] : memref<256x256xf32, #tpu.memory_space<vmem>>, vector<256x256xf32>
    %dot_general3A_42 = arith.constant dense<0.000000e+00> : vector<400x256xf32>
    %dot_general3A_43 = tpu.matmul %mul3A_38, %get3A_41, %dot_general3A_42 {dimension_numbers = #tpu.dot_dimension_numbers<[1], [0], [0], [1], [0, 0, 1, 1], [], []>, transpose_lhs_hint = false} : vector<400x256xf32>, vector<256x256xf32>, vector<400x256xf32> -> vector<400x256xf32>
    %get3A_44 = arith.constant 0 : index
    %get3A_45 = arith.constant 0 : index
    %get3A_46 = vector.load %arg10[%get3A_44, %get3A_45] : memref<1x256xf32, #tpu.memory_space<vmem>>, vector<1x256xf32>
    %add3A_47 = vector.broadcast %get3A_46 : vector<1x256xf32> to vector<400x256xf32>
    %add3A_48 = arith.addf %dot_general3A_43, %add3A_47 : vector<400x256xf32>
    %add3A_49 = arith.addf %add3A_48, %get3A_1 : vector<400x256xf32>
    %swap3A = arith.constant 0 : index
    %swap3A_50 = arith.constant 0 : index
    %swap3A_51 = vector.load %arg11[%swap3A, %swap3A_50] : memref<400x256xf32, #tpu.memory_space<vmem>>, vector<400x256xf32>
    tpu.vector_store %arg11[%swap3A, %swap3A_50], %add3A_49 {strides = array<i32>} : memref<400x256xf32, #tpu.memory_space<vmem>>, vector<400x256xf32>,
    return
  }
  func.func @transform_0(%arg0: i32) -> (i32, i32) {
    %c0_i32 = arith.constant 0 : i32
    %c0_i32_0 = arith.constant 0 : i32
    return %arg0, %c0_i32 : i32, i32
  }
  func.func @transform_1(%arg0: i32) -> (i32, i32) {
    %c0_i32 = arith.constant 0 : i32
    %c0_i32_0 = arith.constant 0 : i32
    return %arg0, %c0_i32 : i32, i32
  }
  func.func @transform_2(%arg0: i32) -> (i32, i32) {
    %c0_i32 = arith.constant 0 : i32
    %c0_i32_0 = arith.constant 0 : i32
    return %arg0, %c0_i32 : i32, i32
  }
  func.func @transform_3(%arg0: i32) -> (i32, i32) {
    %c0_i32 = arith.constant 0 : i32
    %c0_i32_0 = arith.constant 0 : i32
    %c0_i32_1 = arith.constant 0 : i32
    return %c0_i32, %c0_i32_0 : i32, i32
  }
  func.func @transform_4(%arg0: i32) -> (i32, i32) {
    %c0_i32 = arith.constant 0 : i32
    %c0_i32_0 = arith.constant 0 : i32
    %c0_i32_1 = arith.constant 0 : i32
    return %c0_i32, %c0_i32_0 : i32, i32
  }
  func.func @transform_5(%arg0: i32) -> (i32, i32) {
    %c0_i32 = arith.constant 0 : i32
    %c0_i32_0 = arith.constant 0 : i32
    %c0_i32_1 = arith.constant 0 : i32
    return %c0_i32, %c0_i32_0 : i32, i32
  }
  func.func @transform_6(%arg0: i32) -> (i32, i32) {
    %c0_i32 = arith.constant 0 : i32
    %c0_i32_0 = arith.constant 0 : i32
    %c0_i32_1 = arith.constant 0 : i32
    return %c0_i32, %c0_i32_0 : i32, i32
  }
  func.func @transform_7(%arg0: i32) -> (i32, i32) {
    %c0_i32 = arith.constant 0 : i32
    %c0_i32_0 = arith.constant 0 : i32
    %c0_i32_1 = arith.constant 0 : i32
    return %c0_i32, %c0_i32_0 : i32, i32
  }
  func.func @transform_8(%arg0: i32) -> (i32, i32) {
    %c0_i32 = arith.constant 0 : i32
    %c0_i32_0 = arith.constant 0 : i32
    %c0_i32_1 = arith.constant 0 : i32
    return %c0_i32, %c0_i32_0 : i32, i32
  }
  func.func @transform_9(%arg0: i32) -> (i32, i32) {
    %c0_i32 = arith.constant 0 : i32
    %c0_i32_0 = arith.constant 0 : i32
    %c0_i32_1 = arith.constant 0 : i32
    return %c0_i32, %c0_i32_0 : i32, i32
  }
  func.func @transform_10(%arg0: i32) -> (i32, i32) {
    %c0_i32 = arith.constant 0 : i32
    %c0_i32_0 = arith.constant 0 : i32
    return %arg0, %c0_i32 : i32, i32
  }
}

</mosaic_0001>

<sc_bundles>
// kernel: kernel.12.cloned.1.call-start
scs
__scs_entry_jumppad:
0x0: {  	(pc) =	sbr.rel $0x88, $3  }
0x1: {  	(tag) =	ssettag $0x0;
	lr =	simm.s32 $0x1  }
0x2: {  	[smem:$0x3F8D] =	sst lr;
	_ =	strace $0xD0000000  }
0x3: {  	_ = 	snop  }
0x4: {  	_ = 	snop  }
0x5: {  	_ = 	snop  }
0x6: {  	_ = 	snop  }
0x7: {  	_ = 	snop  }
__scs_overlays_trampoline_lowered:
0x8: {  	[smem:$0x3F9C] =	sst s0  }
0x9: {  	[smem:$0x3F9D] =	sst s1  }
0xa: {  	[smem:$0x3F9E] =	sst s2  }
0xb: {  	[smem:$0x3F9F] =	sst s3  }
0xc: {  	[smem:$0x3FA0] =	sst s4  }
0xd: {  	[smem:$0x3FA1] =	sst s5  }
0xe: {  	[smem:$0x3FA2] =	sst s6  }
0xf: {  	[smem:$0x3FA3] =	sst s7  }
0x10: {  	[smem:$0x3FA4] =	sst s8  }
0x11: {  	[smem:$0x3FA5] =	sst s9;
	s0 =	simm.s32 @!p0 $0x0  }
0x12: {  	s1 =	sld [smem:$0x3F8B];
	s0 =	simm.s32 @p0 $0x1  }
0x13: {  	[smem:$0x3FA6] =	sst s0;
	s0 =	simm.s32 @!p1 $0x0  }
0x14: {  	s2 =	sld [smem:$0x3F8A];
	s0 =	simm.s32 @p1 $0x1  }
0x15: {  	[smem:$0x3FA7] =	sst s0;
	s0 =	simm.s32 @!p2 $0x0  }
0x16: {  	s3 =	sld [smem:$0x3FDB];
	s0 =	simm.s32 @p2 $0x1  }
0x17: {  	s4 =	simm.s32 $0x1BF5;
	[smem:$0x3FA9] =	sst s0  }
0x18: {  	s0 =	sld [smem:$0x3F8C];
	_ =	swait.ge [sflag:s4], $0x0  }
0x19: {  	s7 =	sld [smem:$0x3F8D]  }
0x1a: {  	s8 =	sadd.s32 $0xFFFFE003, lr  }
0x1b: {  	s9 =	sadd.s32 $0xFFFFFEF7, lr;
	s5 =	simm.s32 $0xFFFFFFFF;
	p2 =	slt.u32 s8, $0xFFFFF086  }
0x1c: {  	p1 =	slt.u32 s9, $0xF7A;
	s5 =	simm.s32 @!p2 $0x0  }
0x1d: {  	s5 =	simm.s32 @p1 $0x1;
	p0 =	seq.s32 s7, s2  }
0x1e: {  	s7 =	smul.u32 @!p0 $0xF7A, s2;
	p2 =	seq.s32 @!p0 s5, $0x0  }
0x1f: {  	s9 =	smul.u32 $0xF7A, s1;
	s8 =	simm.s32 @!p0 $0x1BF5;
	p2 =	por !p2, p0  }
0x20: {  	[sflag:s8] =	ssyncset.s32 @!p0 $0xFFFFF086;
	s6 =	sadd.s32 @!p0 s3, s7;
	s7 =	simm.s32 @!p0 $0x108  }
0x21: {  	s3 =	sadd.s32 s3, s9;
	s6 =	sadd.s32 @!p0 $0x88, s6;
	s7 =	simm.s32 @p2 $0x1082  }
0x22: {  	[simem:s7], [sflag:s8] =	dma.local @!p0 [hbm:s6], $0xF7A  }
0x23: {  	s9 =	sor.u32 $0xD0000000, s2;
	s6 =	simm.s32 $0x108;
	_ =	swait.ge @!p0 [sflag:s8], $0x0  }
0x24: {  	s3 =	sadd.s32 $0x88, s3;
	s6 =	simm.s32 @!p1 $0x1082;
	[sflag:s4] =	ssyncset.s32 $0xFFFFF086  }
0x25: {  	[simem:s6], [sflag:s4] =	dma.local [hbm:s3], $0xF7A  }
0x26: {  	[smem:$0x3F8D] =	sst s1;
	(tag) =	ssettag s2;
	_ =	strace s9  }
0x27: {  	s1 =	sld [smem:$0x3F9D]  }
0x28: {  	s2 =	sld [smem:$0x3F9E]  }
0x29: {  	s4 =	sld [smem:$0x3FA0]  }
0x2a: {  	p0 =	seq.s32 s5, $0x0;
	s5 =	sld [smem:$0x3FA1]  }
0x2b: {  	s6 =	sld [smem:$0x3FA2]  }
0x2c: {  	s7 =	sld [smem:$0x3FA3]  }
0x2d: {  	s3 =	simm.s32 $0x108;
	s8 =	sld [smem:$0x3FA4]  }
0x2e: {  	s3 =	simm.s32 @!p0 $0x1082;
	s9 =	sld [smem:$0x3FA5]  }
0x2f: {  	lr =	sadd.s32 s0, s3;
	s0 =	sld [smem:$0x3F9C]  }
0x30: {  	s3 =	sld [smem:$0x3F9F]  }
0x31: {  	[smem:$0x3FA8] =	sst s10  }
0x32: {  	s10 =	sld [smem:$0x3FA6];
	_ =	sdelay $0x3  }
0x33: {  	p0 =	seq.s32 s10, $0x1;
	s10 =	sld [smem:$0x3FA8];
	_ =	sdelay $0x3  }
0x34: {  	[smem:$0x3FA8] =	sst s10  }
0x35: {  	s10 =	sld [smem:$0x3FA7];
	_ =	sdelay $0x3  }
0x36: {  	p1 =	seq.s32 s10, $0x1;
	s10 =	sld [smem:$0x3FA8];
	_ =	sdelay $0x3  }
0x37: {  	[smem:$0x3FA8] =	sst s10  }
0x38: {  	s10 =	sld [smem:$0x3FA9]  }
0x39: {  	_ = 	snop;
	(pc) =	sbr.ind lr, $3  }
0x3a: {  	_ = 	snop  }
0x3b: {  	_ = 	snop  }
0x3c: {  	p2 =	seq.s32 s10, $0x1;
	s10 =	sld [smem:$0x3FA8]  }
0x3d: {  	_ =	shalt  }
0x3e: {  	_ =	shalt  }
0x3f: {  	_ =	shalt  }
0x40: {  	_ =	shalt  }
0x41: {  	_ =	shalt  }
0x42: {  	_ =	shalt  }
0x43: {  	_ =	shalt  }
0x44: {  	_ =	shalt  }
0x45: {  	_ =	shalt  }
0x46: {  	_ =	shalt  }
0x47: {  	_ =	shalt  }
0x48: {  	_ =	shalt  }
0x49: {  	_ =	shalt  }
0x4a: {  	_ =	shalt  }
0x4b: {  	_ =	shalt  }
0x4c: {  	_ =	shalt  }
0x4d: {  	_ =	shalt  }
0x4e: {  	_ =	shalt  }
0x4f: {  	_ =	shalt  }
0x50: {  	_ =	shalt  }
0x51: {  	_ =	shalt  }
0x52: {  	_ =	shalt  }
0x53: {  	_ =	shalt  }
0x54: {  	_ =	shalt  }
0x55: {  	_ =	shalt  }
0x56: {  	_ =	shalt  }
0x57: {  	_ =	shalt  }
0x58: {  	_ =	shalt  }
0x59: {  	_ =	shalt  }
0x5a: {  	_ =	shalt  }
0x5b: {  	_ =	shalt  }
0x5c: {  	_ =	shalt  }
0x5d: {  	_ =	shalt  }
0x5e: {  	_ =	shalt  }
0x5f: {  	_ =	shalt  }
0x60: {  	_ =	shalt  }
0x61: {  	_ =	shalt  }
0x62: {  	_ =	shalt  }
0x63: {  	_ =	shalt  }
0x64: {  	_ =	shalt  }
0x65: {  	_ =	shalt  }
0x66: {  	_ =	shalt  }
0x67: {  	_ =	shalt  }
0x68: {  	_ =	shalt  }
0x69: {  	_ =	shalt  }
0x6a: {  	_ =	shalt  }
0x6b: {  	_ =	shalt  }
0x6c: {  	_ =	shalt  }
0x6d: {  	_ =	shalt  }
0x6e: {  	_ =	shalt  }
0x6f: {  	_ =	shalt  }
0x70: {  	_ =	shalt  }
0x71: {  	_ =	shalt  }
0x72: {  	_ =	shalt  }
0x73: {  	_ =	shalt  }
0x74: {  	_ =	shalt  }
0x75: {  	_ =	shalt  }
0x76: {  	_ =	shalt  }
0x77: {  	_ =	shalt  }
0x78: {  	_ =	shalt  }
0x79: {  	_ =	shalt  }
0x7a: {  	_ =	shalt  }
0x7b: {  	_ =	shalt  }
0x7c: {  	_ =	shalt  }
0x7d: {  	_ =	shalt  }
0x7e: {  	_ =	shalt  }
0x7f: {  	_ =	shalt  }
0x80: {  	_ =	shalt  }
0x81: {  	_ =	shalt  }
0x82: {  	_ =	shalt  }
0x83: {  	_ =	shalt  }
0x84: {  	_ =	shalt  }
0x85: {  	_ =	shalt  }
0x86: {  	_ =	shalt  }
0x87: {  	_ =	shalt  }
.Lfunc_end0:
.L_simem_size_0:
called_computation.1_lowered:
.L_overlay_start_0:
0x88: {  	s2 =	sld [smem:$0x3FD9]  }
0x89: {  	s3 =	sld [smem:$0x3FFE];
	_ =	sdelay $0x1  }
0x8a: {  	s1 =	srdreg.scid  }
0x8b: {  	s0 =	sand.u32 $0x1, s1  }
0x8c: {  	s16 =	sshll.u32 s0, $0xA;
	s2 =	sadd.s32 s3, s2  }
0x8d: {  	s2 =	sadd.s32 s2, s16  }
0x8e: {  	[smem:$0x3FB4] =	sst s2  }
0x8f: {  	_ = 	snop  }
0x90: {  	(tm) =	ssettm $0x1  }
0x91: {  	s17 =	sld [smem:$0x3FFB];
	_ =	sdelay $0x3  }
0x92: {  	_ =	strace s17  }
0x93: {  	s2 =	sld [smem:$0x3FFC];
	_ =	sdelay $0x3  }
0x94: {  	_ =	strace s2  }
0x95: {  	s2 =	sld [smem:$0x3FFD];
	_ =	sdelay $0x3  }
0x96: {  	_ =	strace s2  }
0x97: {  	_ =	strace $0x8FFFFFFF  }
0x98: {  	s18 =	sld [smem:$0x3FDB];
	_ =	sdelay $0x1  }
0x99: {  	s19 =	simm.s32 $_scs_section_size  }
0x9a: {  	s4 =	simm.s32 $_size__tile_overlayer_lowered;
	s5 =	simm.s32 $_tile_overlayer_lowered  }
0x9b: {  	s22 =	simm.s32 $0x1BFF;
	s21 =	sshll.u32 s5, $0x1;
	s2 =	sadd.s32 s19, s18  }
0x9c: {  	s6 =	simm.s32 $0x0;
	s20 =	sshll.u32 s4, $0x1;
	s4 =	sadd.s32 s21, s2  }
0x9d: {  	[timem:s6], [sflag:s22] =	dma.local [hbm:s4], s20  }
0x9e: {  	_ =	swait.ge [sflag:s22], s20  }
0x9f: {  	s3 =	ssub.s32 $0x0, s20;
	[sflag:s22] =	ssyncset.done $0x0  }
0xa0: {  	[sflag:s22] =	ssyncadd.s32 s3;
	_ =	sdelay $0x1  }
0xa1: {  	s23 =	simm.s32 $0x1B8B  }
0xa2: {  	_ =	swait.ge [sflag:s23], $0x1  }
0xa3: {  	[sflag:s23] =	ssyncset.done $0x0  }
0xa4: {  	s25 =	simm.s32 $0x1B8E;
	s24 =	sld [smem:$0x3FFE];
	[sflag:s23] =	ssyncadd.s32 $0xFFFFFFFF  }
0xa5: {  	s26 =	simm.s32 $execute0_lowered;
	[smem:$0x3FD2] =	sst s25  }
0xa6: {  	s4 =	sshll.u32 s26, $0x1;
	_ =	strace $0x80000049;
	[dreg:$0x1] =	wrdreg $0xFFFFFFFF  }
0xa7: {  	s28 =	simm.s32 $_size_execute0_lowered;
	s2 =	sadd.s32 s2, s4;
	[dreg:$0x0] =	wrdreg $0x0  }
0xa8: {  	s4 =	sshll.u32 s28, $0x1;
	[dreg:$0x2] =	wrdreg s2  }
0xa9: {  	[dreg:$0x3] =	wrdreg s4  }
0xaa: {  	[dreg:$0x4] =	wrdreg $0xC0  }
0xab: {  	_ =	task [dreg:s6], $0x5FFFF  }
0xac: {  	[dreg:$0x1] =	wrdreg $0xFFFFFFFF  }
0xad: {  	[dreg:$0x0] =	wrdreg $0x60  }
0xae: {  	[dreg:$0x2] =	wrdreg s24  }
0xaf: {  	[dreg:$0x3] =	wrdreg $0x9  }
0xb0: {  	_ =	task.clear_ibuf [dreg:s6], $0x4FFFF;
	_ =	strace $0x90000049  }
0xb1: {  	s29 =	simm.s32 $0x9;
	_ =	strace $0x8000004B  }
0xb2: {  	_ =	swait.ge [sflag:s29], $0x1  }
0xb3: {  	[sflag:s29] =	ssyncadd.s32 $0xFFFFFFFF  }
0xb4: {  	_ =	strace $0x9000004B  }
0xb5: {  	_ =	sfence  }
0xb6: {  	s30 =	sld [smem:$0x0];
	_ =	sdelay $0x2  }
0xb7: {  	s31 =	sshll.u32 s1, $0xD;
	s1 =	sshrl.u32 s1, $0x2  }
0xb8: {  	s3 =	sand.u32 $0x4000, s31;
	s1 =	sadd.s32 s1, s30  }
0xb9: {  	s0 =	sor.u32 s3, s0;
	s1 =	sshll.u32 s1, $0x11  }
0xba: {  	s0 =	sor.u32 s1, s0  }
0xbb: {  	s0 =	sadd.s32 $0x8F2B, s0  }
0xbc: {  	[sflag:s0] =	ssyncadd.remote.s32 $0x1  }
0xbd: {  	_ =	sfence.sel $0xFFFF  }
0xbe: {  	[dreg:$0x0] =	wrdreg $0xFFFFFFFF;
	(pc) =	sbr.abs _section_cstart, $3  }
0xbf: {  	[dreg:$0x1] =	wrdreg $0xFFFFFFFF  }
0xc0: {  	_ =	task.clear_ibuf [dreg:s6], $0x2FFFF;
	_ =	strace $0x9FFFFFFF  }
0xc1: {  	(tm) =	ssettm $0x7FFFFFFF  }
tec
execute0_lowered:
.L_overlay_start_1:
0x0: {  	(tag) =	ssettag $0x1  }
0x1: {  	s5 =	rddreg [dreg:$0x0]  }
0x2: {  	s0 =	rddreg [dreg:$0x1]  }
0x3: {  	s2 =	simm.s32 $0x0;
	s1 =	stileid.u32;
	s3 =	srdreg.scid  }
0x4: {  	s12 =	simm.s32 $0x2080;
	s13 =	simm.s32 $0x2880;
	s14 =	simm.s32 $0x3080  }
0x5: {  	s15 =	simm.s32 $0x3880;
	s16 =	simm.s32 $0x4080;
	s17 =	simm.s32 $0x4880  }
0x6: {  	s18 =	simm.s32 $0x5080;
	s19 =	simm.s32 $0x5880;
	s20 =	simm.s32 $0x6080  }
0x7: {  	s21 =	simm.s32 $0x6880;
	s22 =	simm.s32 $0x7080;
	s23 =	simm.s32 $0x7880  }
0x8: {  	s24 =	simm.s32 $0x1;
	s25 =	simm.s32 $0x0;
	s4 =	smul.u32 $0xA0000, s1  }
0x9: {  	[smem:$0x7FF] =	sst s2;
	s6 =	sand.u32 $0x1, s3;
	s10 =	smul.u32 $0xA00, s1  }
0xa: {  	s3 =	sadd.s32 $0x5CC800, s5;
	s7 =	ssub.s32 $0x2, s6;
	s8 =	smul.u32 $0x50000, s6  }
0xb: {  	_ =	strace $0x8000004A;
	s6 =	smul.u32 $0x500, s6;
	s9 =	sshrl.u32 s7, $0x1  }
0xc: {  	s11 =	sadd.s32 s4, s5;
	s31 =	sadd.s32 s10, s5;
	s10 =	simm.s32 $0x1080  }
0xd: {  	v2 =	vlaneseq.u32;
	s29 =	ssub.s32 s7, s9;
	s30 =	sadd.s32 s8, s11;
	s6 =	sadd.s32 s6, s31  }
0xe: {  	vm0 =	vmmov $0xffff;
	v1 =	vshrl.u32 v2, $0x3;
	s7 =	simm.s32 $0x2;
	s8 =	simm.s32 $0x80;
	s9 =	simm.s32 $0x880  }
0xf: {  	v0 =	vand.u32 $0x7, v2;
	v2 =	vor.u32 $0x8, v2;
	v1 =	vmul.u32 $0x8, v1;
	s11 =	simm.s32 $0x1880;
	s4 =	smax.u32 s29, $0x1;
	s5 =	sadd.s32 $0x668C00, s30  }
.LBB2_1:
0x10: {  	s26 =	smov.u32 s5;
	s28 =	simm.s32 $0x0  }
.LBB2_2:
0x11: {  	s29 =	sadd.s32 s28, s6  }
0x12: {  	[tilespmem:s2], [sflag:$0x2] =	stream.linear.gather [hbm4b:s29+s2], $0x80, $0x38;
	[tilespmem:$0x8080] =	vst v63  }
0x13: {  	_ =	swait.ge [sflag:s7], $0x80  }
0x14: {  	[sflag:s7] =	ssyncset.done $0x0  }
0x15: {  	[sflag:s7] =	ssyncadd.s32 $0xFFFFFF80  }
0x16: {  	v3 =	vld [tilespmem:$0x0];
	_ =	sdelay $0x4  }
0x17: {  	v4 =	vshll.u32 v3, $0x1  }
0x18: {  	v3 =	vand.u32 $0x7, v3;
	v4 =	vand.u32 $0xFFFFFFF0, v4  }
0x19: {  	v3 =	vor.u32 v3, v4  }
0x1a: {  	v4 =	vperm.xlane v3, v0;
	_ =	sdelay $0x1  }
0x1b: {  	v3 =	vperm.xlane v3, v2;
	v4 =	vadd.s32 v1, v4;
	_ =	sdelay $0x1  }
0x1c: {  	v3 =	vadd.s32 v1, v3;
	_ =	sdelay $0x2  }
0x1d: {  	[tilespmem:s8], [sflag:$0x1] =	stream.indirect_vreg.gather [hbm4b:s3+s2], $0x80, v4, vm0, $0xb8;
	[tilespmem:$0x8080] =	vst v63  }
0x1e: {  	_ = 	snop  }
0x1f: {  	[tilespmem:s9], [sflag:$0x1] =	stream.indirect_vreg.gather [hbm4b:s3+s2], $0x80, v3, vm0, $0xb8;
	[tilespmem:$0x8080] =	vst v63  }
0x20: {  	v3 =	vld [tilespmem:$0x10];
	_ =	sdelay $0x4  }
0x21: {  	v57 =	vshll.u32 v3, $0x1  }
0x22: {  	v3 =	vand.u32 $0x7, v3;
	v4 =	vand.u32 $0xFFFFFFF0, v57  }
0x23: {  	v3 =	vor.u32 v3, v4  }
0x24: {  	v4 =	vperm.xlane v3, v0;
	_ =	sdelay $0x1  }
0x25: {  	v3 =	vperm.xlane v3, v2;
	v4 =	vadd.s32 v1, v4;
	_ =	sdelay $0x1  }
0x26: {  	v3 =	vadd.s32 v1, v3;
	_ =	sdelay $0x2  }
0x27: {  	[tilespmem:s10], [sflag:$0x1] =	stream.indirect_vreg.gather [hbm4b:s3+s2], $0x80, v4, vm0, $0xb8;
	[tilespmem:$0x8080] =	vst v63  }
0x28: {  	_ = 	snop  }
0x29: {  	[tilespmem:s11], [sflag:$0x1] =	stream.indirect_vreg.gather [hbm4b:s3+s2], $0x80, v3, vm0, $0xb8;
	[tilespmem:$0x8080] =	vst v63  }
0x2a: {  	v3 =	vld [tilespmem:$0x20];
	_ =	sdelay $0x4  }
0x2b: {  	v58 =	vshll.u32 v3, $0x1  }
0x2c: {  	v3 =	vand.u32 $0x7, v3;
	v4 =	vand.u32 $0xFFFFFFF0, v58  }
0x2d: {  	v3 =	vor.u32 v3, v4  }
0x2e: {  	v4 =	vperm.xlane v3, v0;
	_ =	sdelay $0x1  }
0x2f: {  	v3 =	vperm.xlane v3, v2;
	v4 =	vadd.s32 v1, v4;
	_ =	sdelay $0x1  }
0x30: {  	v3 =	vadd.s32 v1, v3;
	_ =	sdelay $0x2  }
0x31: {  	[tilespmem:s12], [sflag:$0x1] =	stream.indirect_vreg.gather [hbm4b:s3+s2], $0x80, v4, vm0, $0xb8;
	[tilespmem:$0x8080] =	vst v63  }
0x32: {  	_ = 	snop  }
0x33: {  	[tilespmem:s13], [sflag:$0x1] =	stream.indirect_vreg.gather [hbm4b:s3+s2], $0x80, v3, vm0, $0xb8;
	[tilespmem:$0x8080] =	vst v63  }
0x34: {  	v3 =	vld [tilespmem:$0x30];
	_ =	sdelay $0x4  }
0x35: {  	v59 =	vshll.u32 v3, $0x1  }
0x36: {  	v3 =	vand.u32 $0x7, v3;
	v4 =	vand.u32 $0xFFFFFFF0, v59  }
0x37: {  	v3 =	vor.u32 v3, v4  }
0x38: {  	v4 =	vperm.xlane v3, v0;
	_ =	sdelay $0x1  }
0x39: {  	v3 =	vperm.xlane v3, v2;
	v4 =	vadd.s32 v1, v4;
	_ =	sdelay $0x1  }
0x3a: {  	v3 =	vadd.s32 v1, v3;
	_ =	sdelay $0x2  }
0x3b: {  	[tilespmem:s14], [sflag:$0x1] =	stream.indirect_vreg.gather [hbm4b:s3+s2], $0x80, v4, vm0, $0xb8;
	[tilespmem:$0x8080] =	vst v63  }
0x3c: {  	_ = 	snop  }
0x3d: {  	[tilespmem:s15], [sflag:$0x1] =	stream.indirect_vreg.gather [hbm4b:s3+s2], $0x80, v3, vm0, $0xb8;
	[tilespmem:$0x8080] =	vst v63  }
0x3e: {  	v3 =	vld [tilespmem:$0x40];
	_ =	sdelay $0x4  }
0x3f: {  	v60 =	vshll.u32 v3, $0x1  }
0x40: {  	v3 =	vand.u32 $0x7, v3;
	v4 =	vand.u32 $0xFFFFFFF0, v60  }
0x41: {  	v3 =	vor.u32 v3, v4  }
0x42: {  	v4 =	vperm.xlane v3, v0;
	_ =	sdelay $0x1  }
0x43: {  	v3 =	vperm.xlane v3, v2;
	v4 =	vadd.s32 v1, v4;
	_ =	sdelay $0x1  }
0x44: {  	v3 =	vadd.s32 v1, v3;
	_ =	sdelay $0x2  }
0x45: {  	[tilespmem:s16], [sflag:$0x1] =	stream.indirect_vreg.gather [hbm4b:s3+s2], $0x80, v4, vm0, $0xb8;
	[tilespmem:$0x8080] =	vst v63  }
0x46: {  	_ = 	snop  }
0x47: {  	[tilespmem:s17], [sflag:$0x1] =	stream.indirect_vreg.gather [hbm4b:s3+s2], $0x80, v3, vm0, $0xb8;
	[tilespmem:$0x8080] =	vst v63  }
0x48: {  	v3 =	vld [tilespmem:$0x50];
	_ =	sdelay $0x4  }
0x49: {  	v61 =	vshll.u32 v3, $0x1  }
0x4a: {  	v3 =	vand.u32 $0x7, v3;
	v4 =	vand.u32 $0xFFFFFFF0, v61  }
0x4b: {  	v3 =	vor.u32 v3, v4  }
0x4c: {  	v4 =	vperm.xlane v3, v0;
	_ =	sdelay $0x1  }
0x4d: {  	v3 =	vperm.xlane v3, v2;
	v4 =	vadd.s32 v1, v4;
	_ =	sdelay $0x1  }
0x4e: {  	v3 =	vadd.s32 v1, v3;
	_ =	sdelay $0x2  }
0x4f: {  	[tilespmem:s18], [sflag:$0x1] =	stream.indirect_vreg.gather [hbm4b:s3+s2], $0x80, v4, vm0, $0xb8;
	[tilespmem:$0x8080] =	vst v63  }
0x50: {  	_ = 	snop  }
0x51: {  	[tilespmem:s19], [sflag:$0x1] =	stream.indirect_vreg.gather [hbm4b:s3+s2], $0x80, v3, vm0, $0xb8;
	[tilespmem:$0x8080] =	vst v63  }
0x52: {  	v3 =	vld [tilespmem:$0x60];
	_ =	sdelay $0x4  }
0x53: {  	v62 =	vshll.u32 v3, $0x1  }
0x54: {  	v3 =	vand.u32 $0x7, v3;
	v4 =	vand.u32 $0xFFFFFFF0, v62  }
0x55: {  	v3 =	vor.u32 v3, v4  }
0x56: {  	v4 =	vperm.xlane v3, v0;
	_ =	sdelay $0x1  }
0x57: {  	v3 =	vperm.xlane v3, v2;
	v4 =	vadd.s32 v1, v4;
	_ =	sdelay $0x1  }
0x58: {  	v3 =	vadd.s32 v1, v3;
	_ =	sdelay $0x2  }
0x59: {  	[tilespmem:s20], [sflag:$0x1] =	stream.indirect_vreg.gather [hbm4b:s3+s2], $0x80, v4, vm0, $0xb8;
	[tilespmem:$0x8080] =	vst v63  }
0x5a: {  	_ = 	snop  }
0x5b: {  	[tilespmem:s21], [sflag:$0x1] =	stream.indirect_vreg.gather [hbm4b:s3+s2], $0x80, v3, vm0, $0xb8;
	[tilespmem:$0x8080] =	vst v63  }
0x5c: {  	v3 =	vld [tilespmem:$0x70];
	_ =	sdelay $0x4  }
0x5d: {  	v63 =	vshll.u32 v3, $0x1  }
0x5e: {  	v3 =	vand.u32 $0x7, v3;
	v4 =	vand.u32 $0xFFFFFFF0, v63  }
0x5f: {  	v3 =	vor.u32 v3, v4  }
0x60: {  	v4 =	vperm.xlane v3, v0;
	_ =	sdelay $0x1  }
0x61: {  	v3 =	vperm.xlane v3, v2;
	v4 =	vadd.s32 v1, v4;
	_ =	sdelay $0x1  }
0x62: {  	v3 =	vadd.s32 v1, v3;
	_ =	sdelay $0x2  }
0x63: {  	[tilespmem:s22], [sflag:$0x1] =	stream.indirect_vreg.gather [hbm4b:s3+s2], $0x80, v4, vm0, $0xb8;
	[tilespmem:$0x8080] =	vst v63  }
0x64: {  	_ = 	snop  }
0x65: {  	[tilespmem:s23], [sflag:$0x1] =	stream.indirect_vreg.gather [hbm4b:s3+s2], $0x80, v3, vm0, $0xb8;
	[tilespmem:$0x8080] =	vst v63  }
0x66: {  	_ =	swait.ge [sflag:s24], $0x8000  }
0x67: {  	p0 =	sne.s32 s28, $0x4F0;
	[sflag:s24] =	ssyncset.done $0x0  }
.Ltmp0:
0x68: {  	[sflag:s24] =	ssyncadd.s32 $0xFFFF8000;
	(pc) =	sbr.rel @p0 .LBB2_2-.Ltmp0, $4  }
0x69: {  	[hbm4b:s26+s2] =	stream.linear.scatter [tilespmem:s8], [sflag:$0x2], $0x8000, $0x38;
	[tilespmem:$0x8080] =	vst v63  }
0x6a: {  	_ =	swait.ge [sflag:s7], $0x8000  }
0x6b: {  	[sflag:s7] =	ssyncset.done $0x0  }
0x6c: {  	s28 =	sadd.s32 $0x10, s28;
	s26 =	sadd.s32 $0x1000, s26;
	[sflag:s7] =	ssyncadd.s32 $0xFFFF8000  }
0x6d: {  	s25 =	sadd.s32 $0x1, s25  }
0x6e: {  	p0 =	sne.s32 s25, s4  }
.Ltmp1:
0x6f: {  	_ = 	snop;
	(pc) =	sbr.rel @p0 .LBB2_1-.Ltmp1, $1  }
0x70: {  	_ =	sdelay $0x3  }
0x71: {  	_ =	sfence.sel $0x180000  }
0x72: {  	[bflag:$0x0] =	sbarrier.arrive $0xFFFF  }
0x73: {  	p0 =	sne.s32 s1, $0x0;
	_ =	strace $0x9000004A  }
0x74: {  	s0 =	sadd.s32 @!p0 $0x100000, s0;
	[bflag:$0x2] =	sbarrier.arrive $0xFFFF  }
0x75: {  	[sflag:s0] =	ssyncadd.tile.s32 @!p0 $0x1;
	_ =	shalt  }
.Lfunc_end2:
_tile_overlayer_lowered:
.L_overlay_start_2:
0x76: {  	(tag) =	ssettag $0x2  }
0x77: {  	s0 =	rddreg [dreg:$0x0];
	s2 =	stileid.u32  }
0x78: {  	s1 =	rddreg [dreg:$0x1];
	p0 =	sne.s32 s2, $0x0  }
0x79: {  	s3 =	rddreg [dreg:$0x2];
	[bflag:$0x3] =	sbarrier.arrive $0xFFFF;
	s2 =	simm.s32 @!p0 $0x1C02  }
0x7a: {  	[timem:s3], [sflag:s2] =	dma.local @!p0 [hbm:s0], s1  }
0x7b: {  	s0 =	simm.s32 @!p0 $0x2  }
0x7c: {  	_ =	swait.ge @!p0 [sflag:s0], s1  }
0x7d: {  	s1 =	ssub.s32 @!p0 $0x0, s1;
	[sflag:s0] =	ssyncset.done @!p0 $0x0  }
0x7e: {  	[sflag:s0] =	ssyncadd.s32 @!p0 s1  }
0x7f: {  	[bflag:$0x3] =	sbarrier.arrive $0xFFFF  }
0x80: {  	_ =	shalt  }

// kernel: kernel.9.cloned.1.call-start
scs
__scs_entry_jumppad:
0x0: {  	(pc) =	sbr.rel $0x88, $3  }
0x1: {  	(tag) =	ssettag $0x0;
	lr =	simm.s32 $0x1  }
0x2: {  	[smem:$0x3F8D] =	sst lr;
	_ =	strace $0xD0000000  }
0x3: {  	_ = 	snop  }
0x4: {  	_ = 	snop  }
0x5: {  	_ = 	snop  }
0x6: {  	_ = 	snop  }
0x7: {  	_ = 	snop  }
__scs_overlays_trampoline_lowered:
0x8: {  	[smem:$0x3F9C] =	sst s0  }
0x9: {  	[smem:$0x3F9D] =	sst s1  }
0xa: {  	[smem:$0x3F9E] =	sst s2  }
0xb: {  	[smem:$0x3F9F] =	sst s3  }
0xc: {  	[smem:$0x3FA0] =	sst s4  }
0xd: {  	[smem:$0x3FA1] =	sst s5  }
0xe: {  	[smem:$0x3FA2] =	sst s6  }
0xf: {  	[smem:$0x3FA3] =	sst s7  }
0x10: {  	[smem:$0x3FA4] =	sst s8  }
0x11: {  	[smem:$0x3FA5] =	sst s9;
	s0 =	simm.s32 @!p0 $0x0  }
0x12: {  	s1 =	sld [smem:$0x3F8B];
	s0 =	simm.s32 @p0 $0x1  }
0x13: {  	[smem:$0x3FA6] =	sst s0;
	s0 =	simm.s32 @!p1 $0x0  }
0x14: {  	s2 =	sld [smem:$0x3F8A];
	s0 =	simm.s32 @p1 $0x1  }
0x15: {  	[smem:$0x3FA7] =	sst s0;
	s0 =	simm.s32 @!p2 $0x0  }
0x16: {  	s3 =	sld [smem:$0x3FDB];
	s0 =	simm.s32 @p2 $0x1  }
0x17: {  	s4 =	simm.s32 $0x1BF5;
	[smem:$0x3FA9] =	sst s0  }
0x18: {  	s0 =	sld [smem:$0x3F8C];
	_ =	swait.ge [sflag:s4], $0x0  }
0x19: {  	s7 =	sld [smem:$0x3F8D]  }
0x1a: {  	s8 =	sadd.s32 $0xFFFFE003, lr  }
0x1b: {  	s9 =	sadd.s32 $0xFFFFFEF7, lr;
	s5 =	simm.s32 $0xFFFFFFFF;
	p2 =	slt.u32 s8, $0xFFFFF086  }
0x1c: {  	p1 =	slt.u32 s9, $0xF7A;
	s5 =	simm.s32 @!p2 $0x0  }
0x1d: {  	s5 =	simm.s32 @p1 $0x1;
	p0 =	seq.s32 s7, s2  }
0x1e: {  	s7 =	smul.u32 @!p0 $0xF7A, s2;
	p2 =	seq.s32 @!p0 s5, $0x0  }
0x1f: {  	s9 =	smul.u32 $0xF7A, s1;
	s8 =	simm.s32 @!p0 $0x1BF5;
	p2 =	por !p2, p0  }
0x20: {  	[sflag:s8] =	ssyncset.s32 @!p0 $0xFFFFF086;
	s6 =	sadd.s32 @!p0 s3, s7;
	s7 =	simm.s32 @!p0 $0x108  }
0x21: {  	s3 =	sadd.s32 s3, s9;
	s6 =	sadd.s32 @!p0 $0x88, s6;
	s7 =	simm.s32 @p2 $0x1082  }
0x22: {  	[simem:s7], [sflag:s8] =	dma.local @!p0 [hbm:s6], $0xF7A  }
0x23: {  	s9 =	sor.u32 $0xD0000000, s2;
	s6 =	simm.s32 $0x108;
	_ =	swait.ge @!p0 [sflag:s8], $0x0  }
0x24: {  	s3 =	sadd.s32 $0x88, s3;
	s6 =	simm.s32 @!p1 $0x1082;
	[sflag:s4] =	ssyncset.s32 $0xFFFFF086  }
0x25: {  	[simem:s6], [sflag:s4] =	dma.local [hbm:s3], $0xF7A  }
0x26: {  	[smem:$0x3F8D] =	sst s1;
	(tag) =	ssettag s2;
	_ =	strace s9  }
0x27: {  	s1 =	sld [smem:$0x3F9D]  }
0x28: {  	s2 =	sld [smem:$0x3F9E]  }
0x29: {  	s4 =	sld [smem:$0x3FA0]  }
0x2a: {  	p0 =	seq.s32 s5, $0x0;
	s5 =	sld [smem:$0x3FA1]  }
0x2b: {  	s6 =	sld [smem:$0x3FA2]  }
0x2c: {  	s7 =	sld [smem:$0x3FA3]  }
0x2d: {  	s3 =	simm.s32 $0x108;
	s8 =	sld [smem:$0x3FA4]  }
0x2e: {  	s3 =	simm.s32 @!p0 $0x1082;
	s9 =	sld [smem:$0x3FA5]  }
0x2f: {  	lr =	sadd.s32 s0, s3;
	s0 =	sld [smem:$0x3F9C]  }
0x30: {  	s3 =	sld [smem:$0x3F9F]  }
0x31: {  	[smem:$0x3FA8] =	sst s10  }
0x32: {  	s10 =	sld [smem:$0x3FA6];
	_ =	sdelay $0x3  }
0x33: {  	p0 =	seq.s32 s10, $0x1;
	s10 =	sld [smem:$0x3FA8];
	_ =	sdelay $0x3  }
0x34: {  	[smem:$0x3FA8] =	sst s10  }
0x35: {  	s10 =	sld [smem:$0x3FA7];
	_ =	sdelay $0x3  }
0x36: {  	p1 =	seq.s32 s10, $0x1;
	s10 =	sld [smem:$0x3FA8];
	_ =	sdelay $0x3  }
0x37: {  	[smem:$0x3FA8] =	sst s10  }
0x38: {  	s10 =	sld [smem:$0x3FA9]  }
0x39: {  	_ = 	snop;
	(pc) =	sbr.ind lr, $3  }
0x3a: {  	_ = 	snop  }
0x3b: {  	_ = 	snop  }
0x3c: {  	p2 =	seq.s32 s10, $0x1;
	s10 =	sld [smem:$0x3FA8]  }
0x3d: {  	_ =	shalt  }
0x3e: {  	_ =	shalt  }
0x3f: {  	_ =	shalt  }
0x40: {  	_ =	shalt  }
0x41: {  	_ =	shalt  }
0x42: {  	_ =	shalt  }
0x43: {  	_ =	shalt  }
0x44: {  	_ =	shalt  }
0x45: {  	_ =	shalt  }
0x46: {  	_ =	shalt  }
0x47: {  	_ =	shalt  }
0x48: {  	_ =	shalt  }
0x49: {  	_ =	shalt  }
0x4a: {  	_ =	shalt  }
0x4b: {  	_ =	shalt  }
0x4c: {  	_ =	shalt  }
0x4d: {  	_ =	shalt  }
0x4e: {  	_ =	shalt  }
0x4f: {  	_ =	shalt  }
0x50: {  	_ =	shalt  }
0x51: {  	_ =	shalt  }
0x52: {  	_ =	shalt  }
0x53: {  	_ =	shalt  }
0x54: {  	_ =	shalt  }
0x55: {  	_ =	shalt  }
0x56: {  	_ =	shalt  }
0x57: {  	_ =	shalt  }
0x58: {  	_ =	shalt  }
0x59: {  	_ =	shalt  }
0x5a: {  	_ =	shalt  }
0x5b: {  	_ =	shalt  }
0x5c: {  	_ =	shalt  }
0x5d: {  	_ =	shalt  }
0x5e: {  	_ =	shalt  }
0x5f: {  	_ =	shalt  }
0x60: {  	_ =	shalt  }
0x61: {  	_ =	shalt  }
0x62: {  	_ =	shalt  }
0x63: {  	_ =	shalt  }
0x64: {  	_ =	shalt  }
0x65: {  	_ =	shalt  }
0x66: {  	_ =	shalt  }
0x67: {  	_ =	shalt  }
0x68: {  	_ =	shalt  }
0x69: {  	_ =	shalt  }
0x6a: {  	_ =	shalt  }
0x6b: {  	_ =	shalt  }
0x6c: {  	_ =	shalt  }
0x6d: {  	_ =	shalt  }
0x6e: {  	_ =	shalt  }
0x6f: {  	_ =	shalt  }
0x70: {  	_ =	shalt  }
0x71: {  	_ =	shalt  }
0x72: {  	_ =	shalt  }
0x73: {  	_ =	shalt  }
0x74: {  	_ =	shalt  }
0x75: {  	_ =	shalt  }
0x76: {  	_ =	shalt  }
0x77: {  	_ =	shalt  }
0x78: {  	_ =	shalt  }
0x79: {  	_ =	shalt  }
0x7a: {  	_ =	shalt  }
0x7b: {  	_ =	shalt  }
0x7c: {  	_ =	shalt  }
0x7d: {  	_ =	shalt  }
0x7e: {  	_ =	shalt  }
0x7f: {  	_ =	shalt  }
0x80: {  	_ =	shalt  }
0x81: {  	_ =	shalt  }
0x82: {  	_ =	shalt  }
0x83: {  	_ =	shalt  }
0x84: {  	_ =	shalt  }
0x85: {  	_ =	shalt  }
0x86: {  	_ =	shalt  }
0x87: {  	_ =	shalt  }
.Lfunc_end0:
.L_simem_size_0:
called_computation_lowered:
.L_overlay_start_0:
0x88: {  	s2 =	sld [smem:$0x3FD9]  }
0x89: {  	s3 =	sld [smem:$0x3FFE];
	_ =	sdelay $0x1  }
0x8a: {  	s1 =	srdreg.scid  }
0x8b: {  	s0 =	sand.u32 $0x1, s1  }
0x8c: {  	s17 =	sshll.u32 s0, $0xA;
	s2 =	sadd.s32 s3, s2  }
0x8d: {  	s2 =	sadd.s32 s2, s17  }
0x8e: {  	[smem:$0x3FB4] =	sst s2  }
0x8f: {  	_ = 	snop  }
0x90: {  	s2 =	sld [smem:$0x3FD0];
	(tm) =	ssettm $0x1  }
0x91: {  	s18 =	sld [smem:$0x3FFB];
	_ =	sdelay $0x3  }
0x92: {  	_ =	strace s18  }
0x93: {  	s3 =	sld [smem:$0x3FFC];
	_ =	sdelay $0x3  }
0x94: {  	_ =	strace s3  }
0x95: {  	s3 =	sld [smem:$0x3FFD];
	_ =	sdelay $0x3  }
0x96: {  	_ =	strace s3  }
0x97: {  	_ =	strace $0x8FFFFFFF  }
0x98: {  	s19 =	sld [smem:$0x3FDB];
	_ =	sdelay $0x1  }
0x99: {  	s4 =	simm.s32 $_scs_section_size  }
0x9a: {  	s5 =	simm.s32 $_size__tile_overlayer_lowered;
	s6 =	simm.s32 $_tile_overlayer_lowered  }
0x9b: {  	s22 =	simm.s32 $0x1BFF;
	s21 =	sshll.u32 s6, $0x1;
	s3 =	sadd.s32 s4, s19  }
0x9c: {  	s7 =	simm.s32 $0x0;
	s20 =	sshll.u32 s5, $0x1;
	s5 =	sadd.s32 s21, s3  }
0x9d: {  	[timem:s7], [sflag:s22] =	dma.local [hbm:s5], s20  }
0x9e: {  	_ =	swait.ge [sflag:s22], s20  }
0x9f: {  	s4 =	ssub.s32 $0x0, s20;
	[sflag:s22] =	ssyncset.done $0x0  }
0xa0: {  	[sflag:s22] =	ssyncadd.s32 s4;
	_ =	sdelay $0x1  }
0xa1: {  	s23 =	simm.s32 $0x1B8B  }
0xa2: {  	_ =	swait.ge [sflag:s23], $0x1  }
0xa3: {  	[sflag:s23] =	ssyncset.done $0x0  }
0xa4: {  	s25 =	simm.s32 $0x1B8E;
	s24 =	sld [smem:$0x3FFE];
	[sflag:s23] =	ssyncadd.s32 $0xFFFFFFFF  }
0xa5: {  	s26 =	simm.s32 $execute0_lowered;
	[smem:$0x3FD2] =	sst s25  }
0xa6: {  	s5 =	sshll.u32 s26, $0x1;
	_ =	strace $0x80000046;
	[dreg:$0x1] =	wrdreg $0xFFFFFFFF  }
0xa7: {  	s28 =	simm.s32 $_size_execute0_lowered;
	s3 =	sadd.s32 s3, s5;
	[dreg:$0x0] =	wrdreg $0x0  }
0xa8: {  	s5 =	sshll.u32 s28, $0x1;
	[dreg:$0x2] =	wrdreg s3  }
0xa9: {  	[dreg:$0x3] =	wrdreg s5  }
0xaa: {  	[dreg:$0x4] =	wrdreg $0xC0  }
0xab: {  	_ =	task [dreg:s7], $0x5FFFF  }
0xac: {  	[dreg:$0x1] =	wrdreg $0xFFFFFFFF  }
0xad: {  	[dreg:$0x0] =	wrdreg $0x60  }
0xae: {  	[dreg:$0x2] =	wrdreg s2  }
0xaf: {  	[dreg:$0x3] =	wrdreg s24  }
0xb0: {  	[dreg:$0x4] =	wrdreg $0x9  }
0xb1: {  	_ =	task.clear_ibuf [dreg:s7], $0x5FFFF;
	_ =	strace $0x90000046  }
0xb2: {  	s29 =	simm.s32 $0x9;
	_ =	strace $0x80000048  }
0xb3: {  	_ =	swait.ge [sflag:s29], $0x1  }
0xb4: {  	[sflag:s29] =	ssyncadd.s32 $0xFFFFFFFF  }
0xb5: {  	_ =	strace $0x90000048  }
0xb6: {  	_ =	sfence  }
0xb7: {  	s30 =	sld [smem:$0x0];
	_ =	sdelay $0x2  }
0xb8: {  	s31 =	sshll.u32 s1, $0xD;
	s1 =	sshrl.u32 s1, $0x2  }
0xb9: {  	s3 =	sand.u32 $0x4000, s31;
	s1 =	sadd.s32 s1, s30  }
0xba: {  	s0 =	sor.u32 s3, s0;
	s1 =	sshll.u32 s1, $0x11  }
0xbb: {  	s0 =	sor.u32 s1, s0  }
0xbc: {  	s0 =	sadd.s32 $0x8F2B, s0  }
0xbd: {  	[sflag:s0] =	ssyncadd.remote.s32 $0x1  }
0xbe: {  	_ =	sfence.sel $0xFFFF  }
0xbf: {  	[dreg:$0x0] =	wrdreg $0xFFFFFFFF;
	(pc) =	sbr.abs _section_cstart, $3  }
0xc0: {  	[dreg:$0x1] =	wrdreg $0xFFFFFFFF  }
0xc1: {  	_ =	task.clear_ibuf [dreg:s7], $0x2FFFF;
	_ =	strace $0x9FFFFFFF  }
0xc2: {  	(tm) =	ssettm $0x7FFFFFFF  }
0xc3: {  	_ =	shalt  }
tec
execute0_lowered:
.L_overlay_start_1:
0x0: {  	(tag) =	ssettag $0x1  }
0x1: {  	s2 =	rddreg [dreg:$0x0]  }
0x2: {  	s5 =	rddreg [dreg:$0x1]  }
0x3: {  	s0 =	rddreg [dreg:$0x2]  }
0x4: {  	s1 =	stileid.u32;
	s4 =	srdreg.scid  }
0x5: {  	s3 =	simm.s32 $0x0;
	s11 =	simm.s32 $0x1880;
	s12 =	simm.s32 $0x2080  }
0x6: {  	s13 =	simm.s32 $0x2880;
	s14 =	simm.s32 $0x3080;
	s15 =	simm.s32 $0x3880  }
0x7: {  	s16 =	simm.s32 $0x4080;
	s17 =	simm.s32 $0x4880;
	s18 =	simm.s32 $0x5080  }
0x8: {  	s19 =	simm.s32 $0x5880;
	s20 =	simm.s32 $0x6080;
	s21 =	simm.s32 $0x6880  }
0x9: {  	s22 =	simm.s32 $0x7080;
	s23 =	simm.s32 $0x7880;
	s6 =	smul.u32 $0xA0000, s1  }
0xa: {  	s24 =	simm.s32 $0x1;
	s4 =	sand.u32 $0x1, s4;
	s10 =	smul.u32 $0xA00, s1  }
0xb: {  	s25 =	simm.s32 $0x0;
	[smem:$0x7FF] =	sst s3;
	s8 =	smul.u32 $0x50000, s4  }
0xc: {  	s7 =	ssub.s32 $0x2, s4;
	_ =	strace $0x80000047;
	s30 =	smul.u32 $0x500, s4  }
0xd: {  	s9 =	sshrl.u32 s7, $0x1;
	s6 =	sadd.s32 s6, s5;
	s31 =	sadd.s32 s10, s5  }
0xe: {  	v2 =	vlaneseq.u32;
	s10 =	simm.s32 $0x1080;
	s7 =	ssub.s32 s7, s9;
	s6 =	sadd.s32 s8, s6  }
0xf: {  	vm0 =	vmmov $0xffff;
	v1 =	vshrl.u32 v2, $0x3;
	s8 =	simm.s32 $0x80;
	s9 =	simm.s32 $0x880;
	s4 =	smax.u32 s7, $0x1  }
0x10: {  	v0 =	vand.u32 $0x7, v2;
	v2 =	vor.u32 $0x8, v2;
	v1 =	vmul.u32 $0x8, v1;
	s5 =	sadd.s32 $0x5CC800, s6;
	s6 =	sadd.s32 s30, s31;
	s7 =	simm.s32 $0x2  }
.LBB2_1:
0x11: {  	s26 =	smov.u32 s5;
	s28 =	simm.s32 $0x0  }
.LBB2_2:
0x12: {  	s29 =	sadd.s32 s28, s6  }
0x13: {  	[tilespmem:s3], [sflag:$0x2] =	stream.linear.gather [hbm4b:s29+s3], $0x80, $0x38;
	[tilespmem:$0x8080] =	vst v63  }
0x14: {  	_ =	swait.ge [sflag:s7], $0x80  }
0x15: {  	[sflag:s7] =	ssyncset.done $0x0  }
0x16: {  	[sflag:s7] =	ssyncadd.s32 $0xFFFFFF80  }
0x17: {  	v3 =	vld [tilespmem:$0x0];
	_ =	sdelay $0x4  }
0x18: {  	v4 =	vshll.u32 v3, $0x1  }
0x19: {  	v3 =	vand.u32 $0x7, v3;
	v4 =	vand.u32 $0xFFFFFFF0, v4  }
0x1a: {  	v3 =	vor.u32 v3, v4  }
0x1b: {  	v4 =	vperm.xlane v3, v0;
	_ =	sdelay $0x1  }
0x1c: {  	v3 =	vperm.xlane v3, v2;
	v4 =	vadd.s32 v1, v4;
	_ =	sdelay $0x1  }
0x1d: {  	v3 =	vadd.s32 v1, v3;
	_ =	sdelay $0x2  }
0x1e: {  	[tilespmem:s8], [sflag:$0x1] =	stream.indirect_vreg.gather [hbm4b:s2+s3], $0x80, v4, vm0, $0xb8;
	[tilespmem:$0x8080] =	vst v63  }
0x1f: {  	_ = 	snop  }
0x20: {  	[tilespmem:s9], [sflag:$0x1] =	stream.indirect_vreg.gather [hbm4b:s2+s3], $0x80, v3, vm0, $0xb8;
	[tilespmem:$0x8080] =	vst v63  }
0x21: {  	v3 =	vld [tilespmem:$0x10];
	_ =	sdelay $0x4  }
0x22: {  	v57 =	vshll.u32 v3, $0x1  }
0x23: {  	v3 =	vand.u32 $0x7, v3;
	v4 =	vand.u32 $0xFFFFFFF0, v57  }
0x24: {  	v3 =	vor.u32 v3, v4  }
0x25: {  	v4 =	vperm.xlane v3, v0;
	_ =	sdelay $0x1  }
0x26: {  	v3 =	vperm.xlane v3, v2;
	v4 =	vadd.s32 v1, v4;
	_ =	sdelay $0x1  }
0x27: {  	v3 =	vadd.s32 v1, v3;
	_ =	sdelay $0x2  }
0x28: {  	[tilespmem:s10], [sflag:$0x1] =	stream.indirect_vreg.gather [hbm4b:s2+s3], $0x80, v4, vm0, $0xb8;
	[tilespmem:$0x8080] =	vst v63  }
0x29: {  	_ = 	snop  }
0x2a: {  	[tilespmem:s11], [sflag:$0x1] =	stream.indirect_vreg.gather [hbm4b:s2+s3], $0x80, v3, vm0, $0xb8;
	[tilespmem:$0x8080] =	vst v63  }
0x2b: {  	v3 =	vld [tilespmem:$0x20];
	_ =	sdelay $0x4  }
0x2c: {  	v58 =	vshll.u32 v3, $0x1  }
0x2d: {  	v3 =	vand.u32 $0x7, v3;
	v4 =	vand.u32 $0xFFFFFFF0, v58  }
0x2e: {  	v3 =	vor.u32 v3, v4  }
0x2f: {  	v4 =	vperm.xlane v3, v0;
	_ =	sdelay $0x1  }
0x30: {  	v3 =	vperm.xlane v3, v2;
	v4 =	vadd.s32 v1, v4;
	_ =	sdelay $0x1  }
0x31: {  	v3 =	vadd.s32 v1, v3;
	_ =	sdelay $0x2  }
0x32: {  	[tilespmem:s12], [sflag:$0x1] =	stream.indirect_vreg.gather [hbm4b:s2+s3], $0x80, v4, vm0, $0xb8;
	[tilespmem:$0x8080] =	vst v63  }
0x33: {  	_ = 	snop  }
0x34: {  	[tilespmem:s13], [sflag:$0x1] =	stream.indirect_vreg.gather [hbm4b:s2+s3], $0x80, v3, vm0, $0xb8;
	[tilespmem:$0x8080] =	vst v63  }
0x35: {  	v3 =	vld [tilespmem:$0x30];
	_ =	sdelay $0x4  }
0x36: {  	v59 =	vshll.u32 v3, $0x1  }
0x37: {  	v3 =	vand.u32 $0x7, v3;
	v4 =	vand.u32 $0xFFFFFFF0, v59  }
0x38: {  	v3 =	vor.u32 v3, v4  }
0x39: {  	v4 =	vperm.xlane v3, v0;
	_ =	sdelay $0x1  }
0x3a: {  	v3 =	vperm.xlane v3, v2;
	v4 =	vadd.s32 v1, v4;
	_ =	sdelay $0x1  }
0x3b: {  	v3 =	vadd.s32 v1, v3;
	_ =	sdelay $0x2  }
0x3c: {  	[tilespmem:s14], [sflag:$0x1] =	stream.indirect_vreg.gather [hbm4b:s2+s3], $0x80, v4, vm0, $0xb8;
	[tilespmem:$0x8080] =	vst v63  }
0x3d: {  	_ = 	snop  }
0x3e: {  	[tilespmem:s15], [sflag:$0x1] =	stream.indirect_vreg.gather [hbm4b:s2+s3], $0x80, v3, vm0, $0xb8;
	[tilespmem:$0x8080] =	vst v63  }
0x3f: {  	v3 =	vld [tilespmem:$0x40];
	_ =	sdelay $0x4  }
0x40: {  	v60 =	vshll.u32 v3, $0x1  }
0x41: {  	v3 =	vand.u32 $0x7, v3;
	v4 =	vand.u32 $0xFFFFFFF0, v60  }
0x42: {  	v3 =	vor.u32 v3, v4  }
0x43: {  	v4 =	vperm.xlane v3, v0;
	_ =	sdelay $0x1  }
0x44: {  	v3 =	vperm.xlane v3, v2;
	v4 =	vadd.s32 v1, v4;
	_ =	sdelay $0x1  }
0x45: {  	v3 =	vadd.s32 v1, v3;
	_ =	sdelay $0x2  }
0x46: {  	[tilespmem:s16], [sflag:$0x1] =	stream.indirect_vreg.gather [hbm4b:s2+s3], $0x80, v4, vm0, $0xb8;
	[tilespmem:$0x8080] =	vst v63  }
0x47: {  	_ = 	snop  }
0x48: {  	[tilespmem:s17], [sflag:$0x1] =	stream.indirect_vreg.gather [hbm4b:s2+s3], $0x80, v3, vm0, $0xb8;
	[tilespmem:$0x8080] =	vst v63  }
0x49: {  	v3 =	vld [tilespmem:$0x50];
	_ =	sdelay $0x4  }
0x4a: {  	v61 =	vshll.u32 v3, $0x1  }
0x4b: {  	v3 =	vand.u32 $0x7, v3;
	v4 =	vand.u32 $0xFFFFFFF0, v61  }
0x4c: {  	v3 =	vor.u32 v3, v4  }
0x4d: {  	v4 =	vperm.xlane v3, v0;
	_ =	sdelay $0x1  }
0x4e: {  	v3 =	vperm.xlane v3, v2;
	v4 =	vadd.s32 v1, v4;
	_ =	sdelay $0x1  }
0x4f: {  	v3 =	vadd.s32 v1, v3;
	_ =	sdelay $0x2  }
0x50: {  	[tilespmem:s18], [sflag:$0x1] =	stream.indirect_vreg.gather [hbm4b:s2+s3], $0x80, v4, vm0, $0xb8;
	[tilespmem:$0x8080] =	vst v63  }
0x51: {  	_ = 	snop  }
0x52: {  	[tilespmem:s19], [sflag:$0x1] =	stream.indirect_vreg.gather [hbm4b:s2+s3], $0x80, v3, vm0, $0xb8;
	[tilespmem:$0x8080] =	vst v63  }
0x53: {  	v3 =	vld [tilespmem:$0x60];
	_ =	sdelay $0x4  }
0x54: {  	v62 =	vshll.u32 v3, $0x1  }
0x55: {  	v3 =	vand.u32 $0x7, v3;
	v4 =	vand.u32 $0xFFFFFFF0, v62  }
0x56: {  	v3 =	vor.u32 v3, v4  }
0x57: {  	v4 =	vperm.xlane v3, v0;
	_ =	sdelay $0x1  }
0x58: {  	v3 =	vperm.xlane v3, v2;
	v4 =	vadd.s32 v1, v4;
	_ =	sdelay $0x1  }
0x59: {  	v3 =	vadd.s32 v1, v3;
	_ =	sdelay $0x2  }
0x5a: {  	[tilespmem:s20], [sflag:$0x1] =	stream.indirect_vreg.gather [hbm4b:s2+s3], $0x80, v4, vm0, $0xb8;
	[tilespmem:$0x8080] =	vst v63  }
0x5b: {  	_ = 	snop  }
0x5c: {  	[tilespmem:s21], [sflag:$0x1] =	stream.indirect_vreg.gather [hbm4b:s2+s3], $0x80, v3, vm0, $0xb8;
	[tilespmem:$0x8080] =	vst v63  }
0x5d: {  	v3 =	vld [tilespmem:$0x70];
	_ =	sdelay $0x4  }
0x5e: {  	v63 =	vshll.u32 v3, $0x1  }
0x5f: {  	v3 =	vand.u32 $0x7, v3;
	v4 =	vand.u32 $0xFFFFFFF0, v63  }
0x60: {  	v3 =	vor.u32 v3, v4  }
0x61: {  	v4 =	vperm.xlane v3, v0;
	_ =	sdelay $0x1  }
0x62: {  	v3 =	vperm.xlane v3, v2;
	v4 =	vadd.s32 v1, v4;
	_ =	sdelay $0x1  }
0x63: {  	v3 =	vadd.s32 v1, v3;
	_ =	sdelay $0x2  }
0x64: {  	[tilespmem:s22], [sflag:$0x1] =	stream.indirect_vreg.gather [hbm4b:s2+s3], $0x80, v4, vm0, $0xb8;
	[tilespmem:$0x8080] =	vst v63  }
0x65: {  	_ = 	snop  }
0x66: {  	[tilespmem:s23], [sflag:$0x1] =	stream.indirect_vreg.gather [hbm4b:s2+s3], $0x80, v3, vm0, $0xb8;
	[tilespmem:$0x8080] =	vst v63  }
0x67: {  	_ =	swait.ge [sflag:s24], $0x8000  }
0x68: {  	p0 =	sne.s32 s28, $0x4F0;
	[sflag:s24] =	ssyncset.done $0x0  }
.Ltmp0:
0x69: {  	[sflag:s24] =	ssyncadd.s32 $0xFFFF8000;
	(pc) =	sbr.rel @p0 .LBB2_2-.Ltmp0, $4  }
0x6a: {  	[hbm4b:s26+s3] =	stream.linear.scatter [tilespmem:s8], [sflag:$0x2], $0x8000, $0x38;
	[tilespmem:$0x8080] =	vst v63  }
0x6b: {  	_ =	swait.ge [sflag:s7], $0x8000  }
0x6c: {  	[sflag:s7] =	ssyncset.done $0x0  }
0x6d: {  	s28 =	sadd.s32 $0x10, s28;
	s26 =	sadd.s32 $0x1000, s26;
	[sflag:s7] =	ssyncadd.s32 $0xFFFF8000  }
0x6e: {  	s25 =	sadd.s32 $0x1, s25  }
0x6f: {  	p0 =	sne.s32 s25, s4  }
.Ltmp1:
0x70: {  	_ = 	snop;
	(pc) =	sbr.rel @p0 .LBB2_1-.Ltmp1, $1  }
0x71: {  	_ =	sdelay $0x3  }
0x72: {  	_ =	sfence.sel $0x180000  }
0x73: {  	[bflag:$0x0] =	sbarrier.arrive $0xFFFF  }
0x74: {  	p0 =	sne.s32 s1, $0x0;
	_ =	strace $0x90000047  }
0x75: {  	s0 =	sadd.s32 @!p0 $0x100000, s0;
	[bflag:$0x2] =	sbarrier.arrive $0xFFFF  }
0x76: {  	[sflag:s0] =	ssyncadd.tile.s32 @!p0 $0x1;
	_ =	shalt  }
.Lfunc_end2:
_tile_overlayer_lowered:
.L_overlay_start_2:
0x77: {  	(tag) =	ssettag $0x2  }
0x78: {  	s0 =	rddreg [dreg:$0x0];
	s2 =	stileid.u32  }
0x79: {  	s1 =	rddreg [dreg:$0x1];
	p0 =	sne.s32 s2, $0x0  }
0x7a: {  	s3 =	rddreg [dreg:$0x2];
	[bflag:$0x3] =	sbarrier.arrive $0xFFFF;
	s2 =	simm.s32 @!p0 $0x1C02  }
0x7b: {  	[timem:s3], [sflag:s2] =	dma.local @!p0 [hbm:s0], s1  }
0x7c: {  	s0 =	simm.s32 @!p0 $0x2  }
0x7d: {  	_ =	swait.ge @!p0 [sflag:s0], s1  }
0x7e: {  	s1 =	ssub.s32 @!p0 $0x0, s1;
	[sflag:s0] =	ssyncset.done @!p0 $0x0  }
0x7f: {  	[sflag:s0] =	ssyncadd.s32 @!p0 s1  }
0x80: {  	[bflag:$0x3] =	sbarrier.arrive $0xFFFF  }
0x81: {  	_ =	shalt  }

</sc_bundles>
